<compile_context>
chip_gen: v7x
topology: tpu7x:2x2x1
jax: 0.10.2.dev20260603
libtpu: 0.0.44.dev20260713+nightly
codegen_flags: <defaults>
</compile_context>

<pallas_src>
import functools

import jax
import jax.numpy as jnp
from jax import lax
from jax.experimental import pallas as pl
from jax.experimental.pallas import tpu as pltpu
from jax.experimental.pallas import tpu_sc as plsc

N = 10000
E = 320000
F = 128
H = 16
NC, NS, L = 2, 16, 16
NW = NC * NS
CHUNK = 128
NBUF = 4
CPW = -(-E // (NW * CHUNK * NBUF)) * NBUF
EPAD = NW * CPW * CHUNK
NPAD = ((N + 1 + NS * 8 - 1) // (NS * 8)) * (NS * 8)
RPS = NPAD // NS

_mesh = plsc.VectorSubcoreMesh(core_axis_name="c", subcore_axis_name="s")
_sc_params = pltpu.CompilerParams(use_tc_tiling_on_sc=False)


def _rsqrt16(x):
    i = lax.bitcast_convert_type(x, jnp.int32)
    y = lax.bitcast_convert_type(jnp.int32(0x5F3759DF) - (i >> 1), jnp.float32)
    y = y * (1.5 - 0.5 * x * y * y)
    return y


def _sc_degree(dst_r):

    @functools.partial(
        pl.kernel,
        out_type=jax.ShapeDtypeStruct((NC, NPAD, L), jnp.float32),
        mesh=_mesh,
        compiler_params=_sc_params,
        scratch_types=[
            pltpu.VMEM((CPW, CHUNK), jnp.int32),
            pltpu.VMEM((CHUNK, L), jnp.float32),
            pltpu.VMEM((RPS, L), jnp.float32),
            pltpu.VMEM_SHARED((NPAD, L), jnp.float32),
            pltpu.SemaphoreType.DMA,
        ],
    )
    def k(dst_hbm, out_hbm, dst_v, ones_v, stage_v, acc_sh, sem):
        cid = lax.axis_index("c")
        sid = lax.axis_index("s")
        wid = sid * NC + cid
        sl = pl.ds(sid * RPS, RPS)

        @pl.loop(0, CHUNK)
        def _(i):
            ones_v[i, :] = jnp.ones((L,), jnp.float32)

        @pl.loop(0, RPS)
        def _(i):
            stage_v[i, :] = jnp.zeros((L,), jnp.float32)

        pltpu.sync_copy(stage_v, acc_sh.at[sl])
        plsc.subcore_barrier()

        pltpu.sync_copy(dst_hbm.at[wid], dst_v)

        @pl.loop(0, CPW)
        def _(j):
            pltpu.async_copy(ones_v, acc_sh.at[dst_v.at[j]], sem, add=True)

        @pl.loop(0, CPW)
        def _(j):
            pltpu.make_async_copy(ones_v, acc_sh.at[dst_v.at[j]], sem).wait()

        plsc.subcore_barrier()
        pltpu.sync_copy(acc_sh.at[sl], out_hbm.at[cid].at[sl])

    return k(dst_r)


def _sc_agg_body(src_v, dst_v, rows_v, g_sh, acc_sh, gsem, ssem):
    for b in range(NBUF):
        pltpu.async_copy(g_sh.at[src_v.at[b]], rows_v.at[b], gsem.at[b])

    @pl.loop(0, CPW - NBUF, step=NBUF)
    def _(j):
        for b in range(NBUF):
            pltpu.make_async_copy(
                g_sh.at[src_v.at[j + b]], rows_v.at[b], gsem.at[b]).wait()
            pltpu.async_copy(
                rows_v.at[b], acc_sh.at[dst_v.at[j + b]], ssem.at[b],
                add=True)
            pltpu.make_async_copy(
                rows_v.at[b], acc_sh.at[dst_v.at[j + b]], ssem.at[b]).wait()
            pltpu.async_copy(
                g_sh.at[src_v.at[j + NBUF + b]], rows_v.at[b], gsem.at[b])

    for b in range(NBUF):
        jb = CPW - NBUF + b
        pltpu.make_async_copy(
            g_sh.at[src_v.at[jb]], rows_v.at[b], gsem.at[b]).wait()
        pltpu.sync_copy(rows_v.at[b], acc_sh.at[dst_v.at[jb]], add=True)


def _sc_agg1(deg2, h1, src_r, dst_r):

    @functools.partial(
        pl.kernel,
        out_type=(jax.ShapeDtypeStruct((NC, NPAD, L), jnp.float32),
                  jax.ShapeDtypeStruct((NPAD, L), jnp.float32),
                  jax.ShapeDtypeStruct((NPAD, L), jnp.float32)),
        mesh=_mesh,
        compiler_params=_sc_params,
        scratch_types=[
            pltpu.VMEM((CPW, CHUNK), jnp.int32),
            pltpu.VMEM((CPW, CHUNK), jnp.int32),
            pltpu.VMEM((NBUF, CHUNK, L), jnp.float32),
            pltpu.VMEM((RPS, L), jnp.float32),
            pltpu.VMEM((RPS, L), jnp.float32),
            pltpu.VMEM((RPS, L), jnp.float32),
            pltpu.VMEM_SHARED((NPAD, L), jnp.float32),
            pltpu.VMEM_SHARED((NPAD, L), jnp.float32),
            pltpu.SemaphoreType.DMA((NBUF,)),
            pltpu.SemaphoreType.DMA((NBUF,)),
            pltpu.SemaphoreType.DMA,
        ],
    )
    def k(deg_hbm, h_hbm, src_hbm, dst_hbm, s_out, g_out, dinv_out,
          src_v, dst_v, rows_v, d0_v, d1_v, h_v, acc_sh, g_sh,
          gsem, ssem, osem):
        cid = lax.axis_index("c")
        sid = lax.axis_index("s")
        wid = sid * NC + cid
        sl = pl.ds(sid * RPS, RPS)

        pltpu.async_copy(src_hbm.at[wid], src_v, gsem.at[0])
        pltpu.async_copy(dst_hbm.at[wid], dst_v, gsem.at[1])
        pltpu.sync_copy(deg_hbm.at[0].at[sl], d0_v)
        pltpu.sync_copy(deg_hbm.at[1].at[sl], d1_v)
        pltpu.sync_copy(h_hbm.at[sl], h_v)

        @pl.loop(0, RPS, step=2)
        def _(i):
            for t in range(2):
                cnt = d0_v[i + t, :] + d1_v[i + t, :] + 1.0
                y = _rsqrt16(cnt)
                h_v[i + t, :] = h_v[i + t, :] * y
                d0_v[i + t, :] = y
                d1_v[i + t, :] = jnp.zeros((L,), jnp.float32)

        pltpu.sync_copy(h_v, g_sh.at[sl])
        pltpu.sync_copy(d1_v, acc_sh.at[sl])

        @pl.when(cid == 0)
        def _():
            pltpu.async_copy(h_v, g_out.at[sl], osem)
            pltpu.async_copy(d0_v, dinv_out.at[sl], osem)

        pltpu.make_async_copy(src_hbm.at[wid], src_v, gsem.at[0]).wait()
        pltpu.make_async_copy(dst_hbm.at[wid], dst_v, gsem.at[1]).wait()
        plsc.subcore_barrier()

        _sc_agg_body(src_v, dst_v, rows_v, g_sh, acc_sh, gsem, ssem)

        @pl.when(cid == 0)
        def _():
            pltpu.make_async_copy(h_v, g_out.at[sl], osem).wait()
            pltpu.make_async_copy(d0_v, dinv_out.at[sl], osem).wait()

        plsc.subcore_barrier()
        pltpu.sync_copy(acc_sh.at[sl], s_out.at[cid].at[sl])

    return k(deg2, h1, src_r, dst_r)


def _sc_agg2(S1, g1, dinv16, b1, src_r, dst_r):

    @functools.partial(
        pl.kernel,
        out_type=(jax.ShapeDtypeStruct((NC, NPAD, L), jnp.float32),
                  jax.ShapeDtypeStruct((NPAD, L), jnp.float32)),
        mesh=_mesh,
        compiler_params=_sc_params,
        scratch_types=[
            pltpu.VMEM((CPW, CHUNK), jnp.int32),
            pltpu.VMEM((CPW, CHUNK), jnp.int32),
            pltpu.VMEM((NBUF, CHUNK, L), jnp.float32),
            pltpu.VMEM((RPS, L), jnp.float32),
            pltpu.VMEM((RPS, L), jnp.float32),
            pltpu.VMEM((RPS, L), jnp.float32),
            pltpu.VMEM((RPS, L), jnp.float32),
            pltpu.VMEM((1, L), jnp.float32),
            pltpu.VMEM_SHARED((NPAD, L), jnp.float32),
            pltpu.VMEM_SHARED((NPAD, L), jnp.float32),
            pltpu.SemaphoreType.DMA((NBUF,)),
            pltpu.SemaphoreType.DMA((NBUF,)),
            pltpu.SemaphoreType.DMA,
        ],
    )
    def k(s1_hbm, g1_hbm, dinv_hbm, b1_hbm, src_hbm, dst_hbm,
          u_part_out, u_out,
          src_v, dst_v, rows_v, s0_v, s1_v, g_v, di_v, b_v, acc_sh, g_sh,
          gsem, ssem, osem):
        cid = lax.axis_index("c")
        sid = lax.axis_index("s")
        wid = sid * NC + cid
        sl = pl.ds(sid * RPS, RPS)

        pltpu.async_copy(src_hbm.at[wid], src_v, gsem.at[0])
        pltpu.async_copy(dst_hbm.at[wid], dst_v, gsem.at[1])
        pltpu.sync_copy(s1_hbm.at[0].at[sl], s0_v)
        pltpu.sync_copy(s1_hbm.at[1].at[sl], s1_v)
        pltpu.sync_copy(g1_hbm.at[sl], g_v)
        pltpu.sync_copy(dinv_hbm.at[sl], di_v)
        pltpu.sync_copy(b1_hbm, b_v)

        @pl.loop(0, RPS, step=2)
        def _(i):
            for t in range(2):
                s = s0_v[i + t, :] + s1_v[i + t, :] + g_v[i + t, :]
                o = jnp.maximum(di_v[i + t, :] * s + b_v[0, :], 0.0)
                g_v[i + t, :] = di_v[i + t, :] * o
                s0_v[i + t, :] = jnp.zeros((L,), jnp.float32)

        pltpu.sync_copy(g_v, g_sh.at[sl])
        pltpu.sync_copy(s0_v, acc_sh.at[sl])

        @pl.when(cid == 0)
        def _():
            pltpu.async_copy(g_v, u_out.at[sl], osem)

        pltpu.make_async_copy(src_hbm.at[wid], src_v, gsem.at[0]).wait()
        pltpu.make_async_copy(dst_hbm.at[wid], dst_v, gsem.at[1]).wait()
        plsc.subcore_barrier()

        _sc_agg_body(src_v, dst_v, rows_v, g_sh, acc_sh, gsem, ssem)

        @pl.when(cid == 0)
        def _():
            pltpu.make_async_copy(g_v, u_out.at[sl], osem).wait()

        plsc.subcore_barrier()
        pltpu.sync_copy(acc_sh.at[sl], u_part_out.at[cid].at[sl])

    return k(S1, g1, dinv16, b1, src_r, dst_r)


def _tc_matmul1(x, W1):
    def body(x_ref, w_ref, o_ref):
        o_ref[...] = jnp.dot(x_ref[...], w_ref[...],
                             preferred_element_type=jnp.float32)

    return pl.pallas_call(
        body, out_shape=jax.ShapeDtypeStruct((NPAD, H), jnp.float32))(x, W1)


def _tc_final(U, u, dinv16, W2, b2):

    def body(up_ref, u_ref, dinv_ref, w_ref, b_ref, o_ref):
        t = up_ref[0, :N, :] + up_ref[1, :N, :] + u_ref[:N, :]
        h2 = jnp.dot(t, w_ref[...], preferred_element_type=jnp.float32)
        o = dinv_ref[:N, 0:1] * h2 + b_ref[...]
        m = jnp.max(o, axis=1, keepdims=True)
        e = jnp.exp(o - m)
        lse = jnp.log(jnp.sum(e, axis=1, keepdims=True)) + m
        o_ref[...] = o - lse

    return pl.pallas_call(
        body, out_shape=jax.ShapeDtypeStruct((N, H), jnp.float32)
    )(U, u, dinv16, W2, b2)


def kernel(x, edge_index, W1, b1, W2, b2):
    x_pad = jnp.pad(x, ((0, NPAD - N), (0, 0)))
    ei = edge_index.astype(jnp.int32)
    pad = EPAD - E
    src = jnp.concatenate([ei[0], jnp.zeros((pad,), jnp.int32)])
    dst = jnp.concatenate([ei[1], jnp.full((pad,), N, jnp.int32)])
    src_r = src.reshape(NW, CPW, CHUNK)
    dst_r = dst.reshape(NW, CPW, CHUNK)
    b1r = b1.reshape(1, H)
    b2r = b2.reshape(1, H)

    deg2 = _sc_degree(dst_r)
    h1 = _tc_matmul1(x_pad, W1)
    S1, g1, dinv16 = _sc_agg1(deg2, h1, src_r, dst_r)
    U, u = _sc_agg2(S1, g1, dinv16, b1r, src_r, dst_r)
    return _tc_final(U, u, dinv16, W2, b2r)

# --- scband reference (transcript-rebuilt; emitter-appended) ---
"""Pipeline reference for scband-gcn-30485677867455 (READ-ONLY COPY).

The authoritative reference and input builder live on the scoring server;
editing this copy changes nothing except your own understanding.
"""

import jax, jax.numpy as jnp
import numpy as np

N_NODES = 10000
N_EDGES = 320000
D_FEAT = 128
D_HID = 16
D_OUT = 16


def setup_inputs(seed: int = 0) -> dict:
    key = jax.random.key(seed)
    k1, k2, k3, k4 = jax.random.split(key, 4)
    x = jax.random.normal(k1, (N_NODES, D_FEAT), dtype=jnp.float32)
    edge_index = jax.random.randint(k2, (2, N_EDGES), 0, N_NODES, dtype=jnp.int64)
    W1 = jax.random.normal(k3, (D_FEAT, D_HID), dtype=jnp.float32) * (1.0 / np.sqrt(D_FEAT))
    b1 = jnp.zeros((D_HID,), dtype=jnp.float32)
    W2 = jax.random.normal(k4, (D_HID, D_OUT), dtype=jnp.float32) * (1.0 / np.sqrt(D_HID))
    b2 = jnp.zeros((D_OUT,), dtype=jnp.float32)
    return {"x": x, "edge_index": edge_index, "W1": W1, "b1": b1, "W2": W2, "b2": b2}


def _gcn_conv(x, src, dst, W, b, n):
    # x' = D^{-1/2} (A + I) D^{-1/2} X W + b  (GCNConv with self-loops)
    h = x @ W
    deg = jnp.zeros((n,), dtype=x.dtype).at[dst].add(1.0)
    dinv = jax.lax.rsqrt(jnp.maximum(deg, 1.0))
    norm = dinv[src] * dinv[dst]
    msg = h[src] * norm[:, None]
    out = jnp.zeros((n, W.shape[1]), dtype=x.dtype).at[dst].add(msg)
    return out + b


def reference(x, edge_index, W1, b1, W2, b2):
    n = x.shape[0]
    loop = jnp.arange(n, dtype=edge_index.dtype)
    src = jnp.concatenate([edge_index[0], loop])
    dst = jnp.concatenate([edge_index[1], loop])
    h = _gcn_conv(x, src, dst, W1, b1, n)
    h = jax.nn.relu(h)
    out = _gcn_conv(h, src, dst, W2, b2, n)
    return jax.nn.log_softmax(out, axis=1)

if __name__ == "__main__":
    import jax
    _d = setup_inputs()
    print(jax.jit(kernel)(*tuple(_d.values())))

</pallas_src>

<mosaic_0001>
#map = affine_map<(d0, d1) -> (0, 0, 0)>
#map1 = affine_map<(d0, d1) -> (0, 0)>
module attributes {stable_mosaic.version = 14 : i64} {
  func.func @k(%arg0: i32, %arg1: i32, %arg2: memref<2x10112x16xf32, #tpu.memory_space<hbm>>, %arg3: memref<10112x16xf32, #tpu.memory_space<hbm>>, %arg4: memref<10112x16xf32, #tpu.memory_space<hbm>>, %arg5: memref<1x16xf32, #tpu.memory_space<hbm>>, %arg6: memref<32x80x128xi32, #tpu.memory_space<hbm>>, %arg7: memref<32x80x128xi32, #tpu.memory_space<hbm>>, %arg8: memref<2x10112x16xf32, #tpu.memory_space<hbm>>, %arg9: memref<10112x16xf32, #tpu.memory_space<hbm>>, %arg10: memref<80x128xi32, #tpu.memory_space<vmem>>, %arg11: memref<80x128xi32, #tpu.memory_space<vmem>>, %arg12: memref<4x128x16xf32, #tpu.memory_space<vmem>>, %arg13: memref<632x16xf32, #tpu.memory_space<vmem>>, %arg14: memref<632x16xf32, #tpu.memory_space<vmem>>, %arg15: memref<632x16xf32, #tpu.memory_space<vmem>>, %arg16: memref<632x16xf32, #tpu.memory_space<vmem>>, %arg17: memref<1x16xf32, #tpu.memory_space<vmem>>, %arg18: memref<10112x16xf32, #tpu.memory_space<vmem_shared>>, %arg19: memref<10112x16xf32, #tpu.memory_space<vmem_shared>>, %arg20: memref<4x!tpu.dma_semaphore, #tpu.memory_space<semaphore_mem>>, %arg21: memref<4x!tpu.dma_semaphore, #tpu.memory_space<semaphore_mem>>, %arg22: memref<!tpu.dma_semaphore, #tpu.memory_space<semaphore_mem>>) attributes {dimension_semantics = [#tpu.dimension_semantics<core_parallel>, #tpu.dimension_semantics<subcore_parallel>], iteration_bounds = array<i64: 2, 16>, scalar_prefetch = 0 : i64, scratch_operands = 13 : i64, tpu.core_type = #tpu.core_type<sc_vector_subcore>, window_params = [{transform_indices = #map}, {transform_indices = #map1}, {transform_indices = #map1}, {transform_indices = #map1}, {transform_indices = #map}, {transform_indices = #map}, {transform_indices = #map}, {transform_indices = #map1}]} {
    %mul3A = arith.constant 2 : i32
    %mul3A_0 = arith.muli %arg1, %mul3A : i32
    %add3A = arith.addi %mul3A_0, %arg0 : i32
    %mul3A_1 = arith.constant 632 : i32
    %mul3A_2 = arith.muli %arg1, %mul3A_1 : i32
    %dma_start3A = arith.constant 0 : i32
    %dma_start3A_3 = arith.constant 0 : i32
    %dma_start3A_4 = arith.constant 0 : i32
    %dma_start3A_5 = tpu.memref_slice %arg6[%add3A, %dma_start3A_3, %dma_start3A_4] : memref<32x80x128xi32, #tpu.memory_space<hbm>> -> memref<1x80x128xi32, #tpu.memory_space<hbm>>
    %dma_start3A_6 = tpu.memref_squeeze %dma_start3A_5 : memref<1x80x128xi32, #tpu.memory_space<hbm>> -> memref<80x128xi32, #tpu.memory_space<hbm>>
    %dma_start3A_7 = tpu.memref_slice %arg20[%dma_start3A] : memref<4x!tpu.dma_semaphore, #tpu.memory_space<semaphore_mem>> -> memref<1x!tpu.dma_semaphore, #tpu.memory_space<semaphore_mem>>
    %dma_start3A_8 = tpu.memref_squeeze %dma_start3A_7 : memref<1x!tpu.dma_semaphore, #tpu.memory_space<semaphore_mem>> -> memref<!tpu.dma_semaphore, #tpu.memory_space<semaphore_mem>>
    %dma_start3A_9 = arith.constant 0 : i32
    %dma_start3A_10 = arith.constant 0 : i32
    %dma_start3A_11 = tpu.memref_slice %arg6[%add3A, %dma_start3A_9, %dma_start3A_10] : memref<32x80x128xi32, #tpu.memory_space<hbm>> -> memref<1x80x128xi32, #tpu.memory_space<hbm>>
    %dma_start3A_12 = tpu.memref_squeeze %dma_start3A_11 : memref<1x80x128xi32, #tpu.memory_space<hbm>> -> memref<80x128xi32, #tpu.memory_space<hbm>>
    tpu.enqueue_dma source(%dma_start3A_12 : memref<80x128xi32, #tpu.memory_space<hbm>>) target(%arg10 : memref<80x128xi32, #tpu.memory_space<vmem>>) target_semaphore(%dma_start3A_8 : memref<!tpu.dma_semaphore, #tpu.memory_space<semaphore_mem>>)
    %dma_start3A_13 = arith.constant 1 : i32
    %dma_start3A_14 = arith.constant 0 : i32
    %dma_start3A_15 = arith.constant 0 : i32
    %dma_start3A_16 = tpu.memref_slice %arg7[%add3A, %dma_start3A_14, %dma_start3A_15] : memref<32x80x128xi32, #tpu.memory_space<hbm>> -> memref<1x80x128xi32, #tpu.memory_space<hbm>>
    %dma_start3A_17 = tpu.memref_squeeze %dma_start3A_16 : memref<1x80x128xi32, #tpu.memory_space<hbm>> -> memref<80x128xi32, #tpu.memory_space<hbm>>
    %dma_start3A_18 = tpu.memref_slice %arg20[%dma_start3A_13] : memref<4x!tpu.dma_semaphore, #tpu.memory_space<semaphore_mem>> -> memref<1x!tpu.dma_semaphore, #tpu.memory_space<semaphore_mem>>
    %dma_start3A_19 = tpu.memref_squeeze %dma_start3A_18 : memref<1x!tpu.dma_semaphore, #tpu.memory_space<semaphore_mem>> -> memref<!tpu.dma_semaphore, #tpu.memory_space<semaphore_mem>>
    %dma_start3A_20 = arith.constant 0 : i32
    %dma_start3A_21 = arith.constant 0 : i32
    %dma_start3A_22 = tpu.memref_slice %arg7[%add3A, %dma_start3A_20, %dma_start3A_21] : memref<32x80x128xi32, #tpu.memory_space<hbm>> -> memref<1x80x128xi32, #tpu.memory_space<hbm>>
    %dma_start3A_23 = tpu.memref_squeeze %dma_start3A_22 : memref<1x80x128xi32, #tpu.memory_space<hbm>> -> memref<80x128xi32, #tpu.memory_space<hbm>>
    tpu.enqueue_dma source(%dma_start3A_23 : memref<80x128xi32, #tpu.memory_space<hbm>>) target(%arg11 : memref<80x128xi32, #tpu.memory_space<vmem>>) target_semaphore(%dma_start3A_19 : memref<!tpu.dma_semaphore, #tpu.memory_space<semaphore_mem>>)
    %run_scoped3A = arith.constant 0 : i32
    "tpu.region"() ({
      %run_scoped3A_191 = tpu.sem_alloc : memref<!tpu.dma_semaphore, #tpu.memory_space<semaphore_mem>>
      %dma_start3A_192 = arith.constant 0 : i32
      %dma_start3A_193 = arith.constant 0 : i32
      %dma_start3A_194 = tpu.memref_slice %arg2[%run_scoped3A, %dma_start3A_192, %dma_start3A_193] : memref<2x10112x16xf32, #tpu.memory_space<hbm>> -> memref<1x10112x16xf32, #tpu.memory_space<hbm>>
      %dma_start3A_195 = tpu.memref_squeeze %dma_start3A_194 : memref<1x10112x16xf32, #tpu.memory_space<hbm>> -> memref<10112x16xf32, #tpu.memory_space<hbm>>
      %dma_start3A_196 = arith.constant 0 : i32
      %dma_start3A_197 = tpu.memref_slice %dma_start3A_195[%mul3A_2, %dma_start3A_196] : memref<10112x16xf32, #tpu.memory_space<hbm>> -> memref<632x16xf32, #tpu.memory_space<hbm>>
      %dma_start3A_198 = arith.constant 0 : i32
      %dma_start3A_199 = arith.constant 0 : i32
      %dma_start3A_200 = tpu.memref_slice %arg2[%run_scoped3A, %dma_start3A_198, %dma_start3A_199] : memref<2x10112x16xf32, #tpu.memory_space<hbm>> -> memref<1x10112x16xf32, #tpu.memory_space<hbm>>
      %dma_start3A_201 = tpu.memref_squeeze %dma_start3A_200 : memref<1x10112x16xf32, #tpu.memory_space<hbm>> -> memref<10112x16xf32, #tpu.memory_space<hbm>>
      %dma_start3A_202 = arith.constant 0 : i32
      %dma_start3A_203 = tpu.memref_slice %dma_start3A_201[%mul3A_2, %dma_start3A_202] : memref<10112x16xf32, #tpu.memory_space<hbm>> -> memref<632x16xf32, #tpu.memory_space<hbm>>
      tpu.enqueue_dma source(%dma_start3A_203 : memref<632x16xf32, #tpu.memory_space<hbm>>) target(%arg13 : memref<632x16xf32, #tpu.memory_space<vmem>>) target_semaphore(%run_scoped3A_191 : memref<!tpu.dma_semaphore, #tpu.memory_space<semaphore_mem>>)
      %dma_wait3A_204 = arith.constant 0 : i32
      %dma_wait3A_205 = arith.constant 0 : i32
      %dma_wait3A_206 = tpu.memref_slice %arg2[%run_scoped3A, %dma_wait3A_204, %dma_wait3A_205] : memref<2x10112x16xf32, #tpu.memory_space<hbm>> -> memref<1x10112x16xf32, #tpu.memory_space<hbm>>
      %dma_wait3A_207 = tpu.memref_squeeze %dma_wait3A_206 : memref<1x10112x16xf32, #tpu.memory_space<hbm>> -> memref<10112x16xf32, #tpu.memory_space<hbm>>
      %dma_wait3A_208 = arith.constant 0 : i32
      %dma_wait3A_209 = tpu.memref_slice %dma_wait3A_207[%mul3A_2, %dma_wait3A_208] : memref<10112x16xf32, #tpu.memory_space<hbm>> -> memref<632x16xf32, #tpu.memory_space<hbm>>
      %dma_wait3A_210 = arith.constant 0 : i32
      %dma_wait3A_211 = arith.constant 0 : i32
      %dma_wait3A_212 = tpu.memref_slice %arg2[%run_scoped3A, %dma_wait3A_210, %dma_wait3A_211] : memref<2x10112x16xf32, #tpu.memory_space<hbm>> -> memref<1x10112x16xf32, #tpu.memory_space<hbm>>
      %dma_wait3A_213 = tpu.memref_squeeze %dma_wait3A_212 : memref<1x10112x16xf32, #tpu.memory_space<hbm>> -> memref<10112x16xf32, #tpu.memory_space<hbm>>
      %dma_wait3A_214 = arith.constant 0 : i32
      %dma_wait3A_215 = tpu.memref_slice %dma_wait3A_213[%mul3A_2, %dma_wait3A_214] : memref<10112x16xf32, #tpu.memory_space<hbm>> -> memref<632x16xf32, #tpu.memory_space<hbm>>
      tpu.wait_dma2 semaphore(%run_scoped3A_191 : memref<!tpu.dma_semaphore, #tpu.memory_space<semaphore_mem>>) src(%dma_wait3A_215 : memref<632x16xf32, #tpu.memory_space<hbm>>) dst(%arg13 : memref<632x16xf32, #tpu.memory_space<vmem>>)
      tpu.yield
    }) : () -> ()
    %run_scoped3A_24 = arith.constant 1 : i32
    "tpu.region"() ({
      %run_scoped3A_191 = tpu.sem_alloc : memref<!tpu.dma_semaphore, #tpu.memory_space<semaphore_mem>>
      %dma_start3A_192 = arith.constant 0 : i32
      %dma_start3A_193 = arith.constant 0 : i32
      %dma_start3A_194 = tpu.memref_slice %arg2[%run_scoped3A_24, %dma_start3A_192, %dma_start3A_193] : memref<2x10112x16xf32, #tpu.memory_space<hbm>> -> memref<1x10112x16xf32, #tpu.memory_space<hbm>>
      %dma_start3A_195 = tpu.memref_squeeze %dma_start3A_194 : memref<1x10112x16xf32, #tpu.memory_space<hbm>> -> memref<10112x16xf32, #tpu.memory_space<hbm>>
      %dma_start3A_196 = arith.constant 0 : i32
      %dma_start3A_197 = tpu.memref_slice %dma_start3A_195[%mul3A_2, %dma_start3A_196] : memref<10112x16xf32, #tpu.memory_space<hbm>> -> memref<632x16xf32, #tpu.memory_space<hbm>>
      %dma_start3A_198 = arith.constant 0 : i32
      %dma_start3A_199 = arith.constant 0 : i32
      %dma_start3A_200 = tpu.memref_slice %arg2[%run_scoped3A_24, %dma_start3A_198, %dma_start3A_199] : memref<2x10112x16xf32, #tpu.memory_space<hbm>> -> memref<1x10112x16xf32, #tpu.memory_space<hbm>>
      %dma_start3A_201 = tpu.memref_squeeze %dma_start3A_200 : memref<1x10112x16xf32, #tpu.memory_space<hbm>> -> memref<10112x16xf32, #tpu.memory_space<hbm>>
      %dma_start3A_202 = arith.constant 0 : i32
      %dma_start3A_203 = tpu.memref_slice %dma_start3A_201[%mul3A_2, %dma_start3A_202] : memref<10112x16xf32, #tpu.memory_space<hbm>> -> memref<632x16xf32, #tpu.memory_space<hbm>>
      tpu.enqueue_dma source(%dma_start3A_203 : memref<632x16xf32, #tpu.memory_space<hbm>>) target(%arg14 : memref<632x16xf32, #tpu.memory_space<vmem>>) target_semaphore(%run_scoped3A_191 : memref<!tpu.dma_semaphore, #tpu.memory_space<semaphore_mem>>)
      %dma_wait3A_204 = arith.constant 0 : i32
      %dma_wait3A_205 = arith.constant 0 : i32
      %dma_wait3A_206 = tpu.memref_slice %arg2[%run_scoped3A_24, %dma_wait3A_204, %dma_wait3A_205] : memref<2x10112x16xf32, #tpu.memory_space<hbm>> -> memref<1x10112x16xf32, #tpu.memory_space<hbm>>
      %dma_wait3A_207 = tpu.memref_squeeze %dma_wait3A_206 : memref<1x10112x16xf32, #tpu.memory_space<hbm>> -> memref<10112x16xf32, #tpu.memory_space<hbm>>
      %dma_wait3A_208 = arith.constant 0 : i32
      %dma_wait3A_209 = tpu.memref_slice %dma_wait3A_207[%mul3A_2, %dma_wait3A_208] : memref<10112x16xf32, #tpu.memory_space<hbm>> -> memref<632x16xf32, #tpu.memory_space<hbm>>
      %dma_wait3A_210 = arith.constant 0 : i32
      %dma_wait3A_211 = arith.constant 0 : i32
      %dma_wait3A_212 = tpu.memref_slice %arg2[%run_scoped3A_24, %dma_wait3A_210, %dma_wait3A_211] : memref<2x10112x16xf32, #tpu.memory_space<hbm>> -> memref<1x10112x16xf32, #tpu.memory_space<hbm>>
      %dma_wait3A_213 = tpu.memref_squeeze %dma_wait3A_212 : memref<1x10112x16xf32, #tpu.memory_space<hbm>> -> memref<10112x16xf32, #tpu.memory_space<hbm>>
      %dma_wait3A_214 = arith.constant 0 : i32
      %dma_wait3A_215 = tpu.memref_slice %dma_wait3A_213[%mul3A_2, %dma_wait3A_214] : memref<10112x16xf32, #tpu.memory_space<hbm>> -> memref<632x16xf32, #tpu.memory_space<hbm>>
      tpu.wait_dma2 semaphore(%run_scoped3A_191 : memref<!tpu.dma_semaphore, #tpu.memory_space<semaphore_mem>>) src(%dma_wait3A_215 : memref<632x16xf32, #tpu.memory_space<hbm>>) dst(%arg14 : memref<632x16xf32, #tpu.memory_space<vmem>>)
      tpu.yield
    }) : () -> ()
    "tpu.region"() ({
      %run_scoped3A_191 = tpu.sem_alloc : memref<!tpu.dma_semaphore, #tpu.memory_space<semaphore_mem>>
      %dma_start3A_192 = arith.constant 0 : i32
      %dma_start3A_193 = tpu.memref_slice %arg3[%mul3A_2, %dma_start3A_192] : memref<10112x16xf32, #tpu.memory_space<hbm>> -> memref<632x16xf32, #tpu.memory_space<hbm>>
      %dma_start3A_194 = arith.constant 0 : i32
      %dma_start3A_195 = tpu.memref_slice %arg3[%mul3A_2, %dma_start3A_194] : memref<10112x16xf32, #tpu.memory_space<hbm>> -> memref<632x16xf32, #tpu.memory_space<hbm>>
      tpu.enqueue_dma source(%dma_start3A_195 : memref<632x16xf32, #tpu.memory_space<hbm>>) target(%arg15 : memref<632x16xf32, #tpu.memory_space<vmem>>) target_semaphore(%run_scoped3A_191 : memref<!tpu.dma_semaphore, #tpu.memory_space<semaphore_mem>>)
      %dma_wait3A_196 = arith.constant 0 : i32
      %dma_wait3A_197 = tpu.memref_slice %arg3[%mul3A_2, %dma_wait3A_196] : memref<10112x16xf32, #tpu.memory_space<hbm>> -> memref<632x16xf32, #tpu.memory_space<hbm>>
      %dma_wait3A_198 = arith.constant 0 : i32
      %dma_wait3A_199 = tpu.memref_slice %arg3[%mul3A_2, %dma_wait3A_198] : memref<10112x16xf32, #tpu.memory_space<hbm>> -> memref<632x16xf32, #tpu.memory_space<hbm>>
      tpu.wait_dma2 semaphore(%run_scoped3A_191 : memref<!tpu.dma_semaphore, #tpu.memory_space<semaphore_mem>>) src(%dma_wait3A_199 : memref<632x16xf32, #tpu.memory_space<hbm>>) dst(%arg15 : memref<632x16xf32, #tpu.memory_space<vmem>>)
      tpu.yield
    }) : () -> ()
    "tpu.region"() ({
      %run_scoped3A_191 = tpu.sem_alloc : memref<!tpu.dma_semaphore, #tpu.memory_space<semaphore_mem>>
      %dma_start3A_192 = arith.constant 0 : i32
      %dma_start3A_193 = tpu.memref_slice %arg4[%mul3A_2, %dma_start3A_192] : memref<10112x16xf32, #tpu.memory_space<hbm>> -> memref<632x16xf32, #tpu.memory_space<hbm>>
      %dma_start3A_194 = arith.constant 0 : i32
      %dma_start3A_195 = tpu.memref_slice %arg4[%mul3A_2, %dma_start3A_194] : memref<10112x16xf32, #tpu.memory_space<hbm>> -> memref<632x16xf32, #tpu.memory_space<hbm>>
      tpu.enqueue_dma source(%dma_start3A_195 : memref<632x16xf32, #tpu.memory_space<hbm>>) target(%arg16 : memref<632x16xf32, #tpu.memory_space<vmem>>) target_semaphore(%run_scoped3A_191 : memref<!tpu.dma_semaphore, #tpu.memory_space<semaphore_mem>>)
      %dma_wait3A_196 = arith.constant 0 : i32
      %dma_wait3A_197 = tpu.memref_slice %arg4[%mul3A_2, %dma_wait3A_196] : memref<10112x16xf32, #tpu.memory_space<hbm>> -> memref<632x16xf32, #tpu.memory_space<hbm>>
      %dma_wait3A_198 = arith.constant 0 : i32
      %dma_wait3A_199 = tpu.memref_slice %arg4[%mul3A_2, %dma_wait3A_198] : memref<10112x16xf32, #tpu.memory_space<hbm>> -> memref<632x16xf32, #tpu.memory_space<hbm>>
      tpu.wait_dma2 semaphore(%run_scoped3A_191 : memref<!tpu.dma_semaphore, #tpu.memory_space<semaphore_mem>>) src(%dma_wait3A_199 : memref<632x16xf32, #tpu.memory_space<hbm>>) dst(%arg16 : memref<632x16xf32, #tpu.memory_space<vmem>>)
      tpu.yield
    }) : () -> ()
    "tpu.region"() ({
      %run_scoped3A_191 = tpu.sem_alloc : memref<!tpu.dma_semaphore, #tpu.memory_space<semaphore_mem>>
      tpu.enqueue_dma source(%arg5 : memref<1x16xf32, #tpu.memory_space<hbm>>) target(%arg17 : memref<1x16xf32, #tpu.memory_space<vmem>>) target_semaphore(%run_scoped3A_191 : memref<!tpu.dma_semaphore, #tpu.memory_space<semaphore_mem>>)
      tpu.wait_dma2 semaphore(%run_scoped3A_191 : memref<!tpu.dma_semaphore, #tpu.memory_space<semaphore_mem>>) src(%arg5 : memref<1x16xf32, #tpu.memory_space<hbm>>) dst(%arg17 : memref<1x16xf32, #tpu.memory_space<vmem>>)
      tpu.yield
    }) : () -> ()
    %scan3A = arith.constant 0 : i32
    %scan3A_25 = arith.constant 316 : i32
    %scan3A_26 = arith.addi %scan3A, %scan3A_25 : i32
    %scan3A_27 = arith.constant 1 : i32
    scf.for %scan3A_191 = %scan3A to %scan3A_26 step %scan3A_27  : i32 {
      %mul3A_192 = arith.constant 2 : i32
      %mul3A_193 = arith.muli %scan3A_191, %mul3A_192 : i32
      %add3A_194 = arith.constant 0 : i32
      %add3A_195 = arith.addi %add3A_194, %mul3A_193 : i32
      %add3A_196 = arith.constant 0 : i32
      %add3A_197 = arith.addi %add3A_195, %add3A_196 : i32
      %get3A = arith.index_cast %add3A_197 : i32 to index
      %get3A_198 = arith.constant 0 : index
      %get3A_199 = tpu.vector_load %arg13[%get3A, %get3A_198] {strides = array<i32>} : memref<632x16xf32, #tpu.memory_space<vmem>>, vector<1x16xf32>,
      %get3A_200 = vector.shape_cast %get3A_199 : vector<1x16xf32> to vector<16xf32>
      %add3A_201 = arith.constant 0 : i32
      %add3A_202 = arith.addi %add3A_195, %add3A_201 : i32
      %get3A_203 = arith.index_cast %add3A_202 : i32 to index
      %get3A_204 = arith.constant 0 : index
      %get3A_205 = tpu.vector_load %arg14[%get3A_203, %get3A_204] {strides = array<i32>} : memref<632x16xf32, #tpu.memory_space<vmem>>, vector<1x16xf32>,
      %get3A_206 = vector.shape_cast %get3A_205 : vector<1x16xf32> to vector<16xf32>
      %add3A_207 = arith.addf %get3A_200, %get3A_206 : vector<16xf32>
      %add3A_208 = arith.constant 0 : i32
      %add3A_209 = arith.addi %add3A_195, %add3A_208 : i32
      %get3A_210 = arith.index_cast %add3A_209 : i32 to index
      %get3A_211 = arith.constant 0 : index
      %get3A_212 = tpu.vector_load %arg15[%get3A_210, %get3A_211] {strides = array<i32>} : memref<632x16xf32, #tpu.memory_space<vmem>>, vector<1x16xf32>,
      %get3A_213 = vector.shape_cast %get3A_212 : vector<1x16xf32> to vector<16xf32>
      %add3A_214 = arith.addf %add3A_207, %get3A_213 : vector<16xf32>
      %add3A_215 = arith.constant 0 : i32
      %add3A_216 = arith.addi %add3A_195, %add3A_215 : i32
      %get3A_217 = arith.index_cast %add3A_216 : i32 to index
      %get3A_218 = arith.constant 0 : index
      %get3A_219 = tpu.vector_load %arg16[%get3A_217, %get3A_218] {strides = array<i32>} : memref<632x16xf32, #tpu.memory_space<vmem>>, vector<1x16xf32>,
      %get3A_220 = vector.shape_cast %get3A_219 : vector<1x16xf32> to vector<16xf32>
      %mul3A_221 = arith.mulf %get3A_220, %add3A_214 : vector<16xf32>
      %get3A_222 = arith.constant 0 : i32
      %get3A_223 = arith.index_cast %get3A_222 : i32 to index
      %get3A_224 = arith.constant 0 : index
      %get3A_225 = tpu.vector_load %arg17[%get3A_223, %get3A_224] {strides = array<i32>} : memref<1x16xf32, #tpu.memory_space<vmem>>, vector<1x16xf32>,
      %get3A_226 = vector.shape_cast %get3A_225 : vector<1x16xf32> to vector<16xf32>
      %add3A_227 = arith.addf %mul3A_221, %get3A_226 : vector<16xf32>
      %max3A = arith.constant 0.000000e+00 : f32
      %max3A_228 = vector.broadcast %max3A : f32 to vector<16xf32>
      %max3A_229 = arith.maximumf %add3A_227, %max3A_228 : vector<16xf32>
      %add3A_230 = arith.constant 0 : i32
      %add3A_231 = arith.addi %add3A_195, %add3A_230 : i32
      %get3A_232 = arith.index_cast %add3A_231 : i32 to index
      %get3A_233 = arith.constant 0 : index
      %get3A_234 = tpu.vector_load %arg16[%get3A_232, %get3A_233] {strides = array<i32>} : memref<632x16xf32, #tpu.memory_space<vmem>>, vector<1x16xf32>,
      %get3A_235 = vector.shape_cast %get3A_234 : vector<1x16xf32> to vector<16xf32>
      %mul3A_236 = arith.mulf %get3A_235, %max3A_229 : vector<16xf32>
      %add3A_237 = arith.constant 0 : i32
      %add3A_238 = arith.addi %add3A_195, %add3A_237 : i32
      %swap3A = arith.index_cast %add3A_238 : i32 to index
      %swap3A_239 = arith.constant 0 : index
      %swap3A_240 = tpu.vector_load %arg15[%swap3A, %swap3A_239] {strides = array<i32>} : memref<632x16xf32, #tpu.memory_space<vmem>>, vector<1x16xf32>,
      %swap3A_241 = vector.shape_cast %swap3A_240 : vector<1x16xf32> to vector<16xf32>
      %swap3A_242 = vector.shape_cast %mul3A_236 : vector<16xf32> to vector<1x16xf32>
      tpu.vector_store %arg15[%swap3A, %swap3A_239], %swap3A_242 {strides = array<i32>} : memref<632x16xf32, #tpu.memory_space<vmem>>, vector<1x16xf32>,
      %broadcast_in_dim3A = arith.constant 0.000000e+00 : f32
      %broadcast_in_dim3A_243 = vector.broadcast %broadcast_in_dim3A : f32 to vector<16xf32>
      %add3A_244 = arith.constant 0 : i32
      %add3A_245 = arith.addi %add3A_195, %add3A_244 : i32
      %swap3A_246 = arith.index_cast %add3A_245 : i32 to index
      %swap3A_247 = arith.constant 0 : index
      %swap3A_248 = tpu.vector_load %arg13[%swap3A_246, %swap3A_247] {strides = array<i32>} : memref<632x16xf32, #tpu.memory_space<vmem>>, vector<1x16xf32>,
      %swap3A_249 = vector.shape_cast %swap3A_248 : vector<1x16xf32> to vector<16xf32>
      %swap3A_250 = vector.shape_cast %broadcast_in_dim3A_243 : vector<16xf32> to vector<1x16xf32>
      tpu.vector_store %arg13[%swap3A_246, %swap3A_247], %swap3A_250 {strides = array<i32>} : memref<632x16xf32, #tpu.memory_space<vmem>>, vector<1x16xf32>,
      %add3A_251 = arith.constant 1 : i32
      %add3A_252 = arith.addi %add3A_195, %add3A_251 : i32
      %get3A_253 = arith.index_cast %add3A_252 : i32 to index
      %get3A_254 = arith.constant 0 : index
      %get3A_255 = tpu.vector_load %arg13[%get3A_253, %get3A_254] {strides = array<i32>} : memref<632x16xf32, #tpu.memory_space<vmem>>, vector<1x16xf32>,
      %get3A_256 = vector.shape_cast %get3A_255 : vector<1x16xf32> to vector<16xf32>
      %add3A_257 = arith.constant 1 : i32
      %add3A_258 = arith.addi %add3A_195, %add3A_257 : i32
      %get3A_259 = arith.index_cast %add3A_258 : i32 to index
      %get3A_260 = arith.constant 0 : index
      %get3A_261 = tpu.vector_load %arg14[%get3A_259, %get3A_260] {strides = array<i32>} : memref<632x16xf32, #tpu.memory_space<vmem>>, vector<1x16xf32>,
      %get3A_262 = vector.shape_cast %get3A_261 : vector<1x16xf32> to vector<16xf32>
      %add3A_263 = arith.addf %get3A_256, %get3A_262 : vector<16xf32>
      %add3A_264 = arith.constant 1 : i32
      %add3A_265 = arith.addi %add3A_195, %add3A_264 : i32
      %get3A_266 = arith.index_cast %add3A_265 : i32 to index
      %get3A_267 = arith.constant 0 : index
      %get3A_268 = tpu.vector_load %arg15[%get3A_266, %get3A_267] {strides = array<i32>} : memref<632x16xf32, #tpu.memory_space<vmem>>, vector<1x16xf32>,
      %get3A_269 = vector.shape_cast %get3A_268 : vector<1x16xf32> to vector<16xf32>
      %add3A_270 = arith.addf %add3A_263, %get3A_269 : vector<16xf32>
      %add3A_271 = arith.constant 1 : i32
      %add3A_272 = arith.addi %add3A_195, %add3A_271 : i32
      %get3A_273 = arith.index_cast %add3A_272 : i32 to index
      %get3A_274 = arith.constant 0 : index
      %get3A_275 = tpu.vector_load %arg16[%get3A_273, %get3A_274] {strides = array<i32>} : memref<632x16xf32, #tpu.memory_space<vmem>>, vector<1x16xf32>,
      %get3A_276 = vector.shape_cast %get3A_275 : vector<1x16xf32> to vector<16xf32>
      %mul3A_277 = arith.mulf %get3A_276, %add3A_270 : vector<16xf32>
      %get3A_278 = arith.constant 0 : i32
      %get3A_279 = arith.index_cast %get3A_278 : i32 to index
      %get3A_280 = arith.constant 0 : index
      %get3A_281 = tpu.vector_load %arg17[%get3A_279, %get3A_280] {strides = array<i32>} : memref<1x16xf32, #tpu.memory_space<vmem>>, vector<1x16xf32>,
      %get3A_282 = vector.shape_cast %get3A_281 : vector<1x16xf32> to vector<16xf32>
      %add3A_283 = arith.addf %mul3A_277, %get3A_282 : vector<16xf32>
      %max3A_284 = arith.constant 0.000000e+00 : f32
      %max3A_285 = vector.broadcast %max3A_284 : f32 to vector<16xf32>
      %max3A_286 = arith.maximumf %add3A_283, %max3A_285 : vector<16xf32>
      %add3A_287 = arith.constant 1 : i32
      %add3A_288 = arith.addi %add3A_195, %add3A_287 : i32
      %get3A_289 = arith.index_cast %add3A_288 : i32 to index
      %get3A_290 = arith.constant 0 : index
      %get3A_291 = tpu.vector_load %arg16[%get3A_289, %get3A_290] {strides = array<i32>} : memref<632x16xf32, #tpu.memory_space<vmem>>, vector<1x16xf32>,
      %get3A_292 = vector.shape_cast %get3A_291 : vector<1x16xf32> to vector<16xf32>
      %mul3A_293 = arith.mulf %get3A_292, %max3A_286 : vector<16xf32>
      %add3A_294 = arith.constant 1 : i32
      %add3A_295 = arith.addi %add3A_195, %add3A_294 : i32
      %swap3A_296 = arith.index_cast %add3A_295 : i32 to index
      %swap3A_297 = arith.constant 0 : index
      %swap3A_298 = tpu.vector_load %arg15[%swap3A_296, %swap3A_297] {strides = array<i32>} : memref<632x16xf32, #tpu.memory_space<vmem>>, vector<1x16xf32>,
      %swap3A_299 = vector.shape_cast %swap3A_298 : vector<1x16xf32> to vector<16xf32>
      %swap3A_300 = vector.shape_cast %mul3A_293 : vector<16xf32> to vector<1x16xf32>
      tpu.vector_store %arg15[%swap3A_296, %swap3A_297], %swap3A_300 {strides = array<i32>} : memref<632x16xf32, #tpu.memory_space<vmem>>, vector<1x16xf32>,
      %broadcast_in_dim3A_301 = arith.constant 0.000000e+00 : f32
      %broadcast_in_dim3A_302 = vector.broadcast %broadcast_in_dim3A_301 : f32 to vector<16xf32>
      %add3A_303 = arith.constant 1 : i32
      %add3A_304 = arith.addi %add3A_195, %add3A_303 : i32
      %swap3A_305 = arith.index_cast %add3A_304 : i32 to index
      %swap3A_306 = arith.constant 0 : index
      %swap3A_307 = tpu.vector_load %arg13[%swap3A_305, %swap3A_306] {strides = array<i32>} : memref<632x16xf32, #tpu.memory_space<vmem>>, vector<1x16xf32>,
      %swap3A_308 = vector.shape_cast %swap3A_307 : vector<1x16xf32> to vector<16xf32>
      %swap3A_309 = vector.shape_cast %broadcast_in_dim3A_302 : vector<16xf32> to vector<1x16xf32>
      tpu.vector_store %arg13[%swap3A_305, %swap3A_306], %swap3A_309 {strides = array<i32>} : memref<632x16xf32, #tpu.memory_space<vmem>>, vector<1x16xf32>,
    }
    %scan3A_28 = arith.constant 316 : i32
    "tpu.region"() ({
      %run_scoped3A_191 = tpu.sem_alloc : memref<!tpu.dma_semaphore, #tpu.memory_space<semaphore_mem>>
      %dma_start3A_192 = arith.constant 0 : i32
      %dma_start3A_193 = tpu.memref_slice %arg19[%mul3A_2, %dma_start3A_192] : memref<10112x16xf32, #tpu.memory_space<vmem_shared>> -> memref<632x16xf32, #tpu.memory_space<vmem_shared>>
      %dma_start3A_194 = arith.constant 0 : i32
      %dma_start3A_195 = tpu.memref_slice %arg19[%mul3A_2, %dma_start3A_194] : memref<10112x16xf32, #tpu.memory_space<vmem_shared>> -> memref<632x16xf32, #tpu.memory_space<vmem_shared>>
      tpu.enqueue_dma source(%arg15 : memref<632x16xf32, #tpu.memory_space<vmem>>) target(%dma_start3A_195 : memref<632x16xf32, #tpu.memory_space<vmem_shared>>) target_semaphore(%run_scoped3A_191 : memref<!tpu.dma_semaphore, #tpu.memory_space<semaphore_mem>>)
      %dma_wait3A_196 = arith.constant 0 : i32
      %dma_wait3A_197 = tpu.memref_slice %arg19[%mul3A_2, %dma_wait3A_196] : memref<10112x16xf32, #tpu.memory_space<vmem_shared>> -> memref<632x16xf32, #tpu.memory_space<vmem_shared>>
      %dma_wait3A_198 = arith.constant 0 : i32
      %dma_wait3A_199 = tpu.memref_slice %arg19[%mul3A_2, %dma_wait3A_198] : memref<10112x16xf32, #tpu.memory_space<vmem_shared>> -> memref<632x16xf32, #tpu.memory_space<vmem_shared>>
      tpu.wait_dma2 semaphore(%run_scoped3A_191 : memref<!tpu.dma_semaphore, #tpu.memory_space<semaphore_mem>>) src(%arg15 : memref<632x16xf32, #tpu.memory_space<vmem>>) dst(%dma_wait3A_199 : memref<632x16xf32, #tpu.memory_space<vmem_shared>>)
      tpu.yield
    }) : () -> ()
    "tpu.region"() ({
      %run_scoped3A_191 = tpu.sem_alloc : memref<!tpu.dma_semaphore, #tpu.memory_space<semaphore_mem>>
      %dma_start3A_192 = arith.constant 0 : i32
      %dma_start3A_193 = tpu.memref_slice %arg18[%mul3A_2, %dma_start3A_192] : memref<10112x16xf32, #tpu.memory_space<vmem_shared>> -> memref<632x16xf32, #tpu.memory_space<vmem_shared>>
      %dma_start3A_194 = arith.constant 0 : i32
      %dma_start3A_195 = tpu.memref_slice %arg18[%mul3A_2, %dma_start3A_194] : memref<10112x16xf32, #tpu.memory_space<vmem_shared>> -> memref<632x16xf32, #tpu.memory_space<vmem_shared>>
      tpu.enqueue_dma source(%arg13 : memref<632x16xf32, #tpu.memory_space<vmem>>) target(%dma_start3A_195 : memref<632x16xf32, #tpu.memory_space<vmem_shared>>) target_semaphore(%run_scoped3A_191 : memref<!tpu.dma_semaphore, #tpu.memory_space<semaphore_mem>>)
      %dma_wait3A_196 = arith.constant 0 : i32
      %dma_wait3A_197 = tpu.memref_slice %arg18[%mul3A_2, %dma_wait3A_196] : memref<10112x16xf32, #tpu.memory_space<vmem_shared>> -> memref<632x16xf32, #tpu.memory_space<vmem_shared>>
      %dma_wait3A_198 = arith.constant 0 : i32
      %dma_wait3A_199 = tpu.memref_slice %arg18[%mul3A_2, %dma_wait3A_198] : memref<10112x16xf32, #tpu.memory_space<vmem_shared>> -> memref<632x16xf32, #tpu.memory_space<vmem_shared>>
      tpu.wait_dma2 semaphore(%run_scoped3A_191 : memref<!tpu.dma_semaphore, #tpu.memory_space<semaphore_mem>>) src(%arg13 : memref<632x16xf32, #tpu.memory_space<vmem>>) dst(%dma_wait3A_199 : memref<632x16xf32, #tpu.memory_space<vmem_shared>>)
      tpu.yield
    }) : () -> ()
    %eq3A = arith.constant 0 : i32
    %eq3A_29 = arith.cmpi eq, %arg0, %eq3A : i32
    %convert_element_type3A = arith.extui %eq3A_29 : i1 to i32
    %cond3A = arith.constant 0 : i32
    %cond3A_30 = arith.cmpi ne, %convert_element_type3A, %cond3A : i32
    scf.if %cond3A_30 {
      %dma_start3A_191 = arith.constant 0 : i32
      %dma_start3A_192 = tpu.memref_slice %arg9[%mul3A_2, %dma_start3A_191] : memref<10112x16xf32, #tpu.memory_space<hbm>> -> memref<632x16xf32, #tpu.memory_space<hbm>>
      %dma_start3A_193 = arith.constant 0 : i32
      %dma_start3A_194 = tpu.memref_slice %arg9[%mul3A_2, %dma_start3A_193] : memref<10112x16xf32, #tpu.memory_space<hbm>> -> memref<632x16xf32, #tpu.memory_space<hbm>>
      tpu.enqueue_dma source(%arg15 : memref<632x16xf32, #tpu.memory_space<vmem>>) target(%dma_start3A_194 : memref<632x16xf32, #tpu.memory_space<hbm>>) target_semaphore(%arg22 : memref<!tpu.dma_semaphore, #tpu.memory_space<semaphore_mem>>)
    } else {
    }
    %dma_wait3A = arith.constant 0 : i32
    %dma_wait3A_31 = arith.constant 0 : i32
    %dma_wait3A_32 = arith.constant 0 : i32
    %dma_wait3A_33 = tpu.memref_slice %arg6[%add3A, %dma_wait3A_31, %dma_wait3A_32] : memref<32x80x128xi32, #tpu.memory_space<hbm>> -> memref<1x80x128xi32, #tpu.memory_space<hbm>>
    %dma_wait3A_34 = tpu.memref_squeeze %dma_wait3A_33 : memref<1x80x128xi32, #tpu.memory_space<hbm>> -> memref<80x128xi32, #tpu.memory_space<hbm>>
    %dma_wait3A_35 = tpu.memref_slice %arg20[%dma_wait3A] : memref<4x!tpu.dma_semaphore, #tpu.memory_space<semaphore_mem>> -> memref<1x!tpu.dma_semaphore, #tpu.memory_space<semaphore_mem>>
    %dma_wait3A_36 = tpu.memref_squeeze %dma_wait3A_35 : memref<1x!tpu.dma_semaphore, #tpu.memory_space<semaphore_mem>> -> memref<!tpu.dma_semaphore, #tpu.memory_space<semaphore_mem>>
    %dma_wait3A_37 = arith.constant 0 : i32
    %dma_wait3A_38 = arith.constant 0 : i32
    %dma_wait3A_39 = tpu.memref_slice %arg6[%add3A, %dma_wait3A_37, %dma_wait3A_38] : memref<32x80x128xi32, #tpu.memory_space<hbm>> -> memref<1x80x128xi32, #tpu.memory_space<hbm>>
    %dma_wait3A_40 = tpu.memref_squeeze %dma_wait3A_39 : memref<1x80x128xi32, #tpu.memory_space<hbm>> -> memref<80x128xi32, #tpu.memory_space<hbm>>
    tpu.wait_dma2 semaphore(%dma_wait3A_36 : memref<!tpu.dma_semaphore, #tpu.memory_space<semaphore_mem>>) src(%dma_wait3A_40 : memref<80x128xi32, #tpu.memory_space<hbm>>) dst(%arg10 : memref<80x128xi32, #tpu.memory_space<vmem>>)
    %dma_wait3A_41 = arith.constant 1 : i32
    %dma_wait3A_42 = arith.constant 0 : i32
    %dma_wait3A_43 = arith.constant 0 : i32
    %dma_wait3A_44 = tpu.memref_slice %arg7[%add3A, %dma_wait3A_42, %dma_wait3A_43] : memref<32x80x128xi32, #tpu.memory_space<hbm>> -> memref<1x80x128xi32, #tpu.memory_space<hbm>>
    %dma_wait3A_45 = tpu.memref_squeeze %dma_wait3A_44 : memref<1x80x128xi32, #tpu.memory_space<hbm>> -> memref<80x128xi32, #tpu.memory_space<hbm>>
    %dma_wait3A_46 = tpu.memref_slice %arg20[%dma_wait3A_41] : memref<4x!tpu.dma_semaphore, #tpu.memory_space<semaphore_mem>> -> memref<1x!tpu.dma_semaphore, #tpu.memory_space<semaphore_mem>>
    %dma_wait3A_47 = tpu.memref_squeeze %dma_wait3A_46 : memref<1x!tpu.dma_semaphore, #tpu.memory_space<semaphore_mem>> -> memref<!tpu.dma_semaphore, #tpu.memory_space<semaphore_mem>>
    %dma_wait3A_48 = arith.constant 0 : i32
    %dma_wait3A_49 = arith.constant 0 : i32
    %dma_wait3A_50 = tpu.memref_slice %arg7[%add3A, %dma_wait3A_48, %dma_wait3A_49] : memref<32x80x128xi32, #tpu.memory_space<hbm>> -> memref<1x80x128xi32, #tpu.memory_space<hbm>>
    %dma_wait3A_51 = tpu.memref_squeeze %dma_wait3A_50 : memref<1x80x128xi32, #tpu.memory_space<hbm>> -> memref<80x128xi32, #tpu.memory_space<hbm>>
    tpu.wait_dma2 semaphore(%dma_wait3A_47 : memref<!tpu.dma_semaphore, #tpu.memory_space<semaphore_mem>>) src(%dma_wait3A_51 : memref<80x128xi32, #tpu.memory_space<hbm>>) dst(%arg11 : memref<80x128xi32, #tpu.memory_space<vmem>>)
    %barrier3A = arith.constant 0 : index
    tpu.barrier barrier_id(%barrier3A)
    %dma_start3A_52 = arith.constant 0 : i32
    %dma_start3A_53 = arith.constant 0 : i32
    %dma_start3A_54 = arith.constant 0 : i32
    %dma_start3A_55 = arith.constant 0 : i32
    %dma_start3A_56 = arith.constant 0 : i32
    %dma_start3A_57 = tpu.memref_slice %arg12[%dma_start3A_53, %dma_start3A_55, %dma_start3A_56] : memref<4x128x16xf32, #tpu.memory_space<vmem>> -> memref<1x128x16xf32, #tpu.memory_space<vmem>>
    %dma_start3A_58 = tpu.memref_squeeze %dma_start3A_57 : memref<1x128x16xf32, #tpu.memory_space<vmem>> -> memref<128x16xf32, #tpu.memory_space<vmem>>
    %dma_start3A_59 = arith.constant 0 : i32
    %dma_start3A_60 = tpu.memref_slice %arg10[%dma_start3A_52, %dma_start3A_59] : memref<80x128xi32, #tpu.memory_space<vmem>> -> memref<1x128xi32, #tpu.memory_space<vmem>>
    %dma_start3A_61 = tpu.memref_squeeze %dma_start3A_60 : memref<1x128xi32, #tpu.memory_space<vmem>> -> memref<128xi32, #tpu.memory_space<vmem>>
    %dma_start3A_62 = arith.constant 0 : i32
    %dma_start3A_63 = arith.constant 0 : i32
    %dma_start3A_64 = tpu.memref_slice %arg19[%dma_start3A_62, %dma_start3A_63] : memref<10112x16xf32, #tpu.memory_space<vmem_shared>> -> memref<10112x16xf32, #tpu.memory_space<vmem_shared>>
    %dma_start3A_65 = tpu.memref_slice %arg20[%dma_start3A_54] : memref<4x!tpu.dma_semaphore, #tpu.memory_space<semaphore_mem>> -> memref<1x!tpu.dma_semaphore, #tpu.memory_space<semaphore_mem>>
    %dma_start3A_66 = tpu.memref_squeeze %dma_start3A_65 : memref<1x!tpu.dma_semaphore, #tpu.memory_space<semaphore_mem>> -> memref<!tpu.dma_semaphore, #tpu.memory_space<semaphore_mem>>
    tpu.enqueue_indirect_dma source(%dma_start3A_64 : memref<10112x16xf32, #tpu.memory_space<vmem_shared>>) target(%dma_start3A_58 : memref<128x16xf32, #tpu.memory_space<vmem>>) offsets(%dma_start3A_61 : memref<128xi32, #tpu.memory_space<vmem>>) semaphore(%dma_start3A_66 : memref<!tpu.dma_semaphore, #tpu.memory_space<semaphore_mem>>)
    %dma_start3A_67 = arith.constant 1 : i32
    %dma_start3A_68 = arith.constant 1 : i32
    %dma_start3A_69 = arith.constant 1 : i32
    %dma_start3A_70 = arith.constant 0 : i32
    %dma_start3A_71 = arith.constant 0 : i32
    %dma_start3A_72 = tpu.memref_slice %arg12[%dma_start3A_68, %dma_start3A_70, %dma_start3A_71] : memref<4x128x16xf32, #tpu.memory_space<vmem>> -> memref<1x128x16xf32, #tpu.memory_space<vmem>>
    %dma_start3A_73 = tpu.memref_squeeze %dma_start3A_72 : memref<1x128x16xf32, #tpu.memory_space<vmem>> -> memref<128x16xf32, #tpu.memory_space<vmem>>
    %dma_start3A_74 = arith.constant 0 : i32
    %dma_start3A_75 = tpu.memref_slice %arg10[%dma_start3A_67, %dma_start3A_74] : memref<80x128xi32, #tpu.memory_space<vmem>> -> memref<1x128xi32, #tpu.memory_space<vmem>>
    %dma_start3A_76 = tpu.memref_squeeze %dma_start3A_75 : memref<1x128xi32, #tpu.memory_space<vmem>> -> memref<128xi32, #tpu.memory_space<vmem>>
    %dma_start3A_77 = arith.constant 0 : i32
    %dma_start3A_78 = arith.constant 0 : i32
    %dma_start3A_79 = tpu.memref_slice %arg19[%dma_start3A_77, %dma_start3A_78] : memref<10112x16xf32, #tpu.memory_space<vmem_shared>> -> memref<10112x16xf32, #tpu.memory_space<vmem_shared>>
    %dma_start3A_80 = tpu.memref_slice %arg20[%dma_start3A_69] : memref<4x!tpu.dma_semaphore, #tpu.memory_space<semaphore_mem>> -> memref<1x!tpu.dma_semaphore, #tpu.memory_space<semaphore_mem>>
    %dma_start3A_81 = tpu.memref_squeeze %dma_start3A_80 : memref<1x!tpu.dma_semaphore, #tpu.memory_space<semaphore_mem>> -> memref<!tpu.dma_semaphore, #tpu.memory_space<semaphore_mem>>
    tpu.enqueue_indirect_dma source(%dma_start3A_79 : memref<10112x16xf32, #tpu.memory_space<vmem_shared>>) target(%dma_start3A_73 : memref<128x16xf32, #tpu.memory_space<vmem>>) offsets(%dma_start3A_76 : memref<128xi32, #tpu.memory_space<vmem>>) semaphore(%dma_start3A_81 : memref<!tpu.dma_semaphore, #tpu.memory_space<semaphore_mem>>)
    %dma_start3A_82 = arith.constant 2 : i32
    %dma_start3A_83 = arith.constant 2 : i32
    %dma_start3A_84 = arith.constant 2 : i32
    %dma_start3A_85 = arith.constant 0 : i32
    %dma_start3A_86 = arith.constant 0 : i32
    %dma_start3A_87 = tpu.memref_slice %arg12[%dma_start3A_83, %dma_start3A_85, %dma_start3A_86] : memref<4x128x16xf32, #tpu.memory_space<vmem>> -> memref<1x128x16xf32, #tpu.memory_space<vmem>>
    %dma_start3A_88 = tpu.memref_squeeze %dma_start3A_87 : memref<1x128x16xf32, #tpu.memory_space<vmem>> -> memref<128x16xf32, #tpu.memory_space<vmem>>
    %dma_start3A_89 = arith.constant 0 : i32
    %dma_start3A_90 = tpu.memref_slice %arg10[%dma_start3A_82, %dma_start3A_89] : memref<80x128xi32, #tpu.memory_space<vmem>> -> memref<1x128xi32, #tpu.memory_space<vmem>>
    %dma_start3A_91 = tpu.memref_squeeze %dma_start3A_90 : memref<1x128xi32, #tpu.memory_space<vmem>> -> memref<128xi32, #tpu.memory_space<vmem>>
    %dma_start3A_92 = arith.constant 0 : i32
    %dma_start3A_93 = arith.constant 0 : i32
    %dma_start3A_94 = tpu.memref_slice %arg19[%dma_start3A_92, %dma_start3A_93] : memref<10112x16xf32, #tpu.memory_space<vmem_shared>> -> memref<10112x16xf32, #tpu.memory_space<vmem_shared>>
    %dma_start3A_95 = tpu.memref_slice %arg20[%dma_start3A_84] : memref<4x!tpu.dma_semaphore, #tpu.memory_space<semaphore_mem>> -> memref<1x!tpu.dma_semaphore, #tpu.memory_space<semaphore_mem>>
    %dma_start3A_96 = tpu.memref_squeeze %dma_start3A_95 : memref<1x!tpu.dma_semaphore, #tpu.memory_space<semaphore_mem>> -> memref<!tpu.dma_semaphore, #tpu.memory_space<semaphore_mem>>
    tpu.enqueue_indirect_dma source(%dma_start3A_94 : memref<10112x16xf32, #tpu.memory_space<vmem_shared>>) target(%dma_start3A_88 : memref<128x16xf32, #tpu.memory_space<vmem>>) offsets(%dma_start3A_91 : memref<128xi32, #tpu.memory_space<vmem>>) semaphore(%dma_start3A_96 : memref<!tpu.dma_semaphore, #tpu.memory_space<semaphore_mem>>)
    %dma_start3A_97 = arith.constant 3 : i32
    %dma_start3A_98 = arith.constant 3 : i32
    %dma_start3A_99 = arith.constant 3 : i32
    %dma_start3A_100 = arith.constant 0 : i32
    %dma_start3A_101 = arith.constant 0 : i32
    %dma_start3A_102 = tpu.memref_slice %arg12[%dma_start3A_98, %dma_start3A_100, %dma_start3A_101] : memref<4x128x16xf32, #tpu.memory_space<vmem>> -> memref<1x128x16xf32, #tpu.memory_space<vmem>>
    %dma_start3A_103 = tpu.memref_squeeze %dma_start3A_102 : memref<1x128x16xf32, #tpu.memory_space<vmem>> -> memref<128x16xf32, #tpu.memory_space<vmem>>
    %dma_start3A_104 = arith.constant 0 : i32
    %dma_start3A_105 = tpu.memref_slice %arg10[%dma_start3A_97, %dma_start3A_104] : memref<80x128xi32, #tpu.memory_space<vmem>> -> memref<1x128xi32, #tpu.memory_space<vmem>>
    %dma_start3A_106 = tpu.memref_squeeze %dma_start3A_105 : memref<1x128xi32, #tpu.memory_space<vmem>> -> memref<128xi32, #tpu.memory_space<vmem>>
    %dma_start3A_107 = arith.constant 0 : i32
    %dma_start3A_108 = arith.constant 0 : i32
    %dma_start3A_109 = tpu.memref_slice %arg19[%dma_start3A_107, %dma_start3A_108] : memref<10112x16xf32, #tpu.memory_space<vmem_shared>> -> memref<10112x16xf32, #tpu.memory_space<vmem_shared>>
    %dma_start3A_110 = tpu.memref_slice %arg20[%dma_start3A_99] : memref<4x!tpu.dma_semaphore, #tpu.memory_space<semaphore_mem>> -> memref<1x!tpu.dma_semaphore, #tpu.memory_space<semaphore_mem>>
    %dma_start3A_111 = tpu.memref_squeeze %dma_start3A_110 : memref<1x!tpu.dma_semaphore, #tpu.memory_space<semaphore_mem>> -> memref<!tpu.dma_semaphore, #tpu.memory_space<semaphore_mem>>
    tpu.enqueue_indirect_dma source(%dma_start3A_109 : memref<10112x16xf32, #tpu.memory_space<vmem_shared>>) target(%dma_start3A_103 : memref<128x16xf32, #tpu.memory_space<vmem>>) offsets(%dma_start3A_106 : memref<128xi32, #tpu.memory_space<vmem>>) semaphore(%dma_start3A_111 : memref<!tpu.dma_semaphore, #tpu.memory_space<semaphore_mem>>)
    %scan3A_112 = arith.constant 0 : i32
    %scan3A_113 = arith.constant 19 : i32
    %scan3A_114 = arith.addi %scan3A_112, %scan3A_113 : i32
    %scan3A_115 = arith.constant 1 : i32
    scf.for %scan3A_191 = %scan3A_112 to %scan3A_114 step %scan3A_115  : i32 {
      %mul3A_192 = arith.constant 4 : i32
      %mul3A_193 = arith.muli %scan3A_191, %mul3A_192 : i32
      %add3A_194 = arith.constant 0 : i32
      %add3A_195 = arith.addi %add3A_194, %mul3A_193 : i32
      %add3A_196 = arith.constant 0 : i32
      %add3A_197 = arith.addi %add3A_195, %add3A_196 : i32
      %dma_wait3A_198 = arith.constant 0 : i32
      %dma_wait3A_199 = arith.constant 0 : i32
      %dma_wait3A_200 = arith.constant 0 : i32
      %dma_wait3A_201 = arith.constant 0 : i32
      %dma_wait3A_202 = tpu.memref_slice %arg12[%dma_wait3A_198, %dma_wait3A_200, %dma_wait3A_201] : memref<4x128x16xf32, #tpu.memory_space<vmem>> -> memref<1x128x16xf32, #tpu.memory_space<vmem>>
      %dma_wait3A_203 = tpu.memref_squeeze %dma_wait3A_202 : memref<1x128x16xf32, #tpu.memory_space<vmem>> -> memref<128x16xf32, #tpu.memory_space<vmem>>
      %dma_wait3A_204 = arith.constant 0 : i32
      %dma_wait3A_205 = tpu.memref_slice %arg10[%add3A_197, %dma_wait3A_204] : memref<80x128xi32, #tpu.memory_space<vmem>> -> memref<1x128xi32, #tpu.memory_space<vmem>>
      %dma_wait3A_206 = tpu.memref_squeeze %dma_wait3A_205 : memref<1x128xi32, #tpu.memory_space<vmem>> -> memref<128xi32, #tpu.memory_space<vmem>>
      %dma_wait3A_207 = arith.constant 0 : i32
      %dma_wait3A_208 = arith.constant 0 : i32
      %dma_wait3A_209 = tpu.memref_slice %arg19[%dma_wait3A_207, %dma_wait3A_208] : memref<10112x16xf32, #tpu.memory_space<vmem_shared>> -> memref<10112x16xf32, #tpu.memory_space<vmem_shared>>
      %dma_wait3A_210 = tpu.memref_slice %arg20[%dma_wait3A_199] : memref<4x!tpu.dma_semaphore, #tpu.memory_space<semaphore_mem>> -> memref<1x!tpu.dma_semaphore, #tpu.memory_space<semaphore_mem>>
      %dma_wait3A_211 = tpu.memref_squeeze %dma_wait3A_210 : memref<1x!tpu.dma_semaphore, #tpu.memory_space<semaphore_mem>> -> memref<!tpu.dma_semaphore, #tpu.memory_space<semaphore_mem>>
      tpu.wait_indirect_dma semaphore(%dma_wait3A_211 : memref<!tpu.dma_semaphore, #tpu.memory_space<semaphore_mem>>) src(%dma_wait3A_209 : memref<10112x16xf32, #tpu.memory_space<vmem_shared>>) dst(%dma_wait3A_203 : memref<128x16xf32, #tpu.memory_space<vmem>>)
      %add3A_212 = arith.constant 0 : i32
      %add3A_213 = arith.addi %add3A_195, %add3A_212 : i32
      %dma_start3A_214 = arith.constant 0 : i32
      %dma_start3A_215 = arith.constant 0 : i32
      %dma_start3A_216 = arith.constant 0 : i32
      %dma_start3A_217 = arith.constant 0 : i32
      %dma_start3A_218 = tpu.memref_slice %arg12[%dma_start3A_214, %dma_start3A_216, %dma_start3A_217] : memref<4x128x16xf32, #tpu.memory_space<vmem>> -> memref<1x128x16xf32, #tpu.memory_space<vmem>>
      %dma_start3A_219 = tpu.memref_squeeze %dma_start3A_218 : memref<1x128x16xf32, #tpu.memory_space<vmem>> -> memref<128x16xf32, #tpu.memory_space<vmem>>
      %dma_start3A_220 = arith.constant 0 : i32
      %dma_start3A_221 = tpu.memref_slice %arg11[%add3A_213, %dma_start3A_220] : memref<80x128xi32, #tpu.memory_space<vmem>> -> memref<1x128xi32, #tpu.memory_space<vmem>>
      %dma_start3A_222 = tpu.memref_squeeze %dma_start3A_221 : memref<1x128xi32, #tpu.memory_space<vmem>> -> memref<128xi32, #tpu.memory_space<vmem>>
      %dma_start3A_223 = arith.constant 0 : i32
      %dma_start3A_224 = arith.constant 0 : i32
      %dma_start3A_225 = tpu.memref_slice %arg18[%dma_start3A_223, %dma_start3A_224] : memref<10112x16xf32, #tpu.memory_space<vmem_shared>> -> memref<10112x16xf32, #tpu.memory_space<vmem_shared>>
      %dma_start3A_226 = tpu.memref_slice %arg21[%dma_start3A_215] : memref<4x!tpu.dma_semaphore, #tpu.memory_space<semaphore_mem>> -> memref<1x!tpu.dma_semaphore, #tpu.memory_space<semaphore_mem>>
      %dma_start3A_227 = tpu.memref_squeeze %dma_start3A_226 : memref<1x!tpu.dma_semaphore, #tpu.memory_space<semaphore_mem>> -> memref<!tpu.dma_semaphore, #tpu.memory_space<semaphore_mem>>
      tpu.enqueue_indirect_dma source(%dma_start3A_219 : memref<128x16xf32, #tpu.memory_space<vmem>>) target(%dma_start3A_225 : memref<10112x16xf32, #tpu.memory_space<vmem_shared>>) offsets(%dma_start3A_222 : memref<128xi32, #tpu.memory_space<vmem>>) semaphore(%dma_start3A_227 : memref<!tpu.dma_semaphore, #tpu.memory_space<semaphore_mem>>) {add = true}
      %add3A_228 = arith.constant 0 : i32
      %add3A_229 = arith.addi %add3A_195, %add3A_228 : i32
      %dma_wait3A_230 = arith.constant 0 : i32
      %dma_wait3A_231 = arith.constant 0 : i32
      %dma_wait3A_232 = arith.constant 0 : i32
      %dma_wait3A_233 = arith.constant 0 : i32
      %dma_wait3A_234 = tpu.memref_slice %arg12[%dma_wait3A_230, %dma_wait3A_232, %dma_wait3A_233] : memref<4x128x16xf32, #tpu.memory_space<vmem>> -> memref<1x128x16xf32, #tpu.memory_space<vmem>>
      %dma_wait3A_235 = tpu.memref_squeeze %dma_wait3A_234 : memref<1x128x16xf32, #tpu.memory_space<vmem>> -> memref<128x16xf32, #tpu.memory_space<vmem>>
      %dma_wait3A_236 = arith.constant 0 : i32
      %dma_wait3A_237 = tpu.memref_slice %arg11[%add3A_229, %dma_wait3A_236] : memref<80x128xi32, #tpu.memory_space<vmem>> -> memref<1x128xi32, #tpu.memory_space<vmem>>
      %dma_wait3A_238 = tpu.memref_squeeze %dma_wait3A_237 : memref<1x128xi32, #tpu.memory_space<vmem>> -> memref<128xi32, #tpu.memory_space<vmem>>
      %dma_wait3A_239 = arith.constant 0 : i32
      %dma_wait3A_240 = arith.constant 0 : i32
      %dma_wait3A_241 = tpu.memref_slice %arg18[%dma_wait3A_239, %dma_wait3A_240] : memref<10112x16xf32, #tpu.memory_space<vmem_shared>> -> memref<10112x16xf32, #tpu.memory_space<vmem_shared>>
      %dma_wait3A_242 = tpu.memref_slice %arg21[%dma_wait3A_231] : memref<4x!tpu.dma_semaphore, #tpu.memory_space<semaphore_mem>> -> memref<1x!tpu.dma_semaphore, #tpu.memory_space<semaphore_mem>>
      %dma_wait3A_243 = tpu.memref_squeeze %dma_wait3A_242 : memref<1x!tpu.dma_semaphore, #tpu.memory_space<semaphore_mem>> -> memref<!tpu.dma_semaphore, #tpu.memory_space<semaphore_mem>>
      tpu.wait_indirect_dma semaphore(%dma_wait3A_243 : memref<!tpu.dma_semaphore, #tpu.memory_space<semaphore_mem>>) src(%dma_wait3A_235 : memref<128x16xf32, #tpu.memory_space<vmem>>) dst(%dma_wait3A_241 : memref<10112x16xf32, #tpu.memory_space<vmem_shared>>)
      %add3A_244 = arith.constant 4 : i32
      %add3A_245 = arith.addi %add3A_195, %add3A_244 : i32
      %add3A_246 = arith.constant 0 : i32
      %add3A_247 = arith.addi %add3A_245, %add3A_246 : i32
      %dma_start3A_248 = arith.constant 0 : i32
      %dma_start3A_249 = arith.constant 0 : i32
      %dma_start3A_250 = arith.constant 0 : i32
      %dma_start3A_251 = arith.constant 0 : i32
      %dma_start3A_252 = tpu.memref_slice %arg12[%dma_start3A_248, %dma_start3A_250, %dma_start3A_251] : memref<4x128x16xf32, #tpu.memory_space<vmem>> -> memref<1x128x16xf32, #tpu.memory_space<vmem>>
      %dma_start3A_253 = tpu.memref_squeeze %dma_start3A_252 : memref<1x128x16xf32, #tpu.memory_space<vmem>> -> memref<128x16xf32, #tpu.memory_space<vmem>>
      %dma_start3A_254 = arith.constant 0 : i32
      %dma_start3A_255 = tpu.memref_slice %arg10[%add3A_247, %dma_start3A_254] : memref<80x128xi32, #tpu.memory_space<vmem>> -> memref<1x128xi32, #tpu.memory_space<vmem>>
      %dma_start3A_256 = tpu.memref_squeeze %dma_start3A_255 : memref<1x128xi32, #tpu.memory_space<vmem>> -> memref<128xi32, #tpu.memory_space<vmem>>
      %dma_start3A_257 = arith.constant 0 : i32
      %dma_start3A_258 = arith.constant 0 : i32
      %dma_start3A_259 = tpu.memref_slice %arg19[%dma_start3A_257, %dma_start3A_258] : memref<10112x16xf32, #tpu.memory_space<vmem_shared>> -> memref<10112x16xf32, #tpu.memory_space<vmem_shared>>
      %dma_start3A_260 = tpu.memref_slice %arg20[%dma_start3A_249] : memref<4x!tpu.dma_semaphore, #tpu.memory_space<semaphore_mem>> -> memref<1x!tpu.dma_semaphore, #tpu.memory_space<semaphore_mem>>
      %dma_start3A_261 = tpu.memref_squeeze %dma_start3A_260 : memref<1x!tpu.dma_semaphore, #tpu.memory_space<semaphore_mem>> -> memref<!tpu.dma_semaphore, #tpu.memory_space<semaphore_mem>>
      tpu.enqueue_indirect_dma source(%dma_start3A_259 : memref<10112x16xf32, #tpu.memory_space<vmem_shared>>) target(%dma_start3A_253 : memref<128x16xf32, #tpu.memory_space<vmem>>) offsets(%dma_start3A_256 : memref<128xi32, #tpu.memory_space<vmem>>) semaphore(%dma_start3A_261 : memref<!tpu.dma_semaphore, #tpu.memory_space<semaphore_mem>>)
      %add3A_262 = arith.constant 1 : i32
      %add3A_263 = arith.addi %add3A_195, %add3A_262 : i32
      %dma_wait3A_264 = arith.constant 1 : i32
      %dma_wait3A_265 = arith.constant 1 : i32
      %dma_wait3A_266 = arith.constant 0 : i32
      %dma_wait3A_267 = arith.constant 0 : i32
      %dma_wait3A_268 = tpu.memref_slice %arg12[%dma_wait3A_264, %dma_wait3A_266, %dma_wait3A_267] : memref<4x128x16xf32, #tpu.memory_space<vmem>> -> memref<1x128x16xf32, #tpu.memory_space<vmem>>
      %dma_wait3A_269 = tpu.memref_squeeze %dma_wait3A_268 : memref<1x128x16xf32, #tpu.memory_space<vmem>> -> memref<128x16xf32, #tpu.memory_space<vmem>>
      %dma_wait3A_270 = arith.constant 0 : i32
      %dma_wait3A_271 = tpu.memref_slice %arg10[%add3A_263, %dma_wait3A_270] : memref<80x128xi32, #tpu.memory_space<vmem>> -> memref<1x128xi32, #tpu.memory_space<vmem>>
      %dma_wait3A_272 = tpu.memref_squeeze %dma_wait3A_271 : memref<1x128xi32, #tpu.memory_space<vmem>> -> memref<128xi32, #tpu.memory_space<vmem>>
      %dma_wait3A_273 = arith.constant 0 : i32
      %dma_wait3A_274 = arith.constant 0 : i32
      %dma_wait3A_275 = tpu.memref_slice %arg19[%dma_wait3A_273, %dma_wait3A_274] : memref<10112x16xf32, #tpu.memory_space<vmem_shared>> -> memref<10112x16xf32, #tpu.memory_space<vmem_shared>>
      %dma_wait3A_276 = tpu.memref_slice %arg20[%dma_wait3A_265] : memref<4x!tpu.dma_semaphore, #tpu.memory_space<semaphore_mem>> -> memref<1x!tpu.dma_semaphore, #tpu.memory_space<semaphore_mem>>
      %dma_wait3A_277 = tpu.memref_squeeze %dma_wait3A_276 : memref<1x!tpu.dma_semaphore, #tpu.memory_space<semaphore_mem>> -> memref<!tpu.dma_semaphore, #tpu.memory_space<semaphore_mem>>
      tpu.wait_indirect_dma semaphore(%dma_wait3A_277 : memref<!tpu.dma_semaphore, #tpu.memory_space<semaphore_mem>>) src(%dma_wait3A_275 : memref<10112x16xf32, #tpu.memory_space<vmem_shared>>) dst(%dma_wait3A_269 : memref<128x16xf32, #tpu.memory_space<vmem>>)
      %add3A_278 = arith.constant 1 : i32
      %add3A_279 = arith.addi %add3A_195, %add3A_278 : i32
      %dma_start3A_280 = arith.constant 1 : i32
      %dma_start3A_281 = arith.constant 1 : i32
      %dma_start3A_282 = arith.constant 0 : i32
      %dma_start3A_283 = arith.constant 0 : i32
      %dma_start3A_284 = tpu.memref_slice %arg12[%dma_start3A_280, %dma_start3A_282, %dma_start3A_283] : memref<4x128x16xf32, #tpu.memory_space<vmem>> -> memref<1x128x16xf32, #tpu.memory_space<vmem>>
      %dma_start3A_285 = tpu.memref_squeeze %dma_start3A_284 : memref<1x128x16xf32, #tpu.memory_space<vmem>> -> memref<128x16xf32, #tpu.memory_space<vmem>>
      %dma_start3A_286 = arith.constant 0 : i32
      %dma_start3A_287 = tpu.memref_slice %arg11[%add3A_279, %dma_start3A_286] : memref<80x128xi32, #tpu.memory_space<vmem>> -> memref<1x128xi32, #tpu.memory_space<vmem>>
      %dma_start3A_288 = tpu.memref_squeeze %dma_start3A_287 : memref<1x128xi32, #tpu.memory_space<vmem>> -> memref<128xi32, #tpu.memory_space<vmem>>
      %dma_start3A_289 = arith.constant 0 : i32
      %dma_start3A_290 = arith.constant 0 : i32
      %dma_start3A_291 = tpu.memref_slice %arg18[%dma_start3A_289, %dma_start3A_290] : memref<10112x16xf32, #tpu.memory_space<vmem_shared>> -> memref<10112x16xf32, #tpu.memory_space<vmem_shared>>
      %dma_start3A_292 = tpu.memref_slice %arg21[%dma_start3A_281] : memref<4x!tpu.dma_semaphore, #tpu.memory_space<semaphore_mem>> -> memref<1x!tpu.dma_semaphore, #tpu.memory_space<semaphore_mem>>
      %dma_start3A_293 = tpu.memref_squeeze %dma_start3A_292 : memref<1x!tpu.dma_semaphore, #tpu.memory_space<semaphore_mem>> -> memref<!tpu.dma_semaphore, #tpu.memory_space<semaphore_mem>>
      tpu.enqueue_indirect_dma source(%dma_start3A_285 : memref<128x16xf32, #tpu.memory_space<vmem>>) target(%dma_start3A_291 : memref<10112x16xf32, #tpu.memory_space<vmem_shared>>) offsets(%dma_start3A_288 : memref<128xi32, #tpu.memory_space<vmem>>) semaphore(%dma_start3A_293 : memref<!tpu.dma_semaphore, #tpu.memory_space<semaphore_mem>>) {add = true}
      %add3A_294 = arith.constant 1 : i32
      %add3A_295 = arith.addi %add3A_195, %add3A_294 : i32
      %dma_wait3A_296 = arith.constant 1 : i32
      %dma_wait3A_297 = arith.constant 1 : i32
      %dma_wait3A_298 = arith.constant 0 : i32
      %dma_wait3A_299 = arith.constant 0 : i32
      %dma_wait3A_300 = tpu.memref_slice %arg12[%dma_wait3A_296, %dma_wait3A_298, %dma_wait3A_299] : memref<4x128x16xf32, #tpu.memory_space<vmem>> -> memref<1x128x16xf32, #tpu.memory_space<vmem>>
      %dma_wait3A_301 = tpu.memref_squeeze %dma_wait3A_300 : memref<1x128x16xf32, #tpu.memory_space<vmem>> -> memref<128x16xf32, #tpu.memory_space<vmem>>
      %dma_wait3A_302 = arith.constant 0 : i32
      %dma_wait3A_303 = tpu.memref_slice %arg11[%add3A_295, %dma_wait3A_302] : memref<80x128xi32, #tpu.memory_space<vmem>> -> memref<1x128xi32, #tpu.memory_space<vmem>>
      %dma_wait3A_304 = tpu.memref_squeeze %dma_wait3A_303 : memref<1x128xi32, #tpu.memory_space<vmem>> -> memref<128xi32, #tpu.memory_space<vmem>>
      %dma_wait3A_305 = arith.constant 0 : i32
      %dma_wait3A_306 = arith.constant 0 : i32
      %dma_wait3A_307 = tpu.memref_slice %arg18[%dma_wait3A_305, %dma_wait3A_306] : memref<10112x16xf32, #tpu.memory_space<vmem_shared>> -> memref<10112x16xf32, #tpu.memory_space<vmem_shared>>
      %dma_wait3A_308 = tpu.memref_slice %arg21[%dma_wait3A_297] : memref<4x!tpu.dma_semaphore, #tpu.memory_space<semaphore_mem>> -> memref<1x!tpu.dma_semaphore, #tpu.memory_space<semaphore_mem>>
      %dma_wait3A_309 = tpu.memref_squeeze %dma_wait3A_308 : memref<1x!tpu.dma_semaphore, #tpu.memory_space<semaphore_mem>> -> memref<!tpu.dma_semaphore, #tpu.memory_space<semaphore_mem>>
      tpu.wait_indirect_dma semaphore(%dma_wait3A_309 : memref<!tpu.dma_semaphore, #tpu.memory_space<semaphore_mem>>) src(%dma_wait3A_301 : memref<128x16xf32, #tpu.memory_space<vmem>>) dst(%dma_wait3A_307 : memref<10112x16xf32, #tpu.memory_space<vmem_shared>>)
      %add3A_310 = arith.constant 4 : i32
      %add3A_311 = arith.addi %add3A_195, %add3A_310 : i32
      %add3A_312 = arith.constant 1 : i32
      %add3A_313 = arith.addi %add3A_311, %add3A_312 : i32
      %dma_start3A_314 = arith.constant 1 : i32
      %dma_start3A_315 = arith.constant 1 : i32
      %dma_start3A_316 = arith.constant 0 : i32
      %dma_start3A_317 = arith.constant 0 : i32
      %dma_start3A_318 = tpu.memref_slice %arg12[%dma_start3A_314, %dma_start3A_316, %dma_start3A_317] : memref<4x128x16xf32, #tpu.memory_space<vmem>> -> memref<1x128x16xf32, #tpu.memory_space<vmem>>
      %dma_start3A_319 = tpu.memref_squeeze %dma_start3A_318 : memref<1x128x16xf32, #tpu.memory_space<vmem>> -> memref<128x16xf32, #tpu.memory_space<vmem>>
      %dma_start3A_320 = arith.constant 0 : i32
      %dma_start3A_321 = tpu.memref_slice %arg10[%add3A_313, %dma_start3A_320] : memref<80x128xi32, #tpu.memory_space<vmem>> -> memref<1x128xi32, #tpu.memory_space<vmem>>
      %dma_start3A_322 = tpu.memref_squeeze %dma_start3A_321 : memref<1x128xi32, #tpu.memory_space<vmem>> -> memref<128xi32, #tpu.memory_space<vmem>>
      %dma_start3A_323 = arith.constant 0 : i32
      %dma_start3A_324 = arith.constant 0 : i32
      %dma_start3A_325 = tpu.memref_slice %arg19[%dma_start3A_323, %dma_start3A_324] : memref<10112x16xf32, #tpu.memory_space<vmem_shared>> -> memref<10112x16xf32, #tpu.memory_space<vmem_shared>>
      %dma_start3A_326 = tpu.memref_slice %arg20[%dma_start3A_315] : memref<4x!tpu.dma_semaphore, #tpu.memory_space<semaphore_mem>> -> memref<1x!tpu.dma_semaphore, #tpu.memory_space<semaphore_mem>>
      %dma_start3A_327 = tpu.memref_squeeze %dma_start3A_326 : memref<1x!tpu.dma_semaphore, #tpu.memory_space<semaphore_mem>> -> memref<!tpu.dma_semaphore, #tpu.memory_space<semaphore_mem>>
      tpu.enqueue_indirect_dma source(%dma_start3A_325 : memref<10112x16xf32, #tpu.memory_space<vmem_shared>>) target(%dma_start3A_319 : memref<128x16xf32, #tpu.memory_space<vmem>>) offsets(%dma_start3A_322 : memref<128xi32, #tpu.memory_space<vmem>>) semaphore(%dma_start3A_327 : memref<!tpu.dma_semaphore, #tpu.memory_space<semaphore_mem>>)
      %add3A_328 = arith.constant 2 : i32
      %add3A_329 = arith.addi %add3A_195, %add3A_328 : i32
      %dma_wait3A_330 = arith.constant 2 : i32
      %dma_wait3A_331 = arith.constant 2 : i32
      %dma_wait3A_332 = arith.constant 0 : i32
      %dma_wait3A_333 = arith.constant 0 : i32
      %dma_wait3A_334 = tpu.memref_slice %arg12[%dma_wait3A_330, %dma_wait3A_332, %dma_wait3A_333] : memref<4x128x16xf32, #tpu.memory_space<vmem>> -> memref<1x128x16xf32, #tpu.memory_space<vmem>>
      %dma_wait3A_335 = tpu.memref_squeeze %dma_wait3A_334 : memref<1x128x16xf32, #tpu.memory_space<vmem>> -> memref<128x16xf32, #tpu.memory_space<vmem>>
      %dma_wait3A_336 = arith.constant 0 : i32
      %dma_wait3A_337 = tpu.memref_slice %arg10[%add3A_329, %dma_wait3A_336] : memref<80x128xi32, #tpu.memory_space<vmem>> -> memref<1x128xi32, #tpu.memory_space<vmem>>
      %dma_wait3A_338 = tpu.memref_squeeze %dma_wait3A_337 : memref<1x128xi32, #tpu.memory_space<vmem>> -> memref<128xi32, #tpu.memory_space<vmem>>
      %dma_wait3A_339 = arith.constant 0 : i32
      %dma_wait3A_340 = arith.constant 0 : i32
      %dma_wait3A_341 = tpu.memref_slice %arg19[%dma_wait3A_339, %dma_wait3A_340] : memref<10112x16xf32, #tpu.memory_space<vmem_shared>> -> memref<10112x16xf32, #tpu.memory_space<vmem_shared>>
      %dma_wait3A_342 = tpu.memref_slice %arg20[%dma_wait3A_331] : memref<4x!tpu.dma_semaphore, #tpu.memory_space<semaphore_mem>> -> memref<1x!tpu.dma_semaphore, #tpu.memory_space<semaphore_mem>>
      %dma_wait3A_343 = tpu.memref_squeeze %dma_wait3A_342 : memref<1x!tpu.dma_semaphore, #tpu.memory_space<semaphore_mem>> -> memref<!tpu.dma_semaphore, #tpu.memory_space<semaphore_mem>>
      tpu.wait_indirect_dma semaphore(%dma_wait3A_343 : memref<!tpu.dma_semaphore, #tpu.memory_space<semaphore_mem>>) src(%dma_wait3A_341 : memref<10112x16xf32, #tpu.memory_space<vmem_shared>>) dst(%dma_wait3A_335 : memref<128x16xf32, #tpu.memory_space<vmem>>)
      %add3A_344 = arith.constant 2 : i32
      %add3A_345 = arith.addi %add3A_195, %add3A_344 : i32
      %dma_start3A_346 = arith.constant 2 : i32
      %dma_start3A_347 = arith.constant 2 : i32
      %dma_start3A_348 = arith.constant 0 : i32
      %dma_start3A_349 = arith.constant 0 : i32
      %dma_start3A_350 = tpu.memref_slice %arg12[%dma_start3A_346, %dma_start3A_348, %dma_start3A_349] : memref<4x128x16xf32, #tpu.memory_space<vmem>> -> memref<1x128x16xf32, #tpu.memory_space<vmem>>
      %dma_start3A_351 = tpu.memref_squeeze %dma_start3A_350 : memref<1x128x16xf32, #tpu.memory_space<vmem>> -> memref<128x16xf32, #tpu.memory_space<vmem>>
      %dma_start3A_352 = arith.constant 0 : i32
      %dma_start3A_353 = tpu.memref_slice %arg11[%add3A_345, %dma_start3A_352] : memref<80x128xi32, #tpu.memory_space<vmem>> -> memref<1x128xi32, #tpu.memory_space<vmem>>
      %dma_start3A_354 = tpu.memref_squeeze %dma_start3A_353 : memref<1x128xi32, #tpu.memory_space<vmem>> -> memref<128xi32, #tpu.memory_space<vmem>>
      %dma_start3A_355 = arith.constant 0 : i32
      %dma_start3A_356 = arith.constant 0 : i32
      %dma_start3A_357 = tpu.memref_slice %arg18[%dma_start3A_355, %dma_start3A_356] : memref<10112x16xf32, #tpu.memory_space<vmem_shared>> -> memref<10112x16xf32, #tpu.memory_space<vmem_shared>>
      %dma_start3A_358 = tpu.memref_slice %arg21[%dma_start3A_347] : memref<4x!tpu.dma_semaphore, #tpu.memory_space<semaphore_mem>> -> memref<1x!tpu.dma_semaphore, #tpu.memory_space<semaphore_mem>>
      %dma_start3A_359 = tpu.memref_squeeze %dma_start3A_358 : memref<1x!tpu.dma_semaphore, #tpu.memory_space<semaphore_mem>> -> memref<!tpu.dma_semaphore, #tpu.memory_space<semaphore_mem>>
      tpu.enqueue_indirect_dma source(%dma_start3A_351 : memref<128x16xf32, #tpu.memory_space<vmem>>) target(%dma_start3A_357 : memref<10112x16xf32, #tpu.memory_space<vmem_shared>>) offsets(%dma_start3A_354 : memref<128xi32, #tpu.memory_space<vmem>>) semaphore(%dma_start3A_359 : memref<!tpu.dma_semaphore, #tpu.memory_space<semaphore_mem>>) {add = true}
      %add3A_360 = arith.constant 2 : i32
      %add3A_361 = arith.addi %add3A_195, %add3A_360 : i32
      %dma_wait3A_362 = arith.constant 2 : i32
      %dma_wait3A_363 = arith.constant 2 : i32
      %dma_wait3A_364 = arith.constant 0 : i32
      %dma_wait3A_365 = arith.constant 0 : i32
      %dma_wait3A_366 = tpu.memref_slice %arg12[%dma_wait3A_362, %dma_wait3A_364, %dma_wait3A_365] : memref<4x128x16xf32, #tpu.memory_space<vmem>> -> memref<1x128x16xf32, #tpu.memory_space<vmem>>
      %dma_wait3A_367 = tpu.memref_squeeze %dma_wait3A_366 : memref<1x128x16xf32, #tpu.memory_space<vmem>> -> memref<128x16xf32, #tpu.memory_space<vmem>>
      %dma_wait3A_368 = arith.constant 0 : i32
      %dma_wait3A_369 = tpu.memref_slice %arg11[%add3A_361, %dma_wait3A_368] : memref<80x128xi32, #tpu.memory_space<vmem>> -> memref<1x128xi32, #tpu.memory_space<vmem>>
      %dma_wait3A_370 = tpu.memref_squeeze %dma_wait3A_369 : memref<1x128xi32, #tpu.memory_space<vmem>> -> memref<128xi32, #tpu.memory_space<vmem>>
      %dma_wait3A_371 = arith.constant 0 : i32
      %dma_wait3A_372 = arith.constant 0 : i32
      %dma_wait3A_373 = tpu.memref_slice %arg18[%dma_wait3A_371, %dma_wait3A_372] : memref<10112x16xf32, #tpu.memory_space<vmem_shared>> -> memref<10112x16xf32, #tpu.memory_space<vmem_shared>>
      %dma_wait3A_374 = tpu.memref_slice %arg21[%dma_wait3A_363] : memref<4x!tpu.dma_semaphore, #tpu.memory_space<semaphore_mem>> -> memref<1x!tpu.dma_semaphore, #tpu.memory_space<semaphore_mem>>
      %dma_wait3A_375 = tpu.memref_squeeze %dma_wait3A_374 : memref<1x!tpu.dma_semaphore, #tpu.memory_space<semaphore_mem>> -> memref<!tpu.dma_semaphore, #tpu.memory_space<semaphore_mem>>
      tpu.wait_indirect_dma semaphore(%dma_wait3A_375 : memref<!tpu.dma_semaphore, #tpu.memory_space<semaphore_mem>>) src(%dma_wait3A_367 : memref<128x16xf32, #tpu.memory_space<vmem>>) dst(%dma_wait3A_373 : memref<10112x16xf32, #tpu.memory_space<vmem_shared>>)
      %add3A_376 = arith.constant 4 : i32
      %add3A_377 = arith.addi %add3A_195, %add3A_376 : i32
      %add3A_378 = arith.constant 2 : i32
      %add3A_379 = arith.addi %add3A_377, %add3A_378 : i32
      %dma_start3A_380 = arith.constant 2 : i32
      %dma_start3A_381 = arith.constant 2 : i32
      %dma_start3A_382 = arith.constant 0 : i32
      %dma_start3A_383 = arith.constant 0 : i32
      %dma_start3A_384 = tpu.memref_slice %arg12[%dma_start3A_380, %dma_start3A_382, %dma_start3A_383] : memref<4x128x16xf32, #tpu.memory_space<vmem>> -> memref<1x128x16xf32, #tpu.memory_space<vmem>>
      %dma_start3A_385 = tpu.memref_squeeze %dma_start3A_384 : memref<1x128x16xf32, #tpu.memory_space<vmem>> -> memref<128x16xf32, #tpu.memory_space<vmem>>
      %dma_start3A_386 = arith.constant 0 : i32
      %dma_start3A_387 = tpu.memref_slice %arg10[%add3A_379, %dma_start3A_386] : memref<80x128xi32, #tpu.memory_space<vmem>> -> memref<1x128xi32, #tpu.memory_space<vmem>>
      %dma_start3A_388 = tpu.memref_squeeze %dma_start3A_387 : memref<1x128xi32, #tpu.memory_space<vmem>> -> memref<128xi32, #tpu.memory_space<vmem>>
      %dma_start3A_389 = arith.constant 0 : i32
      %dma_start3A_390 = arith.constant 0 : i32
      %dma_start3A_391 = tpu.memref_slice %arg19[%dma_start3A_389, %dma_start3A_390] : memref<10112x16xf32, #tpu.memory_space<vmem_shared>> -> memref<10112x16xf32, #tpu.memory_space<vmem_shared>>
      %dma_start3A_392 = tpu.memref_slice %arg20[%dma_start3A_381] : memref<4x!tpu.dma_semaphore, #tpu.memory_space<semaphore_mem>> -> memref<1x!tpu.dma_semaphore, #tpu.memory_space<semaphore_mem>>
      %dma_start3A_393 = tpu.memref_squeeze %dma_start3A_392 : memref<1x!tpu.dma_semaphore, #tpu.memory_space<semaphore_mem>> -> memref<!tpu.dma_semaphore, #tpu.memory_space<semaphore_mem>>
      tpu.enqueue_indirect_dma source(%dma_start3A_391 : memref<10112x16xf32, #tpu.memory_space<vmem_shared>>) target(%dma_start3A_385 : memref<128x16xf32, #tpu.memory_space<vmem>>) offsets(%dma_start3A_388 : memref<128xi32, #tpu.memory_space<vmem>>) semaphore(%dma_start3A_393 : memref<!tpu.dma_semaphore, #tpu.memory_space<semaphore_mem>>)
      %add3A_394 = arith.constant 3 : i32
      %add3A_395 = arith.addi %add3A_195, %add3A_394 : i32
      %dma_wait3A_396 = arith.constant 3 : i32
      %dma_wait3A_397 = arith.constant 3 : i32
      %dma_wait3A_398 = arith.constant 0 : i32
      %dma_wait3A_399 = arith.constant 0 : i32
      %dma_wait3A_400 = tpu.memref_slice %arg12[%dma_wait3A_396, %dma_wait3A_398, %dma_wait3A_399] : memref<4x128x16xf32, #tpu.memory_space<vmem>> -> memref<1x128x16xf32, #tpu.memory_space<vmem>>
      %dma_wait3A_401 = tpu.memref_squeeze %dma_wait3A_400 : memref<1x128x16xf32, #tpu.memory_space<vmem>> -> memref<128x16xf32, #tpu.memory_space<vmem>>
      %dma_wait3A_402 = arith.constant 0 : i32
      %dma_wait3A_403 = tpu.memref_slice %arg10[%add3A_395, %dma_wait3A_402] : memref<80x128xi32, #tpu.memory_space<vmem>> -> memref<1x128xi32, #tpu.memory_space<vmem>>
      %dma_wait3A_404 = tpu.memref_squeeze %dma_wait3A_403 : memref<1x128xi32, #tpu.memory_space<vmem>> -> memref<128xi32, #tpu.memory_space<vmem>>
      %dma_wait3A_405 = arith.constant 0 : i32
      %dma_wait3A_406 = arith.constant 0 : i32
      %dma_wait3A_407 = tpu.memref_slice %arg19[%dma_wait3A_405, %dma_wait3A_406] : memref<10112x16xf32, #tpu.memory_space<vmem_shared>> -> memref<10112x16xf32, #tpu.memory_space<vmem_shared>>
      %dma_wait3A_408 = tpu.memref_slice %arg20[%dma_wait3A_397] : memref<4x!tpu.dma_semaphore, #tpu.memory_space<semaphore_mem>> -> memref<1x!tpu.dma_semaphore, #tpu.memory_space<semaphore_mem>>
      %dma_wait3A_409 = tpu.memref_squeeze %dma_wait3A_408 : memref<1x!tpu.dma_semaphore, #tpu.memory_space<semaphore_mem>> -> memref<!tpu.dma_semaphore, #tpu.memory_space<semaphore_mem>>
      tpu.wait_indirect_dma semaphore(%dma_wait3A_409 : memref<!tpu.dma_semaphore, #tpu.memory_space<semaphore_mem>>) src(%dma_wait3A_407 : memref<10112x16xf32, #tpu.memory_space<vmem_shared>>) dst(%dma_wait3A_401 : memref<128x16xf32, #tpu.memory_space<vmem>>)
      %add3A_410 = arith.constant 3 : i32
      %add3A_411 = arith.addi %add3A_195, %add3A_410 : i32
      %dma_start3A_412 = arith.constant 3 : i32
      %dma_start3A_413 = arith.constant 3 : i32
      %dma_start3A_414 = arith.constant 0 : i32
      %dma_start3A_415 = arith.constant 0 : i32
      %dma_start3A_416 = tpu.memref_slice %arg12[%dma_start3A_412, %dma_start3A_414, %dma_start3A_415] : memref<4x128x16xf32, #tpu.memory_space<vmem>> -> memref<1x128x16xf32, #tpu.memory_space<vmem>>
      %dma_start3A_417 = tpu.memref_squeeze %dma_start3A_416 : memref<1x128x16xf32, #tpu.memory_space<vmem>> -> memref<128x16xf32, #tpu.memory_space<vmem>>
      %dma_start3A_418 = arith.constant 0 : i32
      %dma_start3A_419 = tpu.memref_slice %arg11[%add3A_411, %dma_start3A_418] : memref<80x128xi32, #tpu.memory_space<vmem>> -> memref<1x128xi32, #tpu.memory_space<vmem>>
      %dma_start3A_420 = tpu.memref_squeeze %dma_start3A_419 : memref<1x128xi32, #tpu.memory_space<vmem>> -> memref<128xi32, #tpu.memory_space<vmem>>
      %dma_start3A_421 = arith.constant 0 : i32
      %dma_start3A_422 = arith.constant 0 : i32
      %dma_start3A_423 = tpu.memref_slice %arg18[%dma_start3A_421, %dma_start3A_422] : memref<10112x16xf32, #tpu.memory_space<vmem_shared>> -> memref<10112x16xf32, #tpu.memory_space<vmem_shared>>
      %dma_start3A_424 = tpu.memref_slice %arg21[%dma_start3A_413] : memref<4x!tpu.dma_semaphore, #tpu.memory_space<semaphore_mem>> -> memref<1x!tpu.dma_semaphore, #tpu.memory_space<semaphore_mem>>
      %dma_start3A_425 = tpu.memref_squeeze %dma_start3A_424 : memref<1x!tpu.dma_semaphore, #tpu.memory_space<semaphore_mem>> -> memref<!tpu.dma_semaphore, #tpu.memory_space<semaphore_mem>>
      tpu.enqueue_indirect_dma source(%dma_start3A_417 : memref<128x16xf32, #tpu.memory_space<vmem>>) target(%dma_start3A_423 : memref<10112x16xf32, #tpu.memory_space<vmem_shared>>) offsets(%dma_start3A_420 : memref<128xi32, #tpu.memory_space<vmem>>) semaphore(%dma_start3A_425 : memref<!tpu.dma_semaphore, #tpu.memory_space<semaphore_mem>>) {add = true}
      %add3A_426 = arith.constant 3 : i32
      %add3A_427 = arith.addi %add3A_195, %add3A_426 : i32
      %dma_wait3A_428 = arith.constant 3 : i32
      %dma_wait3A_429 = arith.constant 3 : i32
      %dma_wait3A_430 = arith.constant 0 : i32
      %dma_wait3A_431 = arith.constant 0 : i32
      %dma_wait3A_432 = tpu.memref_slice %arg12[%dma_wait3A_428, %dma_wait3A_430, %dma_wait3A_431] : memref<4x128x16xf32, #tpu.memory_space<vmem>> -> memref<1x128x16xf32, #tpu.memory_space<vmem>>
      %dma_wait3A_433 = tpu.memref_squeeze %dma_wait3A_432 : memref<1x128x16xf32, #tpu.memory_space<vmem>> -> memref<128x16xf32, #tpu.memory_space<vmem>>
      %dma_wait3A_434 = arith.constant 0 : i32
      %dma_wait3A_435 = tpu.memref_slice %arg11[%add3A_427, %dma_wait3A_434] : memref<80x128xi32, #tpu.memory_space<vmem>> -> memref<1x128xi32, #tpu.memory_space<vmem>>
      %dma_wait3A_436 = tpu.memref_squeeze %dma_wait3A_435 : memref<1x128xi32, #tpu.memory_space<vmem>> -> memref<128xi32, #tpu.memory_space<vmem>>
      %dma_wait3A_437 = arith.constant 0 : i32
      %dma_wait3A_438 = arith.constant 0 : i32
      %dma_wait3A_439 = tpu.memref_slice %arg18[%dma_wait3A_437, %dma_wait3A_438] : memref<10112x16xf32, #tpu.memory_space<vmem_shared>> -> memref<10112x16xf32, #tpu.memory_space<vmem_shared>>
      %dma_wait3A_440 = tpu.memref_slice %arg21[%dma_wait3A_429] : memref<4x!tpu.dma_semaphore, #tpu.memory_space<semaphore_mem>> -> memref<1x!tpu.dma_semaphore, #tpu.memory_space<semaphore_mem>>
      %dma_wait3A_441 = tpu.memref_squeeze %dma_wait3A_440 : memref<1x!tpu.dma_semaphore, #tpu.memory_space<semaphore_mem>> -> memref<!tpu.dma_semaphore, #tpu.memory_space<semaphore_mem>>
      tpu.wait_indirect_dma semaphore(%dma_wait3A_441 : memref<!tpu.dma_semaphore, #tpu.memory_space<semaphore_mem>>) src(%dma_wait3A_433 : memref<128x16xf32, #tpu.memory_space<vmem>>) dst(%dma_wait3A_439 : memref<10112x16xf32, #tpu.memory_space<vmem_shared>>)
      %add3A_442 = arith.constant 4 : i32
      %add3A_443 = arith.addi %add3A_195, %add3A_442 : i32
      %add3A_444 = arith.constant 3 : i32
      %add3A_445 = arith.addi %add3A_443, %add3A_444 : i32
      %dma_start3A_446 = arith.constant 3 : i32
      %dma_start3A_447 = arith.constant 3 : i32
      %dma_start3A_448 = arith.constant 0 : i32
      %dma_start3A_449 = arith.constant 0 : i32
      %dma_start3A_450 = tpu.memref_slice %arg12[%dma_start3A_446, %dma_start3A_448, %dma_start3A_449] : memref<4x128x16xf32, #tpu.memory_space<vmem>> -> memref<1x128x16xf32, #tpu.memory_space<vmem>>
      %dma_start3A_451 = tpu.memref_squeeze %dma_start3A_450 : memref<1x128x16xf32, #tpu.memory_space<vmem>> -> memref<128x16xf32, #tpu.memory_space<vmem>>
      %dma_start3A_452 = arith.constant 0 : i32
      %dma_start3A_453 = tpu.memref_slice %arg10[%add3A_445, %dma_start3A_452] : memref<80x128xi32, #tpu.memory_space<vmem>> -> memref<1x128xi32, #tpu.memory_space<vmem>>
      %dma_start3A_454 = tpu.memref_squeeze %dma_start3A_453 : memref<1x128xi32, #tpu.memory_space<vmem>> -> memref<128xi32, #tpu.memory_space<vmem>>
      %dma_start3A_455 = arith.constant 0 : i32
      %dma_start3A_456 = arith.constant 0 : i32
      %dma_start3A_457 = tpu.memref_slice %arg19[%dma_start3A_455, %dma_start3A_456] : memref<10112x16xf32, #tpu.memory_space<vmem_shared>> -> memref<10112x16xf32, #tpu.memory_space<vmem_shared>>
      %dma_start3A_458 = tpu.memref_slice %arg20[%dma_start3A_447] : memref<4x!tpu.dma_semaphore, #tpu.memory_space<semaphore_mem>> -> memref<1x!tpu.dma_semaphore, #tpu.memory_space<semaphore_mem>>
      %dma_start3A_459 = tpu.memref_squeeze %dma_start3A_458 : memref<1x!tpu.dma_semaphore, #tpu.memory_space<semaphore_mem>> -> memref<!tpu.dma_semaphore, #tpu.memory_space<semaphore_mem>>
      tpu.enqueue_indirect_dma source(%dma_start3A_457 : memref<10112x16xf32, #tpu.memory_space<vmem_shared>>) target(%dma_start3A_451 : memref<128x16xf32, #tpu.memory_space<vmem>>) offsets(%dma_start3A_454 : memref<128xi32, #tpu.memory_space<vmem>>) semaphore(%dma_start3A_459 : memref<!tpu.dma_semaphore, #tpu.memory_space<semaphore_mem>>)
    }
    %scan3A_116 = arith.constant 19 : i32
    %dma_wait3A_117 = arith.constant 76 : i32
    %dma_wait3A_118 = arith.constant 0 : i32
    %dma_wait3A_119 = arith.constant 0 : i32
    %dma_wait3A_120 = arith.constant 0 : i32
    %dma_wait3A_121 = arith.constant 0 : i32
    %dma_wait3A_122 = tpu.memref_slice %arg12[%dma_wait3A_118, %dma_wait3A_120, %dma_wait3A_121] : memref<4x128x16xf32, #tpu.memory_space<vmem>> -> memref<1x128x16xf32, #tpu.memory_space<vmem>>
    %dma_wait3A_123 = tpu.memref_squeeze %dma_wait3A_122 : memref<1x128x16xf32, #tpu.memory_space<vmem>> -> memref<128x16xf32, #tpu.memory_space<vmem>>
    %dma_wait3A_124 = arith.constant 0 : i32
    %dma_wait3A_125 = tpu.memref_slice %arg10[%dma_wait3A_117, %dma_wait3A_124] : memref<80x128xi32, #tpu.memory_space<vmem>> -> memref<1x128xi32, #tpu.memory_space<vmem>>
    %dma_wait3A_126 = tpu.memref_squeeze %dma_wait3A_125 : memref<1x128xi32, #tpu.memory_space<vmem>> -> memref<128xi32, #tpu.memory_space<vmem>>
    %dma_wait3A_127 = arith.constant 0 : i32
    %dma_wait3A_128 = arith.constant 0 : i32
    %dma_wait3A_129 = tpu.memref_slice %arg19[%dma_wait3A_127, %dma_wait3A_128] : memref<10112x16xf32, #tpu.memory_space<vmem_shared>> -> memref<10112x16xf32, #tpu.memory_space<vmem_shared>>
    %dma_wait3A_130 = tpu.memref_slice %arg20[%dma_wait3A_119] : memref<4x!tpu.dma_semaphore, #tpu.memory_space<semaphore_mem>> -> memref<1x!tpu.dma_semaphore, #tpu.memory_space<semaphore_mem>>
    %dma_wait3A_131 = tpu.memref_squeeze %dma_wait3A_130 : memref<1x!tpu.dma_semaphore, #tpu.memory_space<semaphore_mem>> -> memref<!tpu.dma_semaphore, #tpu.memory_space<semaphore_mem>>
    tpu.wait_indirect_dma semaphore(%dma_wait3A_131 : memref<!tpu.dma_semaphore, #tpu.memory_space<semaphore_mem>>) src(%dma_wait3A_129 : memref<10112x16xf32, #tpu.memory_space<vmem_shared>>) dst(%dma_wait3A_123 : memref<128x16xf32, #tpu.memory_space<vmem>>)
    %run_scoped3A_132 = arith.constant 0 : i32
    %run_scoped3A_133 = arith.constant 76 : i32
    "tpu.region"() ({
      %run_scoped3A_191 = tpu.sem_alloc : memref<!tpu.dma_semaphore, #tpu.memory_space<semaphore_mem>>
      %dma_start3A_192 = arith.constant 0 : i32
      %dma_start3A_193 = arith.constant 0 : i32
      %dma_start3A_194 = tpu.memref_slice %arg12[%run_scoped3A_132, %dma_start3A_192, %dma_start3A_193] : memref<4x128x16xf32, #tpu.memory_space<vmem>> -> memref<1x128x16xf32, #tpu.memory_space<vmem>>
      %dma_start3A_195 = tpu.memref_squeeze %dma_start3A_194 : memref<1x128x16xf32, #tpu.memory_space<vmem>> -> memref<128x16xf32, #tpu.memory_space<vmem>>
      %dma_start3A_196 = arith.constant 0 : i32
      %dma_start3A_197 = tpu.memref_slice %arg11[%run_scoped3A_133, %dma_start3A_196] : memref<80x128xi32, #tpu.memory_space<vmem>> -> memref<1x128xi32, #tpu.memory_space<vmem>>
      %dma_start3A_198 = tpu.memref_squeeze %dma_start3A_197 : memref<1x128xi32, #tpu.memory_space<vmem>> -> memref<128xi32, #tpu.memory_space<vmem>>
      %dma_start3A_199 = arith.constant 0 : i32
      %dma_start3A_200 = arith.constant 0 : i32
      %dma_start3A_201 = tpu.memref_slice %arg18[%dma_start3A_199, %dma_start3A_200] : memref<10112x16xf32, #tpu.memory_space<vmem_shared>> -> memref<10112x16xf32, #tpu.memory_space<vmem_shared>>
      tpu.enqueue_indirect_dma source(%dma_start3A_195 : memref<128x16xf32, #tpu.memory_space<vmem>>) target(%dma_start3A_201 : memref<10112x16xf32, #tpu.memory_space<vmem_shared>>) offsets(%dma_start3A_198 : memref<128xi32, #tpu.memory_space<vmem>>) semaphore(%run_scoped3A_191 : memref<!tpu.dma_semaphore, #tpu.memory_space<semaphore_mem>>) {add = true}
      %dma_wait3A_202 = arith.constant 0 : i32
      %dma_wait3A_203 = arith.constant 0 : i32
      %dma_wait3A_204 = tpu.memref_slice %arg12[%run_scoped3A_132, %dma_wait3A_202, %dma_wait3A_203] : memref<4x128x16xf32, #tpu.memory_space<vmem>> -> memref<1x128x16xf32, #tpu.memory_space<vmem>>
      %dma_wait3A_205 = tpu.memref_squeeze %dma_wait3A_204 : memref<1x128x16xf32, #tpu.memory_space<vmem>> -> memref<128x16xf32, #tpu.memory_space<vmem>>
      %dma_wait3A_206 = arith.constant 0 : i32
      %dma_wait3A_207 = tpu.memref_slice %arg11[%run_scoped3A_133, %dma_wait3A_206] : memref<80x128xi32, #tpu.memory_space<vmem>> -> memref<1x128xi32, #tpu.memory_space<vmem>>
      %dma_wait3A_208 = tpu.memref_squeeze %dma_wait3A_207 : memref<1x128xi32, #tpu.memory_space<vmem>> -> memref<128xi32, #tpu.memory_space<vmem>>
      %dma_wait3A_209 = arith.constant 0 : i32
      %dma_wait3A_210 = arith.constant 0 : i32
      %dma_wait3A_211 = tpu.memref_slice %arg18[%dma_wait3A_209, %dma_wait3A_210] : memref<10112x16xf32, #tpu.memory_space<vmem_shared>> -> memref<10112x16xf32, #tpu.memory_space<vmem_shared>>
      tpu.wait_indirect_dma semaphore(%run_scoped3A_191 : memref<!tpu.dma_semaphore, #tpu.memory_space<semaphore_mem>>) src(%dma_wait3A_205 : memref<128x16xf32, #tpu.memory_space<vmem>>) dst(%dma_wait3A_211 : memref<10112x16xf32, #tpu.memory_space<vmem_shared>>)
      tpu.yield
    }) : () -> ()
    %dma_wait3A_134 = arith.constant 77 : i32
    %dma_wait3A_135 = arith.constant 1 : i32
    %dma_wait3A_136 = arith.constant 1 : i32
    %dma_wait3A_137 = arith.constant 0 : i32
    %dma_wait3A_138 = arith.constant 0 : i32
    %dma_wait3A_139 = tpu.memref_slice %arg12[%dma_wait3A_135, %dma_wait3A_137, %dma_wait3A_138] : memref<4x128x16xf32, #tpu.memory_space<vmem>> -> memref<1x128x16xf32, #tpu.memory_space<vmem>>
    %dma_wait3A_140 = tpu.memref_squeeze %dma_wait3A_139 : memref<1x128x16xf32, #tpu.memory_space<vmem>> -> memref<128x16xf32, #tpu.memory_space<vmem>>
    %dma_wait3A_141 = arith.constant 0 : i32
    %dma_wait3A_142 = tpu.memref_slice %arg10[%dma_wait3A_134, %dma_wait3A_141] : memref<80x128xi32, #tpu.memory_space<vmem>> -> memref<1x128xi32, #tpu.memory_space<vmem>>
    %dma_wait3A_143 = tpu.memref_squeeze %dma_wait3A_142 : memref<1x128xi32, #tpu.memory_space<vmem>> -> memref<128xi32, #tpu.memory_space<vmem>>
    %dma_wait3A_144 = arith.constant 0 : i32
    %dma_wait3A_145 = arith.constant 0 : i32
    %dma_wait3A_146 = tpu.memref_slice %arg19[%dma_wait3A_144, %dma_wait3A_145] : memref<10112x16xf32, #tpu.memory_space<vmem_shared>> -> memref<10112x16xf32, #tpu.memory_space<vmem_shared>>
    %dma_wait3A_147 = tpu.memref_slice %arg20[%dma_wait3A_136] : memref<4x!tpu.dma_semaphore, #tpu.memory_space<semaphore_mem>> -> memref<1x!tpu.dma_semaphore, #tpu.memory_space<semaphore_mem>>
    %dma_wait3A_148 = tpu.memref_squeeze %dma_wait3A_147 : memref<1x!tpu.dma_semaphore, #tpu.memory_space<semaphore_mem>> -> memref<!tpu.dma_semaphore, #tpu.memory_space<semaphore_mem>>
    tpu.wait_indirect_dma semaphore(%dma_wait3A_148 : memref<!tpu.dma_semaphore, #tpu.memory_space<semaphore_mem>>) src(%dma_wait3A_146 : memref<10112x16xf32, #tpu.memory_space<vmem_shared>>) dst(%dma_wait3A_140 : memref<128x16xf32, #tpu.memory_space<vmem>>)
    %run_scoped3A_149 = arith.constant 1 : i32
    %run_scoped3A_150 = arith.constant 77 : i32
    "tpu.region"() ({
      %run_scoped3A_191 = tpu.sem_alloc : memref<!tpu.dma_semaphore, #tpu.memory_space<semaphore_mem>>
      %dma_start3A_192 = arith.constant 0 : i32
      %dma_start3A_193 = arith.constant 0 : i32
      %dma_start3A_194 = tpu.memref_slice %arg12[%run_scoped3A_149, %dma_start3A_192, %dma_start3A_193] : memref<4x128x16xf32, #tpu.memory_space<vmem>> -> memref<1x128x16xf32, #tpu.memory_space<vmem>>
      %dma_start3A_195 = tpu.memref_squeeze %dma_start3A_194 : memref<1x128x16xf32, #tpu.memory_space<vmem>> -> memref<128x16xf32, #tpu.memory_space<vmem>>
      %dma_start3A_196 = arith.constant 0 : i32
      %dma_start3A_197 = tpu.memref_slice %arg11[%run_scoped3A_150, %dma_start3A_196] : memref<80x128xi32, #tpu.memory_space<vmem>> -> memref<1x128xi32, #tpu.memory_space<vmem>>
      %dma_start3A_198 = tpu.memref_squeeze %dma_start3A_197 : memref<1x128xi32, #tpu.memory_space<vmem>> -> memref<128xi32, #tpu.memory_space<vmem>>
      %dma_start3A_199 = arith.constant 0 : i32
      %dma_start3A_200 = arith.constant 0 : i32
      %dma_start3A_201 = tpu.memref_slice %arg18[%dma_start3A_199, %dma_start3A_200] : memref<10112x16xf32, #tpu.memory_space<vmem_shared>> -> memref<10112x16xf32, #tpu.memory_space<vmem_shared>>
      tpu.enqueue_indirect_dma source(%dma_start3A_195 : memref<128x16xf32, #tpu.memory_space<vmem>>) target(%dma_start3A_201 : memref<10112x16xf32, #tpu.memory_space<vmem_shared>>) offsets(%dma_start3A_198 : memref<128xi32, #tpu.memory_space<vmem>>) semaphore(%run_scoped3A_191 : memref<!tpu.dma_semaphore, #tpu.memory_space<semaphore_mem>>) {add = true}
      %dma_wait3A_202 = arith.constant 0 : i32
      %dma_wait3A_203 = arith.constant 0 : i32
      %dma_wait3A_204 = tpu.memref_slice %arg12[%run_scoped3A_149, %dma_wait3A_202, %dma_wait3A_203] : memref<4x128x16xf32, #tpu.memory_space<vmem>> -> memref<1x128x16xf32, #tpu.memory_space<vmem>>
      %dma_wait3A_205 = tpu.memref_squeeze %dma_wait3A_204 : memref<1x128x16xf32, #tpu.memory_space<vmem>> -> memref<128x16xf32, #tpu.memory_space<vmem>>
      %dma_wait3A_206 = arith.constant 0 : i32
      %dma_wait3A_207 = tpu.memref_slice %arg11[%run_scoped3A_150, %dma_wait3A_206] : memref<80x128xi32, #tpu.memory_space<vmem>> -> memref<1x128xi32, #tpu.memory_space<vmem>>
      %dma_wait3A_208 = tpu.memref_squeeze %dma_wait3A_207 : memref<1x128xi32, #tpu.memory_space<vmem>> -> memref<128xi32, #tpu.memory_space<vmem>>
      %dma_wait3A_209 = arith.constant 0 : i32
      %dma_wait3A_210 = arith.constant 0 : i32
      %dma_wait3A_211 = tpu.memref_slice %arg18[%dma_wait3A_209, %dma_wait3A_210] : memref<10112x16xf32, #tpu.memory_space<vmem_shared>> -> memref<10112x16xf32, #tpu.memory_space<vmem_shared>>
      tpu.wait_indirect_dma semaphore(%run_scoped3A_191 : memref<!tpu.dma_semaphore, #tpu.memory_space<semaphore_mem>>) src(%dma_wait3A_205 : memref<128x16xf32, #tpu.memory_space<vmem>>) dst(%dma_wait3A_211 : memref<10112x16xf32, #tpu.memory_space<vmem_shared>>)
      tpu.yield
    }) : () -> ()
    %dma_wait3A_151 = arith.constant 78 : i32
    %dma_wait3A_152 = arith.constant 2 : i32
    %dma_wait3A_153 = arith.constant 2 : i32
    %dma_wait3A_154 = arith.constant 0 : i32
    %dma_wait3A_155 = arith.constant 0 : i32
    %dma_wait3A_156 = tpu.memref_slice %arg12[%dma_wait3A_152, %dma_wait3A_154, %dma_wait3A_155] : memref<4x128x16xf32, #tpu.memory_space<vmem>> -> memref<1x128x16xf32, #tpu.memory_space<vmem>>
    %dma_wait3A_157 = tpu.memref_squeeze %dma_wait3A_156 : memref<1x128x16xf32, #tpu.memory_space<vmem>> -> memref<128x16xf32, #tpu.memory_space<vmem>>
    %dma_wait3A_158 = arith.constant 0 : i32
    %dma_wait3A_159 = tpu.memref_slice %arg10[%dma_wait3A_151, %dma_wait3A_158] : memref<80x128xi32, #tpu.memory_space<vmem>> -> memref<1x128xi32, #tpu.memory_space<vmem>>
    %dma_wait3A_160 = tpu.memref_squeeze %dma_wait3A_159 : memref<1x128xi32, #tpu.memory_space<vmem>> -> memref<128xi32, #tpu.memory_space<vmem>>
    %dma_wait3A_161 = arith.constant 0 : i32
    %dma_wait3A_162 = arith.constant 0 : i32
    %dma_wait3A_163 = tpu.memref_slice %arg19[%dma_wait3A_161, %dma_wait3A_162] : memref<10112x16xf32, #tpu.memory_space<vmem_shared>> -> memref<10112x16xf32, #tpu.memory_space<vmem_shared>>
    %dma_wait3A_164 = tpu.memref_slice %arg20[%dma_wait3A_153] : memref<4x!tpu.dma_semaphore, #tpu.memory_space<semaphore_mem>> -> memref<1x!tpu.dma_semaphore, #tpu.memory_space<semaphore_mem>>
    %dma_wait3A_165 = tpu.memref_squeeze %dma_wait3A_164 : memref<1x!tpu.dma_semaphore, #tpu.memory_space<semaphore_mem>> -> memref<!tpu.dma_semaphore, #tpu.memory_space<semaphore_mem>>
    tpu.wait_indirect_dma semaphore(%dma_wait3A_165 : memref<!tpu.dma_semaphore, #tpu.memory_space<semaphore_mem>>) src(%dma_wait3A_163 : memref<10112x16xf32, #tpu.memory_space<vmem_shared>>) dst(%dma_wait3A_157 : memref<128x16xf32, #tpu.memory_space<vmem>>)
    %run_scoped3A_166 = arith.constant 2 : i32
    %run_scoped3A_167 = arith.constant 78 : i32
    "tpu.region"() ({
      %run_scoped3A_191 = tpu.sem_alloc : memref<!tpu.dma_semaphore, #tpu.memory_space<semaphore_mem>>
      %dma_start3A_192 = arith.constant 0 : i32
      %dma_start3A_193 = arith.constant 0 : i32
      %dma_start3A_194 = tpu.memref_slice %arg12[%run_scoped3A_166, %dma_start3A_192, %dma_start3A_193] : memref<4x128x16xf32, #tpu.memory_space<vmem>> -> memref<1x128x16xf32, #tpu.memory_space<vmem>>
      %dma_start3A_195 = tpu.memref_squeeze %dma_start3A_194 : memref<1x128x16xf32, #tpu.memory_space<vmem>> -> memref<128x16xf32, #tpu.memory_space<vmem>>
      %dma_start3A_196 = arith.constant 0 : i32
      %dma_start3A_197 = tpu.memref_slice %arg11[%run_scoped3A_167, %dma_start3A_196] : memref<80x128xi32, #tpu.memory_space<vmem>> -> memref<1x128xi32, #tpu.memory_space<vmem>>
      %dma_start3A_198 = tpu.memref_squeeze %dma_start3A_197 : memref<1x128xi32, #tpu.memory_space<vmem>> -> memref<128xi32, #tpu.memory_space<vmem>>
      %dma_start3A_199 = arith.constant 0 : i32
      %dma_start3A_200 = arith.constant 0 : i32
      %dma_start3A_201 = tpu.memref_slice %arg18[%dma_start3A_199, %dma_start3A_200] : memref<10112x16xf32, #tpu.memory_space<vmem_shared>> -> memref<10112x16xf32, #tpu.memory_space<vmem_shared>>
      tpu.enqueue_indirect_dma source(%dma_start3A_195 : memref<128x16xf32, #tpu.memory_space<vmem>>) target(%dma_start3A_201 : memref<10112x16xf32, #tpu.memory_space<vmem_shared>>) offsets(%dma_start3A_198 : memref<128xi32, #tpu.memory_space<vmem>>) semaphore(%run_scoped3A_191 : memref<!tpu.dma_semaphore, #tpu.memory_space<semaphore_mem>>) {add = true}
      %dma_wait3A_202 = arith.constant 0 : i32
      %dma_wait3A_203 = arith.constant 0 : i32
      %dma_wait3A_204 = tpu.memref_slice %arg12[%run_scoped3A_166, %dma_wait3A_202, %dma_wait3A_203] : memref<4x128x16xf32, #tpu.memory_space<vmem>> -> memref<1x128x16xf32, #tpu.memory_space<vmem>>
      %dma_wait3A_205 = tpu.memref_squeeze %dma_wait3A_204 : memref<1x128x16xf32, #tpu.memory_space<vmem>> -> memref<128x16xf32, #tpu.memory_space<vmem>>
      %dma_wait3A_206 = arith.constant 0 : i32
      %dma_wait3A_207 = tpu.memref_slice %arg11[%run_scoped3A_167, %dma_wait3A_206] : memref<80x128xi32, #tpu.memory_space<vmem>> -> memref<1x128xi32, #tpu.memory_space<vmem>>
      %dma_wait3A_208 = tpu.memref_squeeze %dma_wait3A_207 : memref<1x128xi32, #tpu.memory_space<vmem>> -> memref<128xi32, #tpu.memory_space<vmem>>
      %dma_wait3A_209 = arith.constant 0 : i32
      %dma_wait3A_210 = arith.constant 0 : i32
      %dma_wait3A_211 = tpu.memref_slice %arg18[%dma_wait3A_209, %dma_wait3A_210] : memref<10112x16xf32, #tpu.memory_space<vmem_shared>> -> memref<10112x16xf32, #tpu.memory_space<vmem_shared>>
      tpu.wait_indirect_dma semaphore(%run_scoped3A_191 : memref<!tpu.dma_semaphore, #tpu.memory_space<semaphore_mem>>) src(%dma_wait3A_205 : memref<128x16xf32, #tpu.memory_space<vmem>>) dst(%dma_wait3A_211 : memref<10112x16xf32, #tpu.memory_space<vmem_shared>>)
      tpu.yield
    }) : () -> ()
    %dma_wait3A_168 = arith.constant 79 : i32
    %dma_wait3A_169 = arith.constant 3 : i32
    %dma_wait3A_170 = arith.constant 3 : i32
    %dma_wait3A_171 = arith.constant 0 : i32
    %dma_wait3A_172 = arith.constant 0 : i32
    %dma_wait3A_173 = tpu.memref_slice %arg12[%dma_wait3A_169, %dma_wait3A_171, %dma_wait3A_172] : memref<4x128x16xf32, #tpu.memory_space<vmem>> -> memref<1x128x16xf32, #tpu.memory_space<vmem>>
    %dma_wait3A_174 = tpu.memref_squeeze %dma_wait3A_173 : memref<1x128x16xf32, #tpu.memory_space<vmem>> -> memref<128x16xf32, #tpu.memory_space<vmem>>
    %dma_wait3A_175 = arith.constant 0 : i32
    %dma_wait3A_176 = tpu.memref_slice %arg10[%dma_wait3A_168, %dma_wait3A_175] : memref<80x128xi32, #tpu.memory_space<vmem>> -> memref<1x128xi32, #tpu.memory_space<vmem>>
    %dma_wait3A_177 = tpu.memref_squeeze %dma_wait3A_176 : memref<1x128xi32, #tpu.memory_space<vmem>> -> memref<128xi32, #tpu.memory_space<vmem>>
    %dma_wait3A_178 = arith.constant 0 : i32
    %dma_wait3A_179 = arith.constant 0 : i32
    %dma_wait3A_180 = tpu.memref_slice %arg19[%dma_wait3A_178, %dma_wait3A_179] : memref<10112x16xf32, #tpu.memory_space<vmem_shared>> -> memref<10112x16xf32, #tpu.memory_space<vmem_shared>>
    %dma_wait3A_181 = tpu.memref_slice %arg20[%dma_wait3A_170] : memref<4x!tpu.dma_semaphore, #tpu.memory_space<semaphore_mem>> -> memref<1x!tpu.dma_semaphore, #tpu.memory_space<semaphore_mem>>
    %dma_wait3A_182 = tpu.memref_squeeze %dma_wait3A_181 : memref<1x!tpu.dma_semaphore, #tpu.memory_space<semaphore_mem>> -> memref<!tpu.dma_semaphore, #tpu.memory_space<semaphore_mem>>
    tpu.wait_indirect_dma semaphore(%dma_wait3A_182 : memref<!tpu.dma_semaphore, #tpu.memory_space<semaphore_mem>>) src(%dma_wait3A_180 : memref<10112x16xf32, #tpu.memory_space<vmem_shared>>) dst(%dma_wait3A_174 : memref<128x16xf32, #tpu.memory_space<vmem>>)
    %run_scoped3A_183 = arith.constant 3 : i32
    %run_scoped3A_184 = arith.constant 79 : i32
    "tpu.region"() ({
      %run_scoped3A_191 = tpu.sem_alloc : memref<!tpu.dma_semaphore, #tpu.memory_space<semaphore_mem>>
      %dma_start3A_192 = arith.constant 0 : i32
      %dma_start3A_193 = arith.constant 0 : i32
      %dma_start3A_194 = tpu.memref_slice %arg12[%run_scoped3A_183, %dma_start3A_192, %dma_start3A_193] : memref<4x128x16xf32, #tpu.memory_space<vmem>> -> memref<1x128x16xf32, #tpu.memory_space<vmem>>
      %dma_start3A_195 = tpu.memref_squeeze %dma_start3A_194 : memref<1x128x16xf32, #tpu.memory_space<vmem>> -> memref<128x16xf32, #tpu.memory_space<vmem>>
      %dma_start3A_196 = arith.constant 0 : i32
      %dma_start3A_197 = tpu.memref_slice %arg11[%run_scoped3A_184, %dma_start3A_196] : memref<80x128xi32, #tpu.memory_space<vmem>> -> memref<1x128xi32, #tpu.memory_space<vmem>>
      %dma_start3A_198 = tpu.memref_squeeze %dma_start3A_197 : memref<1x128xi32, #tpu.memory_space<vmem>> -> memref<128xi32, #tpu.memory_space<vmem>>
      %dma_start3A_199 = arith.constant 0 : i32
      %dma_start3A_200 = arith.constant 0 : i32
      %dma_start3A_201 = tpu.memref_slice %arg18[%dma_start3A_199, %dma_start3A_200] : memref<10112x16xf32, #tpu.memory_space<vmem_shared>> -> memref<10112x16xf32, #tpu.memory_space<vmem_shared>>
      tpu.enqueue_indirect_dma source(%dma_start3A_195 : memref<128x16xf32, #tpu.memory_space<vmem>>) target(%dma_start3A_201 : memref<10112x16xf32, #tpu.memory_space<vmem_shared>>) offsets(%dma_start3A_198 : memref<128xi32, #tpu.memory_space<vmem>>) semaphore(%run_scoped3A_191 : memref<!tpu.dma_semaphore, #tpu.memory_space<semaphore_mem>>) {add = true}
      %dma_wait3A_202 = arith.constant 0 : i32
      %dma_wait3A_203 = arith.constant 0 : i32
      %dma_wait3A_204 = tpu.memref_slice %arg12[%run_scoped3A_183, %dma_wait3A_202, %dma_wait3A_203] : memref<4x128x16xf32, #tpu.memory_space<vmem>> -> memref<1x128x16xf32, #tpu.memory_space<vmem>>
      %dma_wait3A_205 = tpu.memref_squeeze %dma_wait3A_204 : memref<1x128x16xf32, #tpu.memory_space<vmem>> -> memref<128x16xf32, #tpu.memory_space<vmem>>
      %dma_wait3A_206 = arith.constant 0 : i32
      %dma_wait3A_207 = tpu.memref_slice %arg11[%run_scoped3A_184, %dma_wait3A_206] : memref<80x128xi32, #tpu.memory_space<vmem>> -> memref<1x128xi32, #tpu.memory_space<vmem>>
      %dma_wait3A_208 = tpu.memref_squeeze %dma_wait3A_207 : memref<1x128xi32, #tpu.memory_space<vmem>> -> memref<128xi32, #tpu.memory_space<vmem>>
      %dma_wait3A_209 = arith.constant 0 : i32
      %dma_wait3A_210 = arith.constant 0 : i32
      %dma_wait3A_211 = tpu.memref_slice %arg18[%dma_wait3A_209, %dma_wait3A_210] : memref<10112x16xf32, #tpu.memory_space<vmem_shared>> -> memref<10112x16xf32, #tpu.memory_space<vmem_shared>>
      tpu.wait_indirect_dma semaphore(%run_scoped3A_191 : memref<!tpu.dma_semaphore, #tpu.memory_space<semaphore_mem>>) src(%dma_wait3A_205 : memref<128x16xf32, #tpu.memory_space<vmem>>) dst(%dma_wait3A_211 : memref<10112x16xf32, #tpu.memory_space<vmem_shared>>)
      tpu.yield
    }) : () -> ()
    %eq3A_185 = arith.constant 0 : i32
    %eq3A_186 = arith.cmpi eq, %arg0, %eq3A_185 : i32
    %convert_element_type3A_187 = arith.extui %eq3A_186 : i1 to i32
    %cond3A_188 = arith.constant 0 : i32
    %cond3A_189 = arith.cmpi ne, %convert_element_type3A_187, %cond3A_188 : i32
    scf.if %cond3A_189 {
      %dma_wait3A_191 = arith.constant 0 : i32
      %dma_wait3A_192 = tpu.memref_slice %arg9[%mul3A_2, %dma_wait3A_191] : memref<10112x16xf32, #tpu.memory_space<hbm>> -> memref<632x16xf32, #tpu.memory_space<hbm>>
      %dma_wait3A_193 = arith.constant 0 : i32
      %dma_wait3A_194 = tpu.memref_slice %arg9[%mul3A_2, %dma_wait3A_193] : memref<10112x16xf32, #tpu.memory_space<hbm>> -> memref<632x16xf32, #tpu.memory_space<hbm>>
      tpu.wait_dma2 semaphore(%arg22 : memref<!tpu.dma_semaphore, #tpu.memory_space<semaphore_mem>>) src(%arg15 : memref<632x16xf32, #tpu.memory_space<vmem>>) dst(%dma_wait3A_194 : memref<632x16xf32, #tpu.memory_space<hbm>>)
    } else {
    }
    %barrier3A_190 = arith.constant 0 : index
    tpu.barrier barrier_id(%barrier3A_190)
    "tpu.region"() ({
      %run_scoped3A_191 = tpu.sem_alloc : memref<!tpu.dma_semaphore, #tpu.memory_space<semaphore_mem>>
      %dma_start3A_192 = arith.constant 0 : i32
      %dma_start3A_193 = arith.constant 0 : i32
      %dma_start3A_194 = tpu.memref_slice %arg8[%arg0, %dma_start3A_192, %dma_start3A_193] : memref<2x10112x16xf32, #tpu.memory_space<hbm>> -> memref<1x10112x16xf32, #tpu.memory_space<hbm>>
      %dma_start3A_195 = tpu.memref_squeeze %dma_start3A_194 : memref<1x10112x16xf32, #tpu.memory_space<hbm>> -> memref<10112x16xf32, #tpu.memory_space<hbm>>
      %dma_start3A_196 = arith.constant 0 : i32
      %dma_start3A_197 = tpu.memref_slice %dma_start3A_195[%mul3A_2, %dma_start3A_196] : memref<10112x16xf32, #tpu.memory_space<hbm>> -> memref<632x16xf32, #tpu.memory_space<hbm>>
      %dma_start3A_198 = arith.constant 0 : i32
      %dma_start3A_199 = tpu.memref_slice %arg18[%mul3A_2, %dma_start3A_198] : memref<10112x16xf32, #tpu.memory_space<vmem_shared>> -> memref<632x16xf32, #tpu.memory_space<vmem_shared>>
      tpu.enqueue_dma source(%dma_start3A_199 : memref<632x16xf32, #tpu.memory_space<vmem_shared>>) target(%dma_start3A_197 : memref<632x16xf32, #tpu.memory_space<hbm>>) target_semaphore(%run_scoped3A_191 : memref<!tpu.dma_semaphore, #tpu.memory_space<semaphore_mem>>)
      %dma_wait3A_200 = arith.constant 0 : i32
      %dma_wait3A_201 = arith.constant 0 : i32
      %dma_wait3A_202 = tpu.memref_slice %arg8[%arg0, %dma_wait3A_200, %dma_wait3A_201] : memref<2x10112x16xf32, #tpu.memory_space<hbm>> -> memref<1x10112x16xf32, #tpu.memory_space<hbm>>
      %dma_wait3A_203 = tpu.memref_squeeze %dma_wait3A_202 : memref<1x10112x16xf32, #tpu.memory_space<hbm>> -> memref<10112x16xf32, #tpu.memory_space<hbm>>
      %dma_wait3A_204 = arith.constant 0 : i32
      %dma_wait3A_205 = tpu.memref_slice %dma_wait3A_203[%mul3A_2, %dma_wait3A_204] : memref<10112x16xf32, #tpu.memory_space<hbm>> -> memref<632x16xf32, #tpu.memory_space<hbm>>
      %dma_wait3A_206 = arith.constant 0 : i32
      %dma_wait3A_207 = tpu.memref_slice %arg18[%mul3A_2, %dma_wait3A_206] : memref<10112x16xf32, #tpu.memory_space<vmem_shared>> -> memref<632x16xf32, #tpu.memory_space<vmem_shared>>
      tpu.wait_dma2 semaphore(%run_scoped3A_191 : memref<!tpu.dma_semaphore, #tpu.memory_space<semaphore_mem>>) src(%dma_wait3A_207 : memref<632x16xf32, #tpu.memory_space<vmem_shared>>) dst(%dma_wait3A_205 : memref<632x16xf32, #tpu.memory_space<hbm>>)
      tpu.yield
    }) : () -> ()
    return
  }
}

#map = affine_map<(d0, d1) -> (0, 0, 0)>
module attributes {stable_mosaic.version = 14 : i64} {
  func.func @k(%arg0: i32, %arg1: i32, %arg2: memref<32x80x128xi32, #tpu.memory_space<hbm>>, %arg3: memref<2x10112x16xf32, #tpu.memory_space<hbm>>, %arg4: memref<80x128xi32, #tpu.memory_space<vmem>>, %arg5: memref<128x16xf32, #tpu.memory_space<vmem>>, %arg6: memref<632x16xf32, #tpu.memory_space<vmem>>, %arg7: memref<10112x16xf32, #tpu.memory_space<vmem_shared>>, %arg8: memref<!tpu.dma_semaphore, #tpu.memory_space<semaphore_mem>>) attributes {dimension_semantics = [#tpu.dimension_semantics<core_parallel>, #tpu.dimension_semantics<subcore_parallel>], iteration_bounds = array<i64: 2, 16>, scalar_prefetch = 0 : i64, scratch_operands = 5 : i64, tpu.core_type = #tpu.core_type<sc_vector_subcore>, window_params = [{transform_indices = #map}, {transform_indices = #map}]} {
    %mul3A = arith.constant 2 : i32
    %mul3A_0 = arith.muli %arg1, %mul3A : i32
    %add3A = arith.addi %mul3A_0, %arg0 : i32
    %mul3A_1 = arith.constant 632 : i32
    %mul3A_2 = arith.muli %arg1, %mul3A_1 : i32
    %scan3A = arith.constant 0 : i32
    %scan3A_3 = arith.constant 128 : i32
    %scan3A_4 = arith.addi %scan3A, %scan3A_3 : i32
    %scan3A_5 = arith.constant 1 : i32
    scf.for %scan3A_23 = %scan3A to %scan3A_4 step %scan3A_5  : i32 {
      %mul3A_24 = arith.constant 1 : i32
      %mul3A_25 = arith.muli %scan3A_23, %mul3A_24 : i32
      %add3A_26 = arith.constant 0 : i32
      %add3A_27 = arith.addi %add3A_26, %mul3A_25 : i32
      %broadcast_in_dim3A = arith.constant 1.000000e+00 : f32
      %broadcast_in_dim3A_28 = vector.broadcast %broadcast_in_dim3A : f32 to vector<16xf32>
      %swap3A = arith.index_cast %add3A_27 : i32 to index
      %swap3A_29 = arith.constant 0 : index
      %swap3A_30 = tpu.vector_load %arg5[%swap3A, %swap3A_29] {strides = array<i32>} : memref<128x16xf32, #tpu.memory_space<vmem>>, vector<1x16xf32>,
      %swap3A_31 = vector.shape_cast %swap3A_30 : vector<1x16xf32> to vector<16xf32>
      %swap3A_32 = vector.shape_cast %broadcast_in_dim3A_28 : vector<16xf32> to vector<1x16xf32>
      tpu.vector_store %arg5[%swap3A, %swap3A_29], %swap3A_32 {strides = array<i32>} : memref<128x16xf32, #tpu.memory_space<vmem>>, vector<1x16xf32>,
    }
    %scan3A_6 = arith.constant 128 : i32
    %scan3A_7 = arith.constant 0 : i32
    %scan3A_8 = arith.constant 632 : i32
    %scan3A_9 = arith.addi %scan3A_7, %scan3A_8 : i32
    %scan3A_10 = arith.constant 1 : i32
    scf.for %scan3A_23 = %scan3A_7 to %scan3A_9 step %scan3A_10  : i32 {
      %mul3A_24 = arith.constant 1 : i32
      %mul3A_25 = arith.muli %scan3A_23, %mul3A_24 : i32
      %add3A_26 = arith.constant 0 : i32
      %add3A_27 = arith.addi %add3A_26, %mul3A_25 : i32
      %broadcast_in_dim3A = arith.constant 0.000000e+00 : f32
      %broadcast_in_dim3A_28 = vector.broadcast %broadcast_in_dim3A : f32 to vector<16xf32>
      %swap3A = arith.index_cast %add3A_27 : i32 to index
      %swap3A_29 = arith.constant 0 : index
      %swap3A_30 = tpu.vector_load %arg6[%swap3A, %swap3A_29] {strides = array<i32>} : memref<632x16xf32, #tpu.memory_space<vmem>>, vector<1x16xf32>,
      %swap3A_31 = vector.shape_cast %swap3A_30 : vector<1x16xf32> to vector<16xf32>
      %swap3A_32 = vector.shape_cast %broadcast_in_dim3A_28 : vector<16xf32> to vector<1x16xf32>
      tpu.vector_store %arg6[%swap3A, %swap3A_29], %swap3A_32 {strides = array<i32>} : memref<632x16xf32, #tpu.memory_space<vmem>>, vector<1x16xf32>,
    }
    %scan3A_11 = arith.constant 632 : i32
    "tpu.region"() ({
      %run_scoped3A = tpu.sem_alloc : memref<!tpu.dma_semaphore, #tpu.memory_space<semaphore_mem>>
      %dma_start3A = arith.constant 0 : i32
      %dma_start3A_23 = tpu.memref_slice %arg7[%mul3A_2, %dma_start3A] : memref<10112x16xf32, #tpu.memory_space<vmem_shared>> -> memref<632x16xf32, #tpu.memory_space<vmem_shared>>
      %dma_start3A_24 = arith.constant 0 : i32
      %dma_start3A_25 = tpu.memref_slice %arg7[%mul3A_2, %dma_start3A_24] : memref<10112x16xf32, #tpu.memory_space<vmem_shared>> -> memref<632x16xf32, #tpu.memory_space<vmem_shared>>
      tpu.enqueue_dma source(%arg6 : memref<632x16xf32, #tpu.memory_space<vmem>>) target(%dma_start3A_25 : memref<632x16xf32, #tpu.memory_space<vmem_shared>>) target_semaphore(%run_scoped3A : memref<!tpu.dma_semaphore, #tpu.memory_space<semaphore_mem>>)
      %dma_wait3A = arith.constant 0 : i32
      %dma_wait3A_26 = tpu.memref_slice %arg7[%mul3A_2, %dma_wait3A] : memref<10112x16xf32, #tpu.memory_space<vmem_shared>> -> memref<632x16xf32, #tpu.memory_space<vmem_shared>>
      %dma_wait3A_27 = arith.constant 0 : i32
      %dma_wait3A_28 = tpu.memref_slice %arg7[%mul3A_2, %dma_wait3A_27] : memref<10112x16xf32, #tpu.memory_space<vmem_shared>> -> memref<632x16xf32, #tpu.memory_space<vmem_shared>>
      tpu.wait_dma2 semaphore(%run_scoped3A : memref<!tpu.dma_semaphore, #tpu.memory_space<semaphore_mem>>) src(%arg6 : memref<632x16xf32, #tpu.memory_space<vmem>>) dst(%dma_wait3A_28 : memref<632x16xf32, #tpu.memory_space<vmem_shared>>)
      tpu.yield
    }) : () -> ()
    %barrier3A = arith.constant 0 : index
    tpu.barrier barrier_id(%barrier3A)
    "tpu.region"() ({
      %run_scoped3A = tpu.sem_alloc : memref<!tpu.dma_semaphore, #tpu.memory_space<semaphore_mem>>
      %dma_start3A = arith.constant 0 : i32
      %dma_start3A_23 = arith.constant 0 : i32
      %dma_start3A_24 = tpu.memref_slice %arg2[%add3A, %dma_start3A, %dma_start3A_23] : memref<32x80x128xi32, #tpu.memory_space<hbm>> -> memref<1x80x128xi32, #tpu.memory_space<hbm>>
      %dma_start3A_25 = tpu.memref_squeeze %dma_start3A_24 : memref<1x80x128xi32, #tpu.memory_space<hbm>> -> memref<80x128xi32, #tpu.memory_space<hbm>>
      %dma_start3A_26 = arith.constant 0 : i32
      %dma_start3A_27 = arith.constant 0 : i32
      %dma_start3A_28 = tpu.memref_slice %arg2[%add3A, %dma_start3A_26, %dma_start3A_27] : memref<32x80x128xi32, #tpu.memory_space<hbm>> -> memref<1x80x128xi32, #tpu.memory_space<hbm>>
      %dma_start3A_29 = tpu.memref_squeeze %dma_start3A_28 : memref<1x80x128xi32, #tpu.memory_space<hbm>> -> memref<80x128xi32, #tpu.memory_space<hbm>>
      tpu.enqueue_dma source(%dma_start3A_29 : memref<80x128xi32, #tpu.memory_space<hbm>>) target(%arg4 : memref<80x128xi32, #tpu.memory_space<vmem>>) target_semaphore(%run_scoped3A : memref<!tpu.dma_semaphore, #tpu.memory_space<semaphore_mem>>)
      %dma_wait3A = arith.constant 0 : i32
      %dma_wait3A_30 = arith.constant 0 : i32
      %dma_wait3A_31 = tpu.memref_slice %arg2[%add3A, %dma_wait3A, %dma_wait3A_30] : memref<32x80x128xi32, #tpu.memory_space<hbm>> -> memref<1x80x128xi32, #tpu.memory_space<hbm>>
      %dma_wait3A_32 = tpu.memref_squeeze %dma_wait3A_31 : memref<1x80x128xi32, #tpu.memory_space<hbm>> -> memref<80x128xi32, #tpu.memory_space<hbm>>
      %dma_wait3A_33 = arith.constant 0 : i32
      %dma_wait3A_34 = arith.constant 0 : i32
      %dma_wait3A_35 = tpu.memref_slice %arg2[%add3A, %dma_wait3A_33, %dma_wait3A_34] : memref<32x80x128xi32, #tpu.memory_space<hbm>> -> memref<1x80x128xi32, #tpu.memory_space<hbm>>
      %dma_wait3A_36 = tpu.memref_squeeze %dma_wait3A_35 : memref<1x80x128xi32, #tpu.memory_space<hbm>> -> memref<80x128xi32, #tpu.memory_space<hbm>>
      tpu.wait_dma2 semaphore(%run_scoped3A : memref<!tpu.dma_semaphore, #tpu.memory_space<semaphore_mem>>) src(%dma_wait3A_36 : memref<80x128xi32, #tpu.memory_space<hbm>>) dst(%arg4 : memref<80x128xi32, #tpu.memory_space<vmem>>)
      tpu.yield
    }) : () -> ()
    %scan3A_12 = arith.constant 0 : i32
    %scan3A_13 = arith.constant 80 : i32
    %scan3A_14 = arith.addi %scan3A_12, %scan3A_13 : i32
    %scan3A_15 = arith.constant 1 : i32
    scf.for %scan3A_23 = %scan3A_12 to %scan3A_14 step %scan3A_15  : i32 {
      %mul3A_24 = arith.constant 1 : i32
      %mul3A_25 = arith.muli %scan3A_23, %mul3A_24 : i32
      %add3A_26 = arith.constant 0 : i32
      %add3A_27 = arith.addi %add3A_26, %mul3A_25 : i32
      %dma_start3A = arith.constant 0 : i32
      %dma_start3A_28 = tpu.memref_slice %arg4[%add3A_27, %dma_start3A] : memref<80x128xi32, #tpu.memory_space<vmem>> -> memref<1x128xi32, #tpu.memory_space<vmem>>
      %dma_start3A_29 = tpu.memref_squeeze %dma_start3A_28 : memref<1x128xi32, #tpu.memory_space<vmem>> -> memref<128xi32, #tpu.memory_space<vmem>>
      %dma_start3A_30 = arith.constant 0 : i32
      %dma_start3A_31 = arith.constant 0 : i32
      %dma_start3A_32 = tpu.memref_slice %arg7[%dma_start3A_30, %dma_start3A_31] : memref<10112x16xf32, #tpu.memory_space<vmem_shared>> -> memref<10112x16xf32, #tpu.memory_space<vmem_shared>>
      tpu.enqueue_indirect_dma source(%arg5 : memref<128x16xf32, #tpu.memory_space<vmem>>) target(%dma_start3A_32 : memref<10112x16xf32, #tpu.memory_space<vmem_shared>>) offsets(%dma_start3A_29 : memref<128xi32, #tpu.memory_space<vmem>>) semaphore(%arg8 : memref<!tpu.dma_semaphore, #tpu.memory_space<semaphore_mem>>) {add = true}
    }
    %scan3A_16 = arith.constant 80 : i32
    %scan3A_17 = arith.constant 0 : i32
    %scan3A_18 = arith.constant 80 : i32
    %scan3A_19 = arith.addi %scan3A_17, %scan3A_18 : i32
    %scan3A_20 = arith.constant 1 : i32
    scf.for %scan3A_23 = %scan3A_17 to %scan3A_19 step %scan3A_20  : i32 {
      %mul3A_24 = arith.constant 1 : i32
      %mul3A_25 = arith.muli %scan3A_23, %mul3A_24 : i32
      %add3A_26 = arith.constant 0 : i32
      %add3A_27 = arith.addi %add3A_26, %mul3A_25 : i32
      %dma_wait3A = arith.constant 0 : i32
      %dma_wait3A_28 = tpu.memref_slice %arg4[%add3A_27, %dma_wait3A] : memref<80x128xi32, #tpu.memory_space<vmem>> -> memref<1x128xi32, #tpu.memory_space<vmem>>
      %dma_wait3A_29 = tpu.memref_squeeze %dma_wait3A_28 : memref<1x128xi32, #tpu.memory_space<vmem>> -> memref<128xi32, #tpu.memory_space<vmem>>
      %dma_wait3A_30 = arith.constant 0 : i32
      %dma_wait3A_31 = arith.constant 0 : i32
      %dma_wait3A_32 = tpu.memref_slice %arg7[%dma_wait3A_30, %dma_wait3A_31] : memref<10112x16xf32, #tpu.memory_space<vmem_shared>> -> memref<10112x16xf32, #tpu.memory_space<vmem_shared>>
      tpu.wait_indirect_dma semaphore(%arg8 : memref<!tpu.dma_semaphore, #tpu.memory_space<semaphore_mem>>) src(%arg5 : memref<128x16xf32, #tpu.memory_space<vmem>>) dst(%dma_wait3A_32 : memref<10112x16xf32, #tpu.memory_space<vmem_shared>>)
    }
    %scan3A_21 = arith.constant 80 : i32
    %barrier3A_22 = arith.constant 0 : index
    tpu.barrier barrier_id(%barrier3A_22)
    "tpu.region"() ({
      %run_scoped3A = tpu.sem_alloc : memref<!tpu.dma_semaphore, #tpu.memory_space<semaphore_mem>>
      %dma_start3A = arith.constant 0 : i32
      %dma_start3A_23 = arith.constant 0 : i32
      %dma_start3A_24 = tpu.memref_slice %arg3[%arg0, %dma_start3A, %dma_start3A_23] : memref<2x10112x16xf32, #tpu.memory_space<hbm>> -> memref<1x10112x16xf32, #tpu.memory_space<hbm>>
      %dma_start3A_25 = tpu.memref_squeeze %dma_start3A_24 : memref<1x10112x16xf32, #tpu.memory_space<hbm>> -> memref<10112x16xf32, #tpu.memory_space<hbm>>
      %dma_start3A_26 = arith.constant 0 : i32
      %dma_start3A_27 = tpu.memref_slice %dma_start3A_25[%mul3A_2, %dma_start3A_26] : memref<10112x16xf32, #tpu.memory_space<hbm>> -> memref<632x16xf32, #tpu.memory_space<hbm>>
      %dma_start3A_28 = arith.constant 0 : i32
      %dma_start3A_29 = tpu.memref_slice %arg7[%mul3A_2, %dma_start3A_28] : memref<10112x16xf32, #tpu.memory_space<vmem_shared>> -> memref<632x16xf32, #tpu.memory_space<vmem_shared>>
      tpu.enqueue_dma source(%dma_start3A_29 : memref<632x16xf32, #tpu.memory_space<vmem_shared>>) target(%dma_start3A_27 : memref<632x16xf32, #tpu.memory_space<hbm>>) target_semaphore(%run_scoped3A : memref<!tpu.dma_semaphore, #tpu.memory_space<semaphore_mem>>)
      %dma_wait3A = arith.constant 0 : i32
      %dma_wait3A_30 = arith.constant 0 : i32
      %dma_wait3A_31 = tpu.memref_slice %arg3[%arg0, %dma_wait3A, %dma_wait3A_30] : memref<2x10112x16xf32, #tpu.memory_space<hbm>> -> memref<1x10112x16xf32, #tpu.memory_space<hbm>>
      %dma_wait3A_32 = tpu.memref_squeeze %dma_wait3A_31 : memref<1x10112x16xf32, #tpu.memory_space<hbm>> -> memref<10112x16xf32, #tpu.memory_space<hbm>>
      %dma_wait3A_33 = arith.constant 0 : i32
      %dma_wait3A_34 = tpu.memref_slice %dma_wait3A_32[%mul3A_2, %dma_wait3A_33] : memref<10112x16xf32, #tpu.memory_space<hbm>> -> memref<632x16xf32, #tpu.memory_space<hbm>>
      %dma_wait3A_35 = arith.constant 0 : i32
      %dma_wait3A_36 = tpu.memref_slice %arg7[%mul3A_2, %dma_wait3A_35] : memref<10112x16xf32, #tpu.memory_space<vmem_shared>> -> memref<632x16xf32, #tpu.memory_space<vmem_shared>>
      tpu.wait_dma2 semaphore(%run_scoped3A : memref<!tpu.dma_semaphore, #tpu.memory_space<semaphore_mem>>) src(%dma_wait3A_36 : memref<632x16xf32, #tpu.memory_space<vmem_shared>>) dst(%dma_wait3A_34 : memref<632x16xf32, #tpu.memory_space<hbm>>)
      tpu.yield
    }) : () -> ()
    return
  }
}

#map = affine_map<(d0, d1) -> (0, 0, 0)>
#map1 = affine_map<(d0, d1) -> (0, 0)>
module attributes {stable_mosaic.version = 14 : i64} {
  func.func @k(%arg0: i32, %arg1: i32, %arg2: memref<2x10112x16xf32, #tpu.memory_space<hbm>>, %arg3: memref<10112x16xf32, #tpu.memory_space<hbm>>, %arg4: memref<32x80x128xi32, #tpu.memory_space<hbm>>, %arg5: memref<32x80x128xi32, #tpu.memory_space<hbm>>, %arg6: memref<2x10112x16xf32, #tpu.memory_space<hbm>>, %arg7: memref<10112x16xf32, #tpu.memory_space<hbm>>, %arg8: memref<10112x16xf32, #tpu.memory_space<hbm>>, %arg9: memref<80x128xi32, #tpu.memory_space<vmem>>, %arg10: memref<80x128xi32, #tpu.memory_space<vmem>>, %arg11: memref<4x128x16xf32, #tpu.memory_space<vmem>>, %arg12: memref<632x16xf32, #tpu.memory_space<vmem>>, %arg13: memref<632x16xf32, #tpu.memory_space<vmem>>, %arg14: memref<632x16xf32, #tpu.memory_space<vmem>>, %arg15: memref<10112x16xf32, #tpu.memory_space<vmem_shared>>, %arg16: memref<10112x16xf32, #tpu.memory_space<vmem_shared>>, %arg17: memref<4x!tpu.dma_semaphore, #tpu.memory_space<semaphore_mem>>, %arg18: memref<4x!tpu.dma_semaphore, #tpu.memory_space<semaphore_mem>>, %arg19: memref<!tpu.dma_semaphore, #tpu.memory_space<semaphore_mem>>) attributes {dimension_semantics = [#tpu.dimension_semantics<core_parallel>, #tpu.dimension_semantics<subcore_parallel>], iteration_bounds = array<i64: 2, 16>, scalar_prefetch = 0 : i64, scratch_operands = 11 : i64, tpu.core_type = #tpu.core_type<sc_vector_subcore>, window_params = [{transform_indices = #map}, {transform_indices = #map1}, {transform_indices = #map}, {transform_indices = #map}, {transform_indices = #map}, {transform_indices = #map1}, {transform_indices = #map1}]} {
    %mul3A = arith.constant 2 : i32
    %mul3A_0 = arith.muli %arg1, %mul3A : i32
    %add3A = arith.addi %mul3A_0, %arg0 : i32
    %mul3A_1 = arith.constant 632 : i32
    %mul3A_2 = arith.muli %arg1, %mul3A_1 : i32
    %dma_start3A = arith.constant 0 : i32
    %dma_start3A_3 = arith.constant 0 : i32
    %dma_start3A_4 = arith.constant 0 : i32
    %dma_start3A_5 = tpu.memref_slice %arg4[%add3A, %dma_start3A_3, %dma_start3A_4] : memref<32x80x128xi32, #tpu.memory_space<hbm>> -> memref<1x80x128xi32, #tpu.memory_space<hbm>>
    %dma_start3A_6 = tpu.memref_squeeze %dma_start3A_5 : memref<1x80x128xi32, #tpu.memory_space<hbm>> -> memref<80x128xi32, #tpu.memory_space<hbm>>
    %dma_start3A_7 = tpu.memref_slice %arg17[%dma_start3A] : memref<4x!tpu.dma_semaphore, #tpu.memory_space<semaphore_mem>> -> memref<1x!tpu.dma_semaphore, #tpu.memory_space<semaphore_mem>>
    %dma_start3A_8 = tpu.memref_squeeze %dma_start3A_7 : memref<1x!tpu.dma_semaphore, #tpu.memory_space<semaphore_mem>> -> memref<!tpu.dma_semaphore, #tpu.memory_space<semaphore_mem>>
    %dma_start3A_9 = arith.constant 0 : i32
    %dma_start3A_10 = arith.constant 0 : i32
    %dma_start3A_11 = tpu.memref_slice %arg4[%add3A, %dma_start3A_9, %dma_start3A_10] : memref<32x80x128xi32, #tpu.memory_space<hbm>> -> memref<1x80x128xi32, #tpu.memory_space<hbm>>
    %dma_start3A_12 = tpu.memref_squeeze %dma_start3A_11 : memref<1x80x128xi32, #tpu.memory_space<hbm>> -> memref<80x128xi32, #tpu.memory_space<hbm>>
    tpu.enqueue_dma source(%dma_start3A_12 : memref<80x128xi32, #tpu.memory_space<hbm>>) target(%arg9 : memref<80x128xi32, #tpu.memory_space<vmem>>) target_semaphore(%dma_start3A_8 : memref<!tpu.dma_semaphore, #tpu.memory_space<semaphore_mem>>)
    %dma_start3A_13 = arith.constant 1 : i32
    %dma_start3A_14 = arith.constant 0 : i32
    %dma_start3A_15 = arith.constant 0 : i32
    %dma_start3A_16 = tpu.memref_slice %arg5[%add3A, %dma_start3A_14, %dma_start3A_15] : memref<32x80x128xi32, #tpu.memory_space<hbm>> -> memref<1x80x128xi32, #tpu.memory_space<hbm>>
    %dma_start3A_17 = tpu.memref_squeeze %dma_start3A_16 : memref<1x80x128xi32, #tpu.memory_space<hbm>> -> memref<80x128xi32, #tpu.memory_space<hbm>>
    %dma_start3A_18 = tpu.memref_slice %arg17[%dma_start3A_13] : memref<4x!tpu.dma_semaphore, #tpu.memory_space<semaphore_mem>> -> memref<1x!tpu.dma_semaphore, #tpu.memory_space<semaphore_mem>>
    %dma_start3A_19 = tpu.memref_squeeze %dma_start3A_18 : memref<1x!tpu.dma_semaphore, #tpu.memory_space<semaphore_mem>> -> memref<!tpu.dma_semaphore, #tpu.memory_space<semaphore_mem>>
    %dma_start3A_20 = arith.constant 0 : i32
    %dma_start3A_21 = arith.constant 0 : i32
    %dma_start3A_22 = tpu.memref_slice %arg5[%add3A, %dma_start3A_20, %dma_start3A_21] : memref<32x80x128xi32, #tpu.memory_space<hbm>> -> memref<1x80x128xi32, #tpu.memory_space<hbm>>
    %dma_start3A_23 = tpu.memref_squeeze %dma_start3A_22 : memref<1x80x128xi32, #tpu.memory_space<hbm>> -> memref<80x128xi32, #tpu.memory_space<hbm>>
    tpu.enqueue_dma source(%dma_start3A_23 : memref<80x128xi32, #tpu.memory_space<hbm>>) target(%arg10 : memref<80x128xi32, #tpu.memory_space<vmem>>) target_semaphore(%dma_start3A_19 : memref<!tpu.dma_semaphore, #tpu.memory_space<semaphore_mem>>)
    %run_scoped3A = arith.constant 0 : i32
    "tpu.region"() ({
      %run_scoped3A_191 = tpu.sem_alloc : memref<!tpu.dma_semaphore, #tpu.memory_space<semaphore_mem>>
      %dma_start3A_192 = arith.constant 0 : i32
      %dma_start3A_193 = arith.constant 0 : i32
      %dma_start3A_194 = tpu.memref_slice %arg2[%run_scoped3A, %dma_start3A_192, %dma_start3A_193] : memref<2x10112x16xf32, #tpu.memory_space<hbm>> -> memref<1x10112x16xf32, #tpu.memory_space<hbm>>
      %dma_start3A_195 = tpu.memref_squeeze %dma_start3A_194 : memref<1x10112x16xf32, #tpu.memory_space<hbm>> -> memref<10112x16xf32, #tpu.memory_space<hbm>>
      %dma_start3A_196 = arith.constant 0 : i32
      %dma_start3A_197 = tpu.memref_slice %dma_start3A_195[%mul3A_2, %dma_start3A_196] : memref<10112x16xf32, #tpu.memory_space<hbm>> -> memref<632x16xf32, #tpu.memory_space<hbm>>
      %dma_start3A_198 = arith.constant 0 : i32
      %dma_start3A_199 = arith.constant 0 : i32
      %dma_start3A_200 = tpu.memref_slice %arg2[%run_scoped3A, %dma_start3A_198, %dma_start3A_199] : memref<2x10112x16xf32, #tpu.memory_space<hbm>> -> memref<1x10112x16xf32, #tpu.memory_space<hbm>>
      %dma_start3A_201 = tpu.memref_squeeze %dma_start3A_200 : memref<1x10112x16xf32, #tpu.memory_space<hbm>> -> memref<10112x16xf32, #tpu.memory_space<hbm>>
      %dma_start3A_202 = arith.constant 0 : i32
      %dma_start3A_203 = tpu.memref_slice %dma_start3A_201[%mul3A_2, %dma_start3A_202] : memref<10112x16xf32, #tpu.memory_space<hbm>> -> memref<632x16xf32, #tpu.memory_space<hbm>>
      tpu.enqueue_dma source(%dma_start3A_203 : memref<632x16xf32, #tpu.memory_space<hbm>>) target(%arg12 : memref<632x16xf32, #tpu.memory_space<vmem>>) target_semaphore(%run_scoped3A_191 : memref<!tpu.dma_semaphore, #tpu.memory_space<semaphore_mem>>)
      %dma_wait3A_204 = arith.constant 0 : i32
      %dma_wait3A_205 = arith.constant 0 : i32
      %dma_wait3A_206 = tpu.memref_slice %arg2[%run_scoped3A, %dma_wait3A_204, %dma_wait3A_205] : memref<2x10112x16xf32, #tpu.memory_space<hbm>> -> memref<1x10112x16xf32, #tpu.memory_space<hbm>>
      %dma_wait3A_207 = tpu.memref_squeeze %dma_wait3A_206 : memref<1x10112x16xf32, #tpu.memory_space<hbm>> -> memref<10112x16xf32, #tpu.memory_space<hbm>>
      %dma_wait3A_208 = arith.constant 0 : i32
      %dma_wait3A_209 = tpu.memref_slice %dma_wait3A_207[%mul3A_2, %dma_wait3A_208] : memref<10112x16xf32, #tpu.memory_space<hbm>> -> memref<632x16xf32, #tpu.memory_space<hbm>>
      %dma_wait3A_210 = arith.constant 0 : i32
      %dma_wait3A_211 = arith.constant 0 : i32
      %dma_wait3A_212 = tpu.memref_slice %arg2[%run_scoped3A, %dma_wait3A_210, %dma_wait3A_211] : memref<2x10112x16xf32, #tpu.memory_space<hbm>> -> memref<1x10112x16xf32, #tpu.memory_space<hbm>>
      %dma_wait3A_213 = tpu.memref_squeeze %dma_wait3A_212 : memref<1x10112x16xf32, #tpu.memory_space<hbm>> -> memref<10112x16xf32, #tpu.memory_space<hbm>>
      %dma_wait3A_214 = arith.constant 0 : i32
      %dma_wait3A_215 = tpu.memref_slice %dma_wait3A_213[%mul3A_2, %dma_wait3A_214] : memref<10112x16xf32, #tpu.memory_space<hbm>> -> memref<632x16xf32, #tpu.memory_space<hbm>>
      tpu.wait_dma2 semaphore(%run_scoped3A_191 : memref<!tpu.dma_semaphore, #tpu.memory_space<semaphore_mem>>) src(%dma_wait3A_215 : memref<632x16xf32, #tpu.memory_space<hbm>>) dst(%arg12 : memref<632x16xf32, #tpu.memory_space<vmem>>)
      tpu.yield
    }) : () -> ()
    %run_scoped3A_24 = arith.constant 1 : i32
    "tpu.region"() ({
      %run_scoped3A_191 = tpu.sem_alloc : memref<!tpu.dma_semaphore, #tpu.memory_space<semaphore_mem>>
      %dma_start3A_192 = arith.constant 0 : i32
      %dma_start3A_193 = arith.constant 0 : i32
      %dma_start3A_194 = tpu.memref_slice %arg2[%run_scoped3A_24, %dma_start3A_192, %dma_start3A_193] : memref<2x10112x16xf32, #tpu.memory_space<hbm>> -> memref<1x10112x16xf32, #tpu.memory_space<hbm>>
      %dma_start3A_195 = tpu.memref_squeeze %dma_start3A_194 : memref<1x10112x16xf32, #tpu.memory_space<hbm>> -> memref<10112x16xf32, #tpu.memory_space<hbm>>
      %dma_start3A_196 = arith.constant 0 : i32
      %dma_start3A_197 = tpu.memref_slice %dma_start3A_195[%mul3A_2, %dma_start3A_196] : memref<10112x16xf32, #tpu.memory_space<hbm>> -> memref<632x16xf32, #tpu.memory_space<hbm>>
      %dma_start3A_198 = arith.constant 0 : i32
      %dma_start3A_199 = arith.constant 0 : i32
      %dma_start3A_200 = tpu.memref_slice %arg2[%run_scoped3A_24, %dma_start3A_198, %dma_start3A_199] : memref<2x10112x16xf32, #tpu.memory_space<hbm>> -> memref<1x10112x16xf32, #tpu.memory_space<hbm>>
      %dma_start3A_201 = tpu.memref_squeeze %dma_start3A_200 : memref<1x10112x16xf32, #tpu.memory_space<hbm>> -> memref<10112x16xf32, #tpu.memory_space<hbm>>
      %dma_start3A_202 = arith.constant 0 : i32
      %dma_start3A_203 = tpu.memref_slice %dma_start3A_201[%mul3A_2, %dma_start3A_202] : memref<10112x16xf32, #tpu.memory_space<hbm>> -> memref<632x16xf32, #tpu.memory_space<hbm>>
      tpu.enqueue_dma source(%dma_start3A_203 : memref<632x16xf32, #tpu.memory_space<hbm>>) target(%arg13 : memref<632x16xf32, #tpu.memory_space<vmem>>) target_semaphore(%run_scoped3A_191 : memref<!tpu.dma_semaphore, #tpu.memory_space<semaphore_mem>>)
      %dma_wait3A_204 = arith.constant 0 : i32
      %dma_wait3A_205 = arith.constant 0 : i32
      %dma_wait3A_206 = tpu.memref_slice %arg2[%run_scoped3A_24, %dma_wait3A_204, %dma_wait3A_205] : memref<2x10112x16xf32, #tpu.memory_space<hbm>> -> memref<1x10112x16xf32, #tpu.memory_space<hbm>>
      %dma_wait3A_207 = tpu.memref_squeeze %dma_wait3A_206 : memref<1x10112x16xf32, #tpu.memory_space<hbm>> -> memref<10112x16xf32, #tpu.memory_space<hbm>>
      %dma_wait3A_208 = arith.constant 0 : i32
      %dma_wait3A_209 = tpu.memref_slice %dma_wait3A_207[%mul3A_2, %dma_wait3A_208] : memref<10112x16xf32, #tpu.memory_space<hbm>> -> memref<632x16xf32, #tpu.memory_space<hbm>>
      %dma_wait3A_210 = arith.constant 0 : i32
      %dma_wait3A_211 = arith.constant 0 : i32
      %dma_wait3A_212 = tpu.memref_slice %arg2[%run_scoped3A_24, %dma_wait3A_210, %dma_wait3A_211] : memref<2x10112x16xf32, #tpu.memory_space<hbm>> -> memref<1x10112x16xf32, #tpu.memory_space<hbm>>
      %dma_wait3A_213 = tpu.memref_squeeze %dma_wait3A_212 : memref<1x10112x16xf32, #tpu.memory_space<hbm>> -> memref<10112x16xf32, #tpu.memory_space<hbm>>
      %dma_wait3A_214 = arith.constant 0 : i32
      %dma_wait3A_215 = tpu.memref_slice %dma_wait3A_213[%mul3A_2, %dma_wait3A_214] : memref<10112x16xf32, #tpu.memory_space<hbm>> -> memref<632x16xf32, #tpu.memory_space<hbm>>
      tpu.wait_dma2 semaphore(%run_scoped3A_191 : memref<!tpu.dma_semaphore, #tpu.memory_space<semaphore_mem>>) src(%dma_wait3A_215 : memref<632x16xf32, #tpu.memory_space<hbm>>) dst(%arg13 : memref<632x16xf32, #tpu.memory_space<vmem>>)
      tpu.yield
    }) : () -> ()
    "tpu.region"() ({
      %run_scoped3A_191 = tpu.sem_alloc : memref<!tpu.dma_semaphore, #tpu.memory_space<semaphore_mem>>
      %dma_start3A_192 = arith.constant 0 : i32
      %dma_start3A_193 = tpu.memref_slice %arg3[%mul3A_2, %dma_start3A_192] : memref<10112x16xf32, #tpu.memory_space<hbm>> -> memref<632x16xf32, #tpu.memory_space<hbm>>
      %dma_start3A_194 = arith.constant 0 : i32
      %dma_start3A_195 = tpu.memref_slice %arg3[%mul3A_2, %dma_start3A_194] : memref<10112x16xf32, #tpu.memory_space<hbm>> -> memref<632x16xf32, #tpu.memory_space<hbm>>
      tpu.enqueue_dma source(%dma_start3A_195 : memref<632x16xf32, #tpu.memory_space<hbm>>) target(%arg14 : memref<632x16xf32, #tpu.memory_space<vmem>>) target_semaphore(%run_scoped3A_191 : memref<!tpu.dma_semaphore, #tpu.memory_space<semaphore_mem>>)
      %dma_wait3A_196 = arith.constant 0 : i32
      %dma_wait3A_197 = tpu.memref_slice %arg3[%mul3A_2, %dma_wait3A_196] : memref<10112x16xf32, #tpu.memory_space<hbm>> -> memref<632x16xf32, #tpu.memory_space<hbm>>
      %dma_wait3A_198 = arith.constant 0 : i32
      %dma_wait3A_199 = tpu.memref_slice %arg3[%mul3A_2, %dma_wait3A_198] : memref<10112x16xf32, #tpu.memory_space<hbm>> -> memref<632x16xf32, #tpu.memory_space<hbm>>
      tpu.wait_dma2 semaphore(%run_scoped3A_191 : memref<!tpu.dma_semaphore, #tpu.memory_space<semaphore_mem>>) src(%dma_wait3A_199 : memref<632x16xf32, #tpu.memory_space<hbm>>) dst(%arg14 : memref<632x16xf32, #tpu.memory_space<vmem>>)
      tpu.yield
    }) : () -> ()
    %scan3A = arith.constant 0 : i32
    %scan3A_25 = arith.constant 316 : i32
    %scan3A_26 = arith.addi %scan3A, %scan3A_25 : i32
    %scan3A_27 = arith.constant 1 : i32
    scf.for %scan3A_191 = %scan3A to %scan3A_26 step %scan3A_27  : i32 {
      %mul3A_192 = arith.constant 2 : i32
      %mul3A_193 = arith.muli %scan3A_191, %mul3A_192 : i32
      %add3A_194 = arith.constant 0 : i32
      %add3A_195 = arith.addi %add3A_194, %mul3A_193 : i32
      %add3A_196 = arith.constant 0 : i32
      %add3A_197 = arith.addi %add3A_195, %add3A_196 : i32
      %get3A = arith.index_cast %add3A_197 : i32 to index
      %get3A_198 = arith.constant 0 : index
      %get3A_199 = tpu.vector_load %arg12[%get3A, %get3A_198] {strides = array<i32>} : memref<632x16xf32, #tpu.memory_space<vmem>>, vector<1x16xf32>,
      %get3A_200 = vector.shape_cast %get3A_199 : vector<1x16xf32> to vector<16xf32>
      %add3A_201 = arith.constant 0 : i32
      %add3A_202 = arith.addi %add3A_195, %add3A_201 : i32
      %get3A_203 = arith.index_cast %add3A_202 : i32 to index
      %get3A_204 = arith.constant 0 : index
      %get3A_205 = tpu.vector_load %arg13[%get3A_203, %get3A_204] {strides = array<i32>} : memref<632x16xf32, #tpu.memory_space<vmem>>, vector<1x16xf32>,
      %get3A_206 = vector.shape_cast %get3A_205 : vector<1x16xf32> to vector<16xf32>
      %add3A_207 = arith.addf %get3A_200, %get3A_206 : vector<16xf32>
      %add3A_208 = arith.constant 1.000000e+00 : f32
      %add3A_209 = vector.broadcast %add3A_208 : f32 to vector<16xf32>
      %add3A_210 = arith.addf %add3A_207, %add3A_209 : vector<16xf32>
      %bitcast_convert_type3A = tpu.bitcast %add3A_210 : vector<16xf32> -> vector<16xi32>
      %shift_right_arithmetic3A = arith.constant 1 : i32
      %shift_right_arithmetic3A_211 = vector.broadcast %shift_right_arithmetic3A : i32 to vector<16xi32>
      %shift_right_arithmetic3A_212 = arith.shrsi %bitcast_convert_type3A, %shift_right_arithmetic3A_211 : vector<16xi32>
      %sub3A = arith.constant 1597463007 : i32
      %sub3A_213 = vector.broadcast %sub3A : i32 to vector<16xi32>
      %sub3A_214 = arith.subi %sub3A_213, %shift_right_arithmetic3A_212 : vector<16xi32>
      %bitcast_convert_type3A_215 = tpu.bitcast %sub3A_214 : vector<16xi32> -> vector<16xf32>
      %mul3A_216 = arith.constant 5.000000e-01 : f32
      %mul3A_217 = vector.broadcast %mul3A_216 : f32 to vector<16xf32>
      %mul3A_218 = arith.mulf %mul3A_217, %add3A_210 : vector<16xf32>
      %mul3A_219 = arith.mulf %mul3A_218, %bitcast_convert_type3A_215 : vector<16xf32>
      %mul3A_220 = arith.mulf %mul3A_219, %bitcast_convert_type3A_215 : vector<16xf32>
      %sub3A_221 = arith.constant 1.500000e+00 : f32
      %sub3A_222 = vector.broadcast %sub3A_221 : f32 to vector<16xf32>
      %sub3A_223 = arith.subf %sub3A_222, %mul3A_220 : vector<16xf32>
      %mul3A_224 = arith.mulf %bitcast_convert_type3A_215, %sub3A_223 : vector<16xf32>
      %add3A_225 = arith.constant 0 : i32
      %add3A_226 = arith.addi %add3A_195, %add3A_225 : i32
      %get3A_227 = arith.index_cast %add3A_226 : i32 to index
      %get3A_228 = arith.constant 0 : index
      %get3A_229 = tpu.vector_load %arg14[%get3A_227, %get3A_228] {strides = array<i32>} : memref<632x16xf32, #tpu.memory_space<vmem>>, vector<1x16xf32>,
      %get3A_230 = vector.shape_cast %get3A_229 : vector<1x16xf32> to vector<16xf32>
      %mul3A_231 = arith.mulf %get3A_230, %mul3A_224 : vector<16xf32>
      %add3A_232 = arith.constant 0 : i32
      %add3A_233 = arith.addi %add3A_195, %add3A_232 : i32
      %swap3A = arith.index_cast %add3A_233 : i32 to index
      %swap3A_234 = arith.constant 0 : index
      %swap3A_235 = tpu.vector_load %arg14[%swap3A, %swap3A_234] {strides = array<i32>} : memref<632x16xf32, #tpu.memory_space<vmem>>, vector<1x16xf32>,
      %swap3A_236 = vector.shape_cast %swap3A_235 : vector<1x16xf32> to vector<16xf32>
      %swap3A_237 = vector.shape_cast %mul3A_231 : vector<16xf32> to vector<1x16xf32>
      tpu.vector_store %arg14[%swap3A, %swap3A_234], %swap3A_237 {strides = array<i32>} : memref<632x16xf32, #tpu.memory_space<vmem>>, vector<1x16xf32>,
      %add3A_238 = arith.constant 0 : i32
      %add3A_239 = arith.addi %add3A_195, %add3A_238 : i32
      %swap3A_240 = arith.index_cast %add3A_239 : i32 to index
      %swap3A_241 = arith.constant 0 : index
      %swap3A_242 = tpu.vector_load %arg12[%swap3A_240, %swap3A_241] {strides = array<i32>} : memref<632x16xf32, #tpu.memory_space<vmem>>, vector<1x16xf32>,
      %swap3A_243 = vector.shape_cast %swap3A_242 : vector<1x16xf32> to vector<16xf32>
      %swap3A_244 = vector.shape_cast %mul3A_224 : vector<16xf32> to vector<1x16xf32>
      tpu.vector_store %arg12[%swap3A_240, %swap3A_241], %swap3A_244 {strides = array<i32>} : memref<632x16xf32, #tpu.memory_space<vmem>>, vector<1x16xf32>,
      %broadcast_in_dim3A = arith.constant 0.000000e+00 : f32
      %broadcast_in_dim3A_245 = vector.broadcast %broadcast_in_dim3A : f32 to vector<16xf32>
      %add3A_246 = arith.constant 0 : i32
      %add3A_247 = arith.addi %add3A_195, %add3A_246 : i32
      %swap3A_248 = arith.index_cast %add3A_247 : i32 to index
      %swap3A_249 = arith.constant 0 : index
      %swap3A_250 = tpu.vector_load %arg13[%swap3A_248, %swap3A_249] {strides = array<i32>} : memref<632x16xf32, #tpu.memory_space<vmem>>, vector<1x16xf32>,
      %swap3A_251 = vector.shape_cast %swap3A_250 : vector<1x16xf32> to vector<16xf32>
      %swap3A_252 = vector.shape_cast %broadcast_in_dim3A_245 : vector<16xf32> to vector<1x16xf32>
      tpu.vector_store %arg13[%swap3A_248, %swap3A_249], %swap3A_252 {strides = array<i32>} : memref<632x16xf32, #tpu.memory_space<vmem>>, vector<1x16xf32>,
      %add3A_253 = arith.constant 1 : i32
      %add3A_254 = arith.addi %add3A_195, %add3A_253 : i32
      %get3A_255 = arith.index_cast %add3A_254 : i32 to index
      %get3A_256 = arith.constant 0 : index
      %get3A_257 = tpu.vector_load %arg12[%get3A_255, %get3A_256] {strides = array<i32>} : memref<632x16xf32, #tpu.memory_space<vmem>>, vector<1x16xf32>,
      %get3A_258 = vector.shape_cast %get3A_257 : vector<1x16xf32> to vector<16xf32>
      %add3A_259 = arith.constant 1 : i32
      %add3A_260 = arith.addi %add3A_195, %add3A_259 : i32
      %get3A_261 = arith.index_cast %add3A_260 : i32 to index
      %get3A_262 = arith.constant 0 : index
      %get3A_263 = tpu.vector_load %arg13[%get3A_261, %get3A_262] {strides = array<i32>} : memref<632x16xf32, #tpu.memory_space<vmem>>, vector<1x16xf32>,
      %get3A_264 = vector.shape_cast %get3A_263 : vector<1x16xf32> to vector<16xf32>
      %add3A_265 = arith.addf %get3A_258, %get3A_264 : vector<16xf32>
      %add3A_266 = arith.constant 1.000000e+00 : f32
      %add3A_267 = vector.broadcast %add3A_266 : f32 to vector<16xf32>
      %add3A_268 = arith.addf %add3A_265, %add3A_267 : vector<16xf32>
      %bitcast_convert_type3A_269 = tpu.bitcast %add3A_268 : vector<16xf32> -> vector<16xi32>
      %shift_right_arithmetic3A_270 = arith.constant 1 : i32
      %shift_right_arithmetic3A_271 = vector.broadcast %shift_right_arithmetic3A_270 : i32 to vector<16xi32>
      %shift_right_arithmetic3A_272 = arith.shrsi %bitcast_convert_type3A_269, %shift_right_arithmetic3A_271 : vector<16xi32>
      %sub3A_273 = arith.constant 1597463007 : i32
      %sub3A_274 = vector.broadcast %sub3A_273 : i32 to vector<16xi32>
      %sub3A_275 = arith.subi %sub3A_274, %shift_right_arithmetic3A_272 : vector<16xi32>
      %bitcast_convert_type3A_276 = tpu.bitcast %sub3A_275 : vector<16xi32> -> vector<16xf32>
      %mul3A_277 = arith.constant 5.000000e-01 : f32
      %mul3A_278 = vector.broadcast %mul3A_277 : f32 to vector<16xf32>
      %mul3A_279 = arith.mulf %mul3A_278, %add3A_268 : vector<16xf32>
      %mul3A_280 = arith.mulf %mul3A_279, %bitcast_convert_type3A_276 : vector<16xf32>
      %mul3A_281 = arith.mulf %mul3A_280, %bitcast_convert_type3A_276 : vector<16xf32>
      %sub3A_282 = arith.constant 1.500000e+00 : f32
      %sub3A_283 = vector.broadcast %sub3A_282 : f32 to vector<16xf32>
      %sub3A_284 = arith.subf %sub3A_283, %mul3A_281 : vector<16xf32>
      %mul3A_285 = arith.mulf %bitcast_convert_type3A_276, %sub3A_284 : vector<16xf32>
      %add3A_286 = arith.constant 1 : i32
      %add3A_287 = arith.addi %add3A_195, %add3A_286 : i32
      %get3A_288 = arith.index_cast %add3A_287 : i32 to index
      %get3A_289 = arith.constant 0 : index
      %get3A_290 = tpu.vector_load %arg14[%get3A_288, %get3A_289] {strides = array<i32>} : memref<632x16xf32, #tpu.memory_space<vmem>>, vector<1x16xf32>,
      %get3A_291 = vector.shape_cast %get3A_290 : vector<1x16xf32> to vector<16xf32>
      %mul3A_292 = arith.mulf %get3A_291, %mul3A_285 : vector<16xf32>
      %add3A_293 = arith.constant 1 : i32
      %add3A_294 = arith.addi %add3A_195, %add3A_293 : i32
      %swap3A_295 = arith.index_cast %add3A_294 : i32 to index
      %swap3A_296 = arith.constant 0 : index
      %swap3A_297 = tpu.vector_load %arg14[%swap3A_295, %swap3A_296] {strides = array<i32>} : memref<632x16xf32, #tpu.memory_space<vmem>>, vector<1x16xf32>,
      %swap3A_298 = vector.shape_cast %swap3A_297 : vector<1x16xf32> to vector<16xf32>
      %swap3A_299 = vector.shape_cast %mul3A_292 : vector<16xf32> to vector<1x16xf32>
      tpu.vector_store %arg14[%swap3A_295, %swap3A_296], %swap3A_299 {strides = array<i32>} : memref<632x16xf32, #tpu.memory_space<vmem>>, vector<1x16xf32>,
      %add3A_300 = arith.constant 1 : i32
      %add3A_301 = arith.addi %add3A_195, %add3A_300 : i32
      %swap3A_302 = arith.index_cast %add3A_301 : i32 to index
      %swap3A_303 = arith.constant 0 : index
      %swap3A_304 = tpu.vector_load %arg12[%swap3A_302, %swap3A_303] {strides = array<i32>} : memref<632x16xf32, #tpu.memory_space<vmem>>, vector<1x16xf32>,
      %swap3A_305 = vector.shape_cast %swap3A_304 : vector<1x16xf32> to vector<16xf32>
      %swap3A_306 = vector.shape_cast %mul3A_285 : vector<16xf32> to vector<1x16xf32>
      tpu.vector_store %arg12[%swap3A_302, %swap3A_303], %swap3A_306 {strides = array<i32>} : memref<632x16xf32, #tpu.memory_space<vmem>>, vector<1x16xf32>,
      %broadcast_in_dim3A_307 = arith.constant 0.000000e+00 : f32
      %broadcast_in_dim3A_308 = vector.broadcast %broadcast_in_dim3A_307 : f32 to vector<16xf32>
      %add3A_309 = arith.constant 1 : i32
      %add3A_310 = arith.addi %add3A_195, %add3A_309 : i32
      %swap3A_311 = arith.index_cast %add3A_310 : i32 to index
      %swap3A_312 = arith.constant 0 : index
      %swap3A_313 = tpu.vector_load %arg13[%swap3A_311, %swap3A_312] {strides = array<i32>} : memref<632x16xf32, #tpu.memory_space<vmem>>, vector<1x16xf32>,
      %swap3A_314 = vector.shape_cast %swap3A_313 : vector<1x16xf32> to vector<16xf32>
      %swap3A_315 = vector.shape_cast %broadcast_in_dim3A_308 : vector<16xf32> to vector<1x16xf32>
      tpu.vector_store %arg13[%swap3A_311, %swap3A_312], %swap3A_315 {strides = array<i32>} : memref<632x16xf32, #tpu.memory_space<vmem>>, vector<1x16xf32>,
    }
    %scan3A_28 = arith.constant 316 : i32
    "tpu.region"() ({
      %run_scoped3A_191 = tpu.sem_alloc : memref<!tpu.dma_semaphore, #tpu.memory_space<semaphore_mem>>
      %dma_start3A_192 = arith.constant 0 : i32
      %dma_start3A_193 = tpu.memref_slice %arg16[%mul3A_2, %dma_start3A_192] : memref<10112x16xf32, #tpu.memory_space<vmem_shared>> -> memref<632x16xf32, #tpu.memory_space<vmem_shared>>
      %dma_start3A_194 = arith.constant 0 : i32
      %dma_start3A_195 = tpu.memref_slice %arg16[%mul3A_2, %dma_start3A_194] : memref<10112x16xf32, #tpu.memory_space<vmem_shared>> -> memref<632x16xf32, #tpu.memory_space<vmem_shared>>
      tpu.enqueue_dma source(%arg14 : memref<632x16xf32, #tpu.memory_space<vmem>>) target(%dma_start3A_195 : memref<632x16xf32, #tpu.memory_space<vmem_shared>>) target_semaphore(%run_scoped3A_191 : memref<!tpu.dma_semaphore, #tpu.memory_space<semaphore_mem>>)
      %dma_wait3A_196 = arith.constant 0 : i32
      %dma_wait3A_197 = tpu.memref_slice %arg16[%mul3A_2, %dma_wait3A_196] : memref<10112x16xf32, #tpu.memory_space<vmem_shared>> -> memref<632x16xf32, #tpu.memory_space<vmem_shared>>
      %dma_wait3A_198 = arith.constant 0 : i32
      %dma_wait3A_199 = tpu.memref_slice %arg16[%mul3A_2, %dma_wait3A_198] : memref<10112x16xf32, #tpu.memory_space<vmem_shared>> -> memref<632x16xf32, #tpu.memory_space<vmem_shared>>
      tpu.wait_dma2 semaphore(%run_scoped3A_191 : memref<!tpu.dma_semaphore, #tpu.memory_space<semaphore_mem>>) src(%arg14 : memref<632x16xf32, #tpu.memory_space<vmem>>) dst(%dma_wait3A_199 : memref<632x16xf32, #tpu.memory_space<vmem_shared>>)
      tpu.yield
    }) : () -> ()
    "tpu.region"() ({
      %run_scoped3A_191 = tpu.sem_alloc : memref<!tpu.dma_semaphore, #tpu.memory_space<semaphore_mem>>
      %dma_start3A_192 = arith.constant 0 : i32
      %dma_start3A_193 = tpu.memref_slice %arg15[%mul3A_2, %dma_start3A_192] : memref<10112x16xf32, #tpu.memory_space<vmem_shared>> -> memref<632x16xf32, #tpu.memory_space<vmem_shared>>
      %dma_start3A_194 = arith.constant 0 : i32
      %dma_start3A_195 = tpu.memref_slice %arg15[%mul3A_2, %dma_start3A_194] : memref<10112x16xf32, #tpu.memory_space<vmem_shared>> -> memref<632x16xf32, #tpu.memory_space<vmem_shared>>
      tpu.enqueue_dma source(%arg13 : memref<632x16xf32, #tpu.memory_space<vmem>>) target(%dma_start3A_195 : memref<632x16xf32, #tpu.memory_space<vmem_shared>>) target_semaphore(%run_scoped3A_191 : memref<!tpu.dma_semaphore, #tpu.memory_space<semaphore_mem>>)
      %dma_wait3A_196 = arith.constant 0 : i32
      %dma_wait3A_197 = tpu.memref_slice %arg15[%mul3A_2, %dma_wait3A_196] : memref<10112x16xf32, #tpu.memory_space<vmem_shared>> -> memref<632x16xf32, #tpu.memory_space<vmem_shared>>
      %dma_wait3A_198 = arith.constant 0 : i32
      %dma_wait3A_199 = tpu.memref_slice %arg15[%mul3A_2, %dma_wait3A_198] : memref<10112x16xf32, #tpu.memory_space<vmem_shared>> -> memref<632x16xf32, #tpu.memory_space<vmem_shared>>
      tpu.wait_dma2 semaphore(%run_scoped3A_191 : memref<!tpu.dma_semaphore, #tpu.memory_space<semaphore_mem>>) src(%arg13 : memref<632x16xf32, #tpu.memory_space<vmem>>) dst(%dma_wait3A_199 : memref<632x16xf32, #tpu.memory_space<vmem_shared>>)
      tpu.yield
    }) : () -> ()
    %eq3A = arith.constant 0 : i32
    %eq3A_29 = arith.cmpi eq, %arg0, %eq3A : i32
    %convert_element_type3A = arith.extui %eq3A_29 : i1 to i32
    %cond3A = arith.constant 0 : i32
    %cond3A_30 = arith.cmpi ne, %convert_element_type3A, %cond3A : i32
    scf.if %cond3A_30 {
      %dma_start3A_191 = arith.constant 0 : i32
      %dma_start3A_192 = tpu.memref_slice %arg7[%mul3A_2, %dma_start3A_191] : memref<10112x16xf32, #tpu.memory_space<hbm>> -> memref<632x16xf32, #tpu.memory_space<hbm>>
      %dma_start3A_193 = arith.constant 0 : i32
      %dma_start3A_194 = tpu.memref_slice %arg7[%mul3A_2, %dma_start3A_193] : memref<10112x16xf32, #tpu.memory_space<hbm>> -> memref<632x16xf32, #tpu.memory_space<hbm>>
      tpu.enqueue_dma source(%arg14 : memref<632x16xf32, #tpu.memory_space<vmem>>) target(%dma_start3A_194 : memref<632x16xf32, #tpu.memory_space<hbm>>) target_semaphore(%arg19 : memref<!tpu.dma_semaphore, #tpu.memory_space<semaphore_mem>>)
      %dma_start3A_195 = arith.constant 0 : i32
      %dma_start3A_196 = tpu.memref_slice %arg8[%mul3A_2, %dma_start3A_195] : memref<10112x16xf32, #tpu.memory_space<hbm>> -> memref<632x16xf32, #tpu.memory_space<hbm>>
      %dma_start3A_197 = arith.constant 0 : i32
      %dma_start3A_198 = tpu.memref_slice %arg8[%mul3A_2, %dma_start3A_197] : memref<10112x16xf32, #tpu.memory_space<hbm>> -> memref<632x16xf32, #tpu.memory_space<hbm>>
      tpu.enqueue_dma source(%arg12 : memref<632x16xf32, #tpu.memory_space<vmem>>) target(%dma_start3A_198 : memref<632x16xf32, #tpu.memory_space<hbm>>) target_semaphore(%arg19 : memref<!tpu.dma_semaphore, #tpu.memory_space<semaphore_mem>>)
    } else {
    }
    %dma_wait3A = arith.constant 0 : i32
    %dma_wait3A_31 = arith.constant 0 : i32
    %dma_wait3A_32 = arith.constant 0 : i32
    %dma_wait3A_33 = tpu.memref_slice %arg4[%add3A, %dma_wait3A_31, %dma_wait3A_32] : memref<32x80x128xi32, #tpu.memory_space<hbm>> -> memref<1x80x128xi32, #tpu.memory_space<hbm>>
    %dma_wait3A_34 = tpu.memref_squeeze %dma_wait3A_33 : memref<1x80x128xi32, #tpu.memory_space<hbm>> -> memref<80x128xi32, #tpu.memory_space<hbm>>
    %dma_wait3A_35 = tpu.memref_slice %arg17[%dma_wait3A] : memref<4x!tpu.dma_semaphore, #tpu.memory_space<semaphore_mem>> -> memref<1x!tpu.dma_semaphore, #tpu.memory_space<semaphore_mem>>
    %dma_wait3A_36 = tpu.memref_squeeze %dma_wait3A_35 : memref<1x!tpu.dma_semaphore, #tpu.memory_space<semaphore_mem>> -> memref<!tpu.dma_semaphore, #tpu.memory_space<semaphore_mem>>
    %dma_wait3A_37 = arith.constant 0 : i32
    %dma_wait3A_38 = arith.constant 0 : i32
    %dma_wait3A_39 = tpu.memref_slice %arg4[%add3A, %dma_wait3A_37, %dma_wait3A_38] : memref<32x80x128xi32, #tpu.memory_space<hbm>> -> memref<1x80x128xi32, #tpu.memory_space<hbm>>
    %dma_wait3A_40 = tpu.memref_squeeze %dma_wait3A_39 : memref<1x80x128xi32, #tpu.memory_space<hbm>> -> memref<80x128xi32, #tpu.memory_space<hbm>>
    tpu.wait_dma2 semaphore(%dma_wait3A_36 : memref<!tpu.dma_semaphore, #tpu.memory_space<semaphore_mem>>) src(%dma_wait3A_40 : memref<80x128xi32, #tpu.memory_space<hbm>>) dst(%arg9 : memref<80x128xi32, #tpu.memory_space<vmem>>)
    %dma_wait3A_41 = arith.constant 1 : i32
    %dma_wait3A_42 = arith.constant 0 : i32
    %dma_wait3A_43 = arith.constant 0 : i32
    %dma_wait3A_44 = tpu.memref_slice %arg5[%add3A, %dma_wait3A_42, %dma_wait3A_43] : memref<32x80x128xi32, #tpu.memory_space<hbm>> -> memref<1x80x128xi32, #tpu.memory_space<hbm>>
    %dma_wait3A_45 = tpu.memref_squeeze %dma_wait3A_44 : memref<1x80x128xi32, #tpu.memory_space<hbm>> -> memref<80x128xi32, #tpu.memory_space<hbm>>
    %dma_wait3A_46 = tpu.memref_slice %arg17[%dma_wait3A_41] : memref<4x!tpu.dma_semaphore, #tpu.memory_space<semaphore_mem>> -> memref<1x!tpu.dma_semaphore, #tpu.memory_space<semaphore_mem>>
    %dma_wait3A_47 = tpu.memref_squeeze %dma_wait3A_46 : memref<1x!tpu.dma_semaphore, #tpu.memory_space<semaphore_mem>> -> memref<!tpu.dma_semaphore, #tpu.memory_space<semaphore_mem>>
    %dma_wait3A_48 = arith.constant 0 : i32
    %dma_wait3A_49 = arith.constant 0 : i32
    %dma_wait3A_50 = tpu.memref_slice %arg5[%add3A, %dma_wait3A_48, %dma_wait3A_49] : memref<32x80x128xi32, #tpu.memory_space<hbm>> -> memref<1x80x128xi32, #tpu.memory_space<hbm>>
    %dma_wait3A_51 = tpu.memref_squeeze %dma_wait3A_50 : memref<1x80x128xi32, #tpu.memory_space<hbm>> -> memref<80x128xi32, #tpu.memory_space<hbm>>
    tpu.wait_dma2 semaphore(%dma_wait3A_47 : memref<!tpu.dma_semaphore, #tpu.memory_space<semaphore_mem>>) src(%dma_wait3A_51 : memref<80x128xi32, #tpu.memory_space<hbm>>) dst(%arg10 : memref<80x128xi32, #tpu.memory_space<vmem>>)
    %barrier3A = arith.constant 0 : index
    tpu.barrier barrier_id(%barrier3A)
    %dma_start3A_52 = arith.constant 0 : i32
    %dma_start3A_53 = arith.constant 0 : i32
    %dma_start3A_54 = arith.constant 0 : i32
    %dma_start3A_55 = arith.constant 0 : i32
    %dma_start3A_56 = arith.constant 0 : i32
    %dma_start3A_57 = tpu.memref_slice %arg11[%dma_start3A_53, %dma_start3A_55, %dma_start3A_56] : memref<4x128x16xf32, #tpu.memory_space<vmem>> -> memref<1x128x16xf32, #tpu.memory_space<vmem>>
    %dma_start3A_58 = tpu.memref_squeeze %dma_start3A_57 : memref<1x128x16xf32, #tpu.memory_space<vmem>> -> memref<128x16xf32, #tpu.memory_space<vmem>>
    %dma_start3A_59 = arith.constant 0 : i32
    %dma_start3A_60 = tpu.memref_slice %arg9[%dma_start3A_52, %dma_start3A_59] : memref<80x128xi32, #tpu.memory_space<vmem>> -> memref<1x128xi32, #tpu.memory_space<vmem>>
    %dma_start3A_61 = tpu.memref_squeeze %dma_start3A_60 : memref<1x128xi32, #tpu.memory_space<vmem>> -> memref<128xi32, #tpu.memory_space<vmem>>
    %dma_start3A_62 = arith.constant 0 : i32
    %dma_start3A_63 = arith.constant 0 : i32
    %dma_start3A_64 = tpu.memref_slice %arg16[%dma_start3A_62, %dma_start3A_63] : memref<10112x16xf32, #tpu.memory_space<vmem_shared>> -> memref<10112x16xf32, #tpu.memory_space<vmem_shared>>
    %dma_start3A_65 = tpu.memref_slice %arg17[%dma_start3A_54] : memref<4x!tpu.dma_semaphore, #tpu.memory_space<semaphore_mem>> -> memref<1x!tpu.dma_semaphore, #tpu.memory_space<semaphore_mem>>
    %dma_start3A_66 = tpu.memref_squeeze %dma_start3A_65 : memref<1x!tpu.dma_semaphore, #tpu.memory_space<semaphore_mem>> -> memref<!tpu.dma_semaphore, #tpu.memory_space<semaphore_mem>>
    tpu.enqueue_indirect_dma source(%dma_start3A_64 : memref<10112x16xf32, #tpu.memory_space<vmem_shared>>) target(%dma_start3A_58 : memref<128x16xf32, #tpu.memory_space<vmem>>) offsets(%dma_start3A_61 : memref<128xi32, #tpu.memory_space<vmem>>) semaphore(%dma_start3A_66 : memref<!tpu.dma_semaphore, #tpu.memory_space<semaphore_mem>>)
    %dma_start3A_67 = arith.constant 1 : i32
    %dma_start3A_68 = arith.constant 1 : i32
    %dma_start3A_69 = arith.constant 1 : i32
    %dma_start3A_70 = arith.constant 0 : i32
    %dma_start3A_71 = arith.constant 0 : i32
    %dma_start3A_72 = tpu.memref_slice %arg11[%dma_start3A_68, %dma_start3A_70, %dma_start3A_71] : memref<4x128x16xf32, #tpu.memory_space<vmem>> -> memref<1x128x16xf32, #tpu.memory_space<vmem>>
    %dma_start3A_73 = tpu.memref_squeeze %dma_start3A_72 : memref<1x128x16xf32, #tpu.memory_space<vmem>> -> memref<128x16xf32, #tpu.memory_space<vmem>>
    %dma_start3A_74 = arith.constant 0 : i32
    %dma_start3A_75 = tpu.memref_slice %arg9[%dma_start3A_67, %dma_start3A_74] : memref<80x128xi32, #tpu.memory_space<vmem>> -> memref<1x128xi32, #tpu.memory_space<vmem>>
    %dma_start3A_76 = tpu.memref_squeeze %dma_start3A_75 : memref<1x128xi32, #tpu.memory_space<vmem>> -> memref<128xi32, #tpu.memory_space<vmem>>
    %dma_start3A_77 = arith.constant 0 : i32
    %dma_start3A_78 = arith.constant 0 : i32
    %dma_start3A_79 = tpu.memref_slice %arg16[%dma_start3A_77, %dma_start3A_78] : memref<10112x16xf32, #tpu.memory_space<vmem_shared>> -> memref<10112x16xf32, #tpu.memory_space<vmem_shared>>
    %dma_start3A_80 = tpu.memref_slice %arg17[%dma_start3A_69] : memref<4x!tpu.dma_semaphore, #tpu.memory_space<semaphore_mem>> -> memref<1x!tpu.dma_semaphore, #tpu.memory_space<semaphore_mem>>
    %dma_start3A_81 = tpu.memref_squeeze %dma_start3A_80 : memref<1x!tpu.dma_semaphore, #tpu.memory_space<semaphore_mem>> -> memref<!tpu.dma_semaphore, #tpu.memory_space<semaphore_mem>>
    tpu.enqueue_indirect_dma source(%dma_start3A_79 : memref<10112x16xf32, #tpu.memory_space<vmem_shared>>) target(%dma_start3A_73 : memref<128x16xf32, #tpu.memory_space<vmem>>) offsets(%dma_start3A_76 : memref<128xi32, #tpu.memory_space<vmem>>) semaphore(%dma_start3A_81 : memref<!tpu.dma_semaphore, #tpu.memory_space<semaphore_mem>>)
    %dma_start3A_82 = arith.constant 2 : i32
    %dma_start3A_83 = arith.constant 2 : i32
    %dma_start3A_84 = arith.constant 2 : i32
    %dma_start3A_85 = arith.constant 0 : i32
    %dma_start3A_86 = arith.constant 0 : i32
    %dma_start3A_87 = tpu.memref_slice %arg11[%dma_start3A_83, %dma_start3A_85, %dma_start3A_86] : memref<4x128x16xf32, #tpu.memory_space<vmem>> -> memref<1x128x16xf32, #tpu.memory_space<vmem>>
    %dma_start3A_88 = tpu.memref_squeeze %dma_start3A_87 : memref<1x128x16xf32, #tpu.memory_space<vmem>> -> memref<128x16xf32, #tpu.memory_space<vmem>>
    %dma_start3A_89 = arith.constant 0 : i32
    %dma_start3A_90 = tpu.memref_slice %arg9[%dma_start3A_82, %dma_start3A_89] : memref<80x128xi32, #tpu.memory_space<vmem>> -> memref<1x128xi32, #tpu.memory_space<vmem>>
    %dma_start3A_91 = tpu.memref_squeeze %dma_start3A_90 : memref<1x128xi32, #tpu.memory_space<vmem>> -> memref<128xi32, #tpu.memory_space<vmem>>
    %dma_start3A_92 = arith.constant 0 : i32
    %dma_start3A_93 = arith.constant 0 : i32
    %dma_start3A_94 = tpu.memref_slice %arg16[%dma_start3A_92, %dma_start3A_93] : memref<10112x16xf32, #tpu.memory_space<vmem_shared>> -> memref<10112x16xf32, #tpu.memory_space<vmem_shared>>
    %dma_start3A_95 = tpu.memref_slice %arg17[%dma_start3A_84] : memref<4x!tpu.dma_semaphore, #tpu.memory_space<semaphore_mem>> -> memref<1x!tpu.dma_semaphore, #tpu.memory_space<semaphore_mem>>
    %dma_start3A_96 = tpu.memref_squeeze %dma_start3A_95 : memref<1x!tpu.dma_semaphore, #tpu.memory_space<semaphore_mem>> -> memref<!tpu.dma_semaphore, #tpu.memory_space<semaphore_mem>>
    tpu.enqueue_indirect_dma source(%dma_start3A_94 : memref<10112x16xf32, #tpu.memory_space<vmem_shared>>) target(%dma_start3A_88 : memref<128x16xf32, #tpu.memory_space<vmem>>) offsets(%dma_start3A_91 : memref<128xi32, #tpu.memory_space<vmem>>) semaphore(%dma_start3A_96 : memref<!tpu.dma_semaphore, #tpu.memory_space<semaphore_mem>>)
    %dma_start3A_97 = arith.constant 3 : i32
    %dma_start3A_98 = arith.constant 3 : i32
    %dma_start3A_99 = arith.constant 3 : i32
    %dma_start3A_100 = arith.constant 0 : i32
    %dma_start3A_101 = arith.constant 0 : i32
    %dma_start3A_102 = tpu.memref_slice %arg11[%dma_start3A_98, %dma_start3A_100, %dma_start3A_101] : memref<4x128x16xf32, #tpu.memory_space<vmem>> -> memref<1x128x16xf32, #tpu.memory_space<vmem>>
    %dma_start3A_103 = tpu.memref_squeeze %dma_start3A_102 : memref<1x128x16xf32, #tpu.memory_space<vmem>> -> memref<128x16xf32, #tpu.memory_space<vmem>>
    %dma_start3A_104 = arith.constant 0 : i32
    %dma_start3A_105 = tpu.memref_slice %arg9[%dma_start3A_97, %dma_start3A_104] : memref<80x128xi32, #tpu.memory_space<vmem>> -> memref<1x128xi32, #tpu.memory_space<vmem>>
    %dma_start3A_106 = tpu.memref_squeeze %dma_start3A_105 : memref<1x128xi32, #tpu.memory_space<vmem>> -> memref<128xi32, #tpu.memory_space<vmem>>
    %dma_start3A_107 = arith.constant 0 : i32
    %dma_start3A_108 = arith.constant 0 : i32
    %dma_start3A_109 = tpu.memref_slice %arg16[%dma_start3A_107, %dma_start3A_108] : memref<10112x16xf32, #tpu.memory_space<vmem_shared>> -> memref<10112x16xf32, #tpu.memory_space<vmem_shared>>
    %dma_start3A_110 = tpu.memref_slice %arg17[%dma_start3A_99] : memref<4x!tpu.dma_semaphore, #tpu.memory_space<semaphore_mem>> -> memref<1x!tpu.dma_semaphore, #tpu.memory_space<semaphore_mem>>
    %dma_start3A_111 = tpu.memref_squeeze %dma_start3A_110 : memref<1x!tpu.dma_semaphore, #tpu.memory_space<semaphore_mem>> -> memref<!tpu.dma_semaphore, #tpu.memory_space<semaphore_mem>>
    tpu.enqueue_indirect_dma source(%dma_start3A_109 : memref<10112x16xf32, #tpu.memory_space<vmem_shared>>) target(%dma_start3A_103 : memref<128x16xf32, #tpu.memory_space<vmem>>) offsets(%dma_start3A_106 : memref<128xi32, #tpu.memory_space<vmem>>) semaphore(%dma_start3A_111 : memref<!tpu.dma_semaphore, #tpu.memory_space<semaphore_mem>>)
    %scan3A_112 = arith.constant 0 : i32
    %scan3A_113 = arith.constant 19 : i32
    %scan3A_114 = arith.addi %scan3A_112, %scan3A_113 : i32
    %scan3A_115 = arith.constant 1 : i32
    scf.for %scan3A_191 = %scan3A_112 to %scan3A_114 step %scan3A_115  : i32 {
      %mul3A_192 = arith.constant 4 : i32
      %mul3A_193 = arith.muli %scan3A_191, %mul3A_192 : i32
      %add3A_194 = arith.constant 0 : i32
      %add3A_195 = arith.addi %add3A_194, %mul3A_193 : i32
      %add3A_196 = arith.constant 0 : i32
      %add3A_197 = arith.addi %add3A_195, %add3A_196 : i32
      %dma_wait3A_198 = arith.constant 0 : i32
      %dma_wait3A_199 = arith.constant 0 : i32
      %dma_wait3A_200 = arith.constant 0 : i32
      %dma_wait3A_201 = arith.constant 0 : i32
      %dma_wait3A_202 = tpu.memref_slice %arg11[%dma_wait3A_198, %dma_wait3A_200, %dma_wait3A_201] : memref<4x128x16xf32, #tpu.memory_space<vmem>> -> memref<1x128x16xf32, #tpu.memory_space<vmem>>
      %dma_wait3A_203 = tpu.memref_squeeze %dma_wait3A_202 : memref<1x128x16xf32, #tpu.memory_space<vmem>> -> memref<128x16xf32, #tpu.memory_space<vmem>>
      %dma_wait3A_204 = arith.constant 0 : i32
      %dma_wait3A_205 = tpu.memref_slice %arg9[%add3A_197, %dma_wait3A_204] : memref<80x128xi32, #tpu.memory_space<vmem>> -> memref<1x128xi32, #tpu.memory_space<vmem>>
      %dma_wait3A_206 = tpu.memref_squeeze %dma_wait3A_205 : memref<1x128xi32, #tpu.memory_space<vmem>> -> memref<128xi32, #tpu.memory_space<vmem>>
      %dma_wait3A_207 = arith.constant 0 : i32
      %dma_wait3A_208 = arith.constant 0 : i32
      %dma_wait3A_209 = tpu.memref_slice %arg16[%dma_wait3A_207, %dma_wait3A_208] : memref<10112x16xf32, #tpu.memory_space<vmem_shared>> -> memref<10112x16xf32, #tpu.memory_space<vmem_shared>>
      %dma_wait3A_210 = tpu.memref_slice %arg17[%dma_wait3A_199] : memref<4x!tpu.dma_semaphore, #tpu.memory_space<semaphore_mem>> -> memref<1x!tpu.dma_semaphore, #tpu.memory_space<semaphore_mem>>
      %dma_wait3A_211 = tpu.memref_squeeze %dma_wait3A_210 : memref<1x!tpu.dma_semaphore, #tpu.memory_space<semaphore_mem>> -> memref<!tpu.dma_semaphore, #tpu.memory_space<semaphore_mem>>
      tpu.wait_indirect_dma semaphore(%dma_wait3A_211 : memref<!tpu.dma_semaphore, #tpu.memory_space<semaphore_mem>>) src(%dma_wait3A_209 : memref<10112x16xf32, #tpu.memory_space<vmem_shared>>) dst(%dma_wait3A_203 : memref<128x16xf32, #tpu.memory_space<vmem>>)
      %add3A_212 = arith.constant 0 : i32
      %add3A_213 = arith.addi %add3A_195, %add3A_212 : i32
      %dma_start3A_214 = arith.constant 0 : i32
      %dma_start3A_215 = arith.constant 0 : i32
      %dma_start3A_216 = arith.constant 0 : i32
      %dma_start3A_217 = arith.constant 0 : i32
      %dma_start3A_218 = tpu.memref_slice %arg11[%dma_start3A_214, %dma_start3A_216, %dma_start3A_217] : memref<4x128x16xf32, #tpu.memory_space<vmem>> -> memref<1x128x16xf32, #tpu.memory_space<vmem>>
      %dma_start3A_219 = tpu.memref_squeeze %dma_start3A_218 : memref<1x128x16xf32, #tpu.memory_space<vmem>> -> memref<128x16xf32, #tpu.memory_space<vmem>>
      %dma_start3A_220 = arith.constant 0 : i32
      %dma_start3A_221 = tpu.memref_slice %arg10[%add3A_213, %dma_start3A_220] : memref<80x128xi32, #tpu.memory_space<vmem>> -> memref<1x128xi32, #tpu.memory_space<vmem>>
      %dma_start3A_222 = tpu.memref_squeeze %dma_start3A_221 : memref<1x128xi32, #tpu.memory_space<vmem>> -> memref<128xi32, #tpu.memory_space<vmem>>
      %dma_start3A_223 = arith.constant 0 : i32
      %dma_start3A_224 = arith.constant 0 : i32
      %dma_start3A_225 = tpu.memref_slice %arg15[%dma_start3A_223, %dma_start3A_224] : memref<10112x16xf32, #tpu.memory_space<vmem_shared>> -> memref<10112x16xf32, #tpu.memory_space<vmem_shared>>
      %dma_start3A_226 = tpu.memref_slice %arg18[%dma_start3A_215] : memref<4x!tpu.dma_semaphore, #tpu.memory_space<semaphore_mem>> -> memref<1x!tpu.dma_semaphore, #tpu.memory_space<semaphore_mem>>
      %dma_start3A_227 = tpu.memref_squeeze %dma_start3A_226 : memref<1x!tpu.dma_semaphore, #tpu.memory_space<semaphore_mem>> -> memref<!tpu.dma_semaphore, #tpu.memory_space<semaphore_mem>>
      tpu.enqueue_indirect_dma source(%dma_start3A_219 : memref<128x16xf32, #tpu.memory_space<vmem>>) target(%dma_start3A_225 : memref<10112x16xf32, #tpu.memory_space<vmem_shared>>) offsets(%dma_start3A_222 : memref<128xi32, #tpu.memory_space<vmem>>) semaphore(%dma_start3A_227 : memref<!tpu.dma_semaphore, #tpu.memory_space<semaphore_mem>>) {add = true}
      %add3A_228 = arith.constant 0 : i32
      %add3A_229 = arith.addi %add3A_195, %add3A_228 : i32
      %dma_wait3A_230 = arith.constant 0 : i32
      %dma_wait3A_231 = arith.constant 0 : i32
      %dma_wait3A_232 = arith.constant 0 : i32
      %dma_wait3A_233 = arith.constant 0 : i32
      %dma_wait3A_234 = tpu.memref_slice %arg11[%dma_wait3A_230, %dma_wait3A_232, %dma_wait3A_233] : memref<4x128x16xf32, #tpu.memory_space<vmem>> -> memref<1x128x16xf32, #tpu.memory_space<vmem>>
      %dma_wait3A_235 = tpu.memref_squeeze %dma_wait3A_234 : memref<1x128x16xf32, #tpu.memory_space<vmem>> -> memref<128x16xf32, #tpu.memory_space<vmem>>
      %dma_wait3A_236 = arith.constant 0 : i32
      %dma_wait3A_237 = tpu.memref_slice %arg10[%add3A_229, %dma_wait3A_236] : memref<80x128xi32, #tpu.memory_space<vmem>> -> memref<1x128xi32, #tpu.memory_space<vmem>>
      %dma_wait3A_238 = tpu.memref_squeeze %dma_wait3A_237 : memref<1x128xi32, #tpu.memory_space<vmem>> -> memref<128xi32, #tpu.memory_space<vmem>>
      %dma_wait3A_239 = arith.constant 0 : i32
      %dma_wait3A_240 = arith.constant 0 : i32
      %dma_wait3A_241 = tpu.memref_slice %arg15[%dma_wait3A_239, %dma_wait3A_240] : memref<10112x16xf32, #tpu.memory_space<vmem_shared>> -> memref<10112x16xf32, #tpu.memory_space<vmem_shared>>
      %dma_wait3A_242 = tpu.memref_slice %arg18[%dma_wait3A_231] : memref<4x!tpu.dma_semaphore, #tpu.memory_space<semaphore_mem>> -> memref<1x!tpu.dma_semaphore, #tpu.memory_space<semaphore_mem>>
      %dma_wait3A_243 = tpu.memref_squeeze %dma_wait3A_242 : memref<1x!tpu.dma_semaphore, #tpu.memory_space<semaphore_mem>> -> memref<!tpu.dma_semaphore, #tpu.memory_space<semaphore_mem>>
      tpu.wait_indirect_dma semaphore(%dma_wait3A_243 : memref<!tpu.dma_semaphore, #tpu.memory_space<semaphore_mem>>) src(%dma_wait3A_235 : memref<128x16xf32, #tpu.memory_space<vmem>>) dst(%dma_wait3A_241 : memref<10112x16xf32, #tpu.memory_space<vmem_shared>>)
      %add3A_244 = arith.constant 4 : i32
      %add3A_245 = arith.addi %add3A_195, %add3A_244 : i32
      %add3A_246 = arith.constant 0 : i32
      %add3A_247 = arith.addi %add3A_245, %add3A_246 : i32
      %dma_start3A_248 = arith.constant 0 : i32
      %dma_start3A_249 = arith.constant 0 : i32
      %dma_start3A_250 = arith.constant 0 : i32
      %dma_start3A_251 = arith.constant 0 : i32
      %dma_start3A_252 = tpu.memref_slice %arg11[%dma_start3A_248, %dma_start3A_250, %dma_start3A_251] : memref<4x128x16xf32, #tpu.memory_space<vmem>> -> memref<1x128x16xf32, #tpu.memory_space<vmem>>
      %dma_start3A_253 = tpu.memref_squeeze %dma_start3A_252 : memref<1x128x16xf32, #tpu.memory_space<vmem>> -> memref<128x16xf32, #tpu.memory_space<vmem>>
      %dma_start3A_254 = arith.constant 0 : i32
      %dma_start3A_255 = tpu.memref_slice %arg9[%add3A_247, %dma_start3A_254] : memref<80x128xi32, #tpu.memory_space<vmem>> -> memref<1x128xi32, #tpu.memory_space<vmem>>
      %dma_start3A_256 = tpu.memref_squeeze %dma_start3A_255 : memref<1x128xi32, #tpu.memory_space<vmem>> -> memref<128xi32, #tpu.memory_space<vmem>>
      %dma_start3A_257 = arith.constant 0 : i32
      %dma_start3A_258 = arith.constant 0 : i32
      %dma_start3A_259 = tpu.memref_slice %arg16[%dma_start3A_257, %dma_start3A_258] : memref<10112x16xf32, #tpu.memory_space<vmem_shared>> -> memref<10112x16xf32, #tpu.memory_space<vmem_shared>>
      %dma_start3A_260 = tpu.memref_slice %arg17[%dma_start3A_249] : memref<4x!tpu.dma_semaphore, #tpu.memory_space<semaphore_mem>> -> memref<1x!tpu.dma_semaphore, #tpu.memory_space<semaphore_mem>>
      %dma_start3A_261 = tpu.memref_squeeze %dma_start3A_260 : memref<1x!tpu.dma_semaphore, #tpu.memory_space<semaphore_mem>> -> memref<!tpu.dma_semaphore, #tpu.memory_space<semaphore_mem>>
      tpu.enqueue_indirect_dma source(%dma_start3A_259 : memref<10112x16xf32, #tpu.memory_space<vmem_shared>>) target(%dma_start3A_253 : memref<128x16xf32, #tpu.memory_space<vmem>>) offsets(%dma_start3A_256 : memref<128xi32, #tpu.memory_space<vmem>>) semaphore(%dma_start3A_261 : memref<!tpu.dma_semaphore, #tpu.memory_space<semaphore_mem>>)
      %add3A_262 = arith.constant 1 : i32
      %add3A_263 = arith.addi %add3A_195, %add3A_262 : i32
      %dma_wait3A_264 = arith.constant 1 : i32
      %dma_wait3A_265 = arith.constant 1 : i32
      %dma_wait3A_266 = arith.constant 0 : i32
      %dma_wait3A_267 = arith.constant 0 : i32
      %dma_wait3A_268 = tpu.memref_slice %arg11[%dma_wait3A_264, %dma_wait3A_266, %dma_wait3A_267] : memref<4x128x16xf32, #tpu.memory_space<vmem>> -> memref<1x128x16xf32, #tpu.memory_space<vmem>>
      %dma_wait3A_269 = tpu.memref_squeeze %dma_wait3A_268 : memref<1x128x16xf32, #tpu.memory_space<vmem>> -> memref<128x16xf32, #tpu.memory_space<vmem>>
      %dma_wait3A_270 = arith.constant 0 : i32
      %dma_wait3A_271 = tpu.memref_slice %arg9[%add3A_263, %dma_wait3A_270] : memref<80x128xi32, #tpu.memory_space<vmem>> -> memref<1x128xi32, #tpu.memory_space<vmem>>
      %dma_wait3A_272 = tpu.memref_squeeze %dma_wait3A_271 : memref<1x128xi32, #tpu.memory_space<vmem>> -> memref<128xi32, #tpu.memory_space<vmem>>
      %dma_wait3A_273 = arith.constant 0 : i32
      %dma_wait3A_274 = arith.constant 0 : i32
      %dma_wait3A_275 = tpu.memref_slice %arg16[%dma_wait3A_273, %dma_wait3A_274] : memref<10112x16xf32, #tpu.memory_space<vmem_shared>> -> memref<10112x16xf32, #tpu.memory_space<vmem_shared>>
      %dma_wait3A_276 = tpu.memref_slice %arg17[%dma_wait3A_265] : memref<4x!tpu.dma_semaphore, #tpu.memory_space<semaphore_mem>> -> memref<1x!tpu.dma_semaphore, #tpu.memory_space<semaphore_mem>>
      %dma_wait3A_277 = tpu.memref_squeeze %dma_wait3A_276 : memref<1x!tpu.dma_semaphore, #tpu.memory_space<semaphore_mem>> -> memref<!tpu.dma_semaphore, #tpu.memory_space<semaphore_mem>>
      tpu.wait_indirect_dma semaphore(%dma_wait3A_277 : memref<!tpu.dma_semaphore, #tpu.memory_space<semaphore_mem>>) src(%dma_wait3A_275 : memref<10112x16xf32, #tpu.memory_space<vmem_shared>>) dst(%dma_wait3A_269 : memref<128x16xf32, #tpu.memory_space<vmem>>)
      %add3A_278 = arith.constant 1 : i32
      %add3A_279 = arith.addi %add3A_195, %add3A_278 : i32
      %dma_start3A_280 = arith.constant 1 : i32
      %dma_start3A_281 = arith.constant 1 : i32
      %dma_start3A_282 = arith.constant 0 : i32
      %dma_start3A_283 = arith.constant 0 : i32
      %dma_start3A_284 = tpu.memref_slice %arg11[%dma_start3A_280, %dma_start3A_282, %dma_start3A_283] : memref<4x128x16xf32, #tpu.memory_space<vmem>> -> memref<1x128x16xf32, #tpu.memory_space<vmem>>
      %dma_start3A_285 = tpu.memref_squeeze %dma_start3A_284 : memref<1x128x16xf32, #tpu.memory_space<vmem>> -> memref<128x16xf32, #tpu.memory_space<vmem>>
      %dma_start3A_286 = arith.constant 0 : i32
      %dma_start3A_287 = tpu.memref_slice %arg10[%add3A_279, %dma_start3A_286] : memref<80x128xi32, #tpu.memory_space<vmem>> -> memref<1x128xi32, #tpu.memory_space<vmem>>
      %dma_start3A_288 = tpu.memref_squeeze %dma_start3A_287 : memref<1x128xi32, #tpu.memory_space<vmem>> -> memref<128xi32, #tpu.memory_space<vmem>>
      %dma_start3A_289 = arith.constant 0 : i32
      %dma_start3A_290 = arith.constant 0 : i32
      %dma_start3A_291 = tpu.memref_slice %arg15[%dma_start3A_289, %dma_start3A_290] : memref<10112x16xf32, #tpu.memory_space<vmem_shared>> -> memref<10112x16xf32, #tpu.memory_space<vmem_shared>>
      %dma_start3A_292 = tpu.memref_slice %arg18[%dma_start3A_281] : memref<4x!tpu.dma_semaphore, #tpu.memory_space<semaphore_mem>> -> memref<1x!tpu.dma_semaphore, #tpu.memory_space<semaphore_mem>>
      %dma_start3A_293 = tpu.memref_squeeze %dma_start3A_292 : memref<1x!tpu.dma_semaphore, #tpu.memory_space<semaphore_mem>> -> memref<!tpu.dma_semaphore, #tpu.memory_space<semaphore_mem>>
      tpu.enqueue_indirect_dma source(%dma_start3A_285 : memref<128x16xf32, #tpu.memory_space<vmem>>) target(%dma_start3A_291 : memref<10112x16xf32, #tpu.memory_space<vmem_shared>>) offsets(%dma_start3A_288 : memref<128xi32, #tpu.memory_space<vmem>>) semaphore(%dma_start3A_293 : memref<!tpu.dma_semaphore, #tpu.memory_space<semaphore_mem>>) {add = true}
      %add3A_294 = arith.constant 1 : i32
      %add3A_295 = arith.addi %add3A_195, %add3A_294 : i32
      %dma_wait3A_296 = arith.constant 1 : i32
      %dma_wait3A_297 = arith.constant 1 : i32
      %dma_wait3A_298 = arith.constant 0 : i32
      %dma_wait3A_299 = arith.constant 0 : i32
      %dma_wait3A_300 = tpu.memref_slice %arg11[%dma_wait3A_296, %dma_wait3A_298, %dma_wait3A_299] : memref<4x128x16xf32, #tpu.memory_space<vmem>> -> memref<1x128x16xf32, #tpu.memory_space<vmem>>
      %dma_wait3A_301 = tpu.memref_squeeze %dma_wait3A_300 : memref<1x128x16xf32, #tpu.memory_space<vmem>> -> memref<128x16xf32, #tpu.memory_space<vmem>>
      %dma_wait3A_302 = arith.constant 0 : i32
      %dma_wait3A_303 = tpu.memref_slice %arg10[%add3A_295, %dma_wait3A_302] : memref<80x128xi32, #tpu.memory_space<vmem>> -> memref<1x128xi32, #tpu.memory_space<vmem>>
      %dma_wait3A_304 = tpu.memref_squeeze %dma_wait3A_303 : memref<1x128xi32, #tpu.memory_space<vmem>> -> memref<128xi32, #tpu.memory_space<vmem>>
      %dma_wait3A_305 = arith.constant 0 : i32
      %dma_wait3A_306 = arith.constant 0 : i32
      %dma_wait3A_307 = tpu.memref_slice %arg15[%dma_wait3A_305, %dma_wait3A_306] : memref<10112x16xf32, #tpu.memory_space<vmem_shared>> -> memref<10112x16xf32, #tpu.memory_space<vmem_shared>>
      %dma_wait3A_308 = tpu.memref_slice %arg18[%dma_wait3A_297] : memref<4x!tpu.dma_semaphore, #tpu.memory_space<semaphore_mem>> -> memref<1x!tpu.dma_semaphore, #tpu.memory_space<semaphore_mem>>
      %dma_wait3A_309 = tpu.memref_squeeze %dma_wait3A_308 : memref<1x!tpu.dma_semaphore, #tpu.memory_space<semaphore_mem>> -> memref<!tpu.dma_semaphore, #tpu.memory_space<semaphore_mem>>
      tpu.wait_indirect_dma semaphore(%dma_wait3A_309 : memref<!tpu.dma_semaphore, #tpu.memory_space<semaphore_mem>>) src(%dma_wait3A_301 : memref<128x16xf32, #tpu.memory_space<vmem>>) dst(%dma_wait3A_307 : memref<10112x16xf32, #tpu.memory_space<vmem_shared>>)
      %add3A_310 = arith.constant 4 : i32
      %add3A_311 = arith.addi %add3A_195, %add3A_310 : i32
      %add3A_312 = arith.constant 1 : i32
      %add3A_313 = arith.addi %add3A_311, %add3A_312 : i32
      %dma_start3A_314 = arith.constant 1 : i32
      %dma_start3A_315 = arith.constant 1 : i32
      %dma_start3A_316 = arith.constant 0 : i32
      %dma_start3A_317 = arith.constant 0 : i32
      %dma_start3A_318 = tpu.memref_slice %arg11[%dma_start3A_314, %dma_start3A_316, %dma_start3A_317] : memref<4x128x16xf32, #tpu.memory_space<vmem>> -> memref<1x128x16xf32, #tpu.memory_space<vmem>>
      %dma_start3A_319 = tpu.memref_squeeze %dma_start3A_318 : memref<1x128x16xf32, #tpu.memory_space<vmem>> -> memref<128x16xf32, #tpu.memory_space<vmem>>
      %dma_start3A_320 = arith.constant 0 : i32
      %dma_start3A_321 = tpu.memref_slice %arg9[%add3A_313, %dma_start3A_320] : memref<80x128xi32, #tpu.memory_space<vmem>> -> memref<1x128xi32, #tpu.memory_space<vmem>>
      %dma_start3A_322 = tpu.memref_squeeze %dma_start3A_321 : memref<1x128xi32, #tpu.memory_space<vmem>> -> memref<128xi32, #tpu.memory_space<vmem>>
      %dma_start3A_323 = arith.constant 0 : i32
      %dma_start3A_324 = arith.constant 0 : i32
      %dma_start3A_325 = tpu.memref_slice %arg16[%dma_start3A_323, %dma_start3A_324] : memref<10112x16xf32, #tpu.memory_space<vmem_shared>> -> memref<10112x16xf32, #tpu.memory_space<vmem_shared>>
      %dma_start3A_326 = tpu.memref_slice %arg17[%dma_start3A_315] : memref<4x!tpu.dma_semaphore, #tpu.memory_space<semaphore_mem>> -> memref<1x!tpu.dma_semaphore, #tpu.memory_space<semaphore_mem>>
      %dma_start3A_327 = tpu.memref_squeeze %dma_start3A_326 : memref<1x!tpu.dma_semaphore, #tpu.memory_space<semaphore_mem>> -> memref<!tpu.dma_semaphore, #tpu.memory_space<semaphore_mem>>
      tpu.enqueue_indirect_dma source(%dma_start3A_325 : memref<10112x16xf32, #tpu.memory_space<vmem_shared>>) target(%dma_start3A_319 : memref<128x16xf32, #tpu.memory_space<vmem>>) offsets(%dma_start3A_322 : memref<128xi32, #tpu.memory_space<vmem>>) semaphore(%dma_start3A_327 : memref<!tpu.dma_semaphore, #tpu.memory_space<semaphore_mem>>)
      %add3A_328 = arith.constant 2 : i32
      %add3A_329 = arith.addi %add3A_195, %add3A_328 : i32
      %dma_wait3A_330 = arith.constant 2 : i32
      %dma_wait3A_331 = arith.constant 2 : i32
      %dma_wait3A_332 = arith.constant 0 : i32
      %dma_wait3A_333 = arith.constant 0 : i32
      %dma_wait3A_334 = tpu.memref_slice %arg11[%dma_wait3A_330, %dma_wait3A_332, %dma_wait3A_333] : memref<4x128x16xf32, #tpu.memory_space<vmem>> -> memref<1x128x16xf32, #tpu.memory_space<vmem>>
      %dma_wait3A_335 = tpu.memref_squeeze %dma_wait3A_334 : memref<1x128x16xf32, #tpu.memory_space<vmem>> -> memref<128x16xf32, #tpu.memory_space<vmem>>
      %dma_wait3A_336 = arith.constant 0 : i32
      %dma_wait3A_337 = tpu.memref_slice %arg9[%add3A_329, %dma_wait3A_336] : memref<80x128xi32, #tpu.memory_space<vmem>> -> memref<1x128xi32, #tpu.memory_space<vmem>>
      %dma_wait3A_338 = tpu.memref_squeeze %dma_wait3A_337 : memref<1x128xi32, #tpu.memory_space<vmem>> -> memref<128xi32, #tpu.memory_space<vmem>>
      %dma_wait3A_339 = arith.constant 0 : i32
      %dma_wait3A_340 = arith.constant 0 : i32
      %dma_wait3A_341 = tpu.memref_slice %arg16[%dma_wait3A_339, %dma_wait3A_340] : memref<10112x16xf32, #tpu.memory_space<vmem_shared>> -> memref<10112x16xf32, #tpu.memory_space<vmem_shared>>
      %dma_wait3A_342 = tpu.memref_slice %arg17[%dma_wait3A_331] : memref<4x!tpu.dma_semaphore, #tpu.memory_space<semaphore_mem>> -> memref<1x!tpu.dma_semaphore, #tpu.memory_space<semaphore_mem>>
      %dma_wait3A_343 = tpu.memref_squeeze %dma_wait3A_342 : memref<1x!tpu.dma_semaphore, #tpu.memory_space<semaphore_mem>> -> memref<!tpu.dma_semaphore, #tpu.memory_space<semaphore_mem>>
      tpu.wait_indirect_dma semaphore(%dma_wait3A_343 : memref<!tpu.dma_semaphore, #tpu.memory_space<semaphore_mem>>) src(%dma_wait3A_341 : memref<10112x16xf32, #tpu.memory_space<vmem_shared>>) dst(%dma_wait3A_335 : memref<128x16xf32, #tpu.memory_space<vmem>>)
      %add3A_344 = arith.constant 2 : i32
      %add3A_345 = arith.addi %add3A_195, %add3A_344 : i32
      %dma_start3A_346 = arith.constant 2 : i32
      %dma_start3A_347 = arith.constant 2 : i32
      %dma_start3A_348 = arith.constant 0 : i32
      %dma_start3A_349 = arith.constant 0 : i32
      %dma_start3A_350 = tpu.memref_slice %arg11[%dma_start3A_346, %dma_start3A_348, %dma_start3A_349] : memref<4x128x16xf32, #tpu.memory_space<vmem>> -> memref<1x128x16xf32, #tpu.memory_space<vmem>>
      %dma_start3A_351 = tpu.memref_squeeze %dma_start3A_350 : memref<1x128x16xf32, #tpu.memory_space<vmem>> -> memref<128x16xf32, #tpu.memory_space<vmem>>
      %dma_start3A_352 = arith.constant 0 : i32
      %dma_start3A_353 = tpu.memref_slice %arg10[%add3A_345, %dma_start3A_352] : memref<80x128xi32, #tpu.memory_space<vmem>> -> memref<1x128xi32, #tpu.memory_space<vmem>>
      %dma_start3A_354 = tpu.memref_squeeze %dma_start3A_353 : memref<1x128xi32, #tpu.memory_space<vmem>> -> memref<128xi32, #tpu.memory_space<vmem>>
      %dma_start3A_355 = arith.constant 0 : i32
      %dma_start3A_356 = arith.constant 0 : i32
      %dma_start3A_357 = tpu.memref_slice %arg15[%dma_start3A_355, %dma_start3A_356] : memref<10112x16xf32, #tpu.memory_space<vmem_shared>> -> memref<10112x16xf32, #tpu.memory_space<vmem_shared>>
      %dma_start3A_358 = tpu.memref_slice %arg18[%dma_start3A_347] : memref<4x!tpu.dma_semaphore, #tpu.memory_space<semaphore_mem>> -> memref<1x!tpu.dma_semaphore, #tpu.memory_space<semaphore_mem>>
      %dma_start3A_359 = tpu.memref_squeeze %dma_start3A_358 : memref<1x!tpu.dma_semaphore, #tpu.memory_space<semaphore_mem>> -> memref<!tpu.dma_semaphore, #tpu.memory_space<semaphore_mem>>
      tpu.enqueue_indirect_dma source(%dma_start3A_351 : memref<128x16xf32, #tpu.memory_space<vmem>>) target(%dma_start3A_357 : memref<10112x16xf32, #tpu.memory_space<vmem_shared>>) offsets(%dma_start3A_354 : memref<128xi32, #tpu.memory_space<vmem>>) semaphore(%dma_start3A_359 : memref<!tpu.dma_semaphore, #tpu.memory_space<semaphore_mem>>) {add = true}
      %add3A_360 = arith.constant 2 : i32
      %add3A_361 = arith.addi %add3A_195, %add3A_360 : i32
      %dma_wait3A_362 = arith.constant 2 : i32
      %dma_wait3A_363 = arith.constant 2 : i32
      %dma_wait3A_364 = arith.constant 0 : i32
      %dma_wait3A_365 = arith.constant 0 : i32
      %dma_wait3A_366 = tpu.memref_slice %arg11[%dma_wait3A_362, %dma_wait3A_364, %dma_wait3A_365] : memref<4x128x16xf32, #tpu.memory_space<vmem>> -> memref<1x128x16xf32, #tpu.memory_space<vmem>>
      %dma_wait3A_367 = tpu.memref_squeeze %dma_wait3A_366 : memref<1x128x16xf32, #tpu.memory_space<vmem>> -> memref<128x16xf32, #tpu.memory_space<vmem>>
      %dma_wait3A_368 = arith.constant 0 : i32
      %dma_wait3A_369 = tpu.memref_slice %arg10[%add3A_361, %dma_wait3A_368] : memref<80x128xi32, #tpu.memory_space<vmem>> -> memref<1x128xi32, #tpu.memory_space<vmem>>
      %dma_wait3A_370 = tpu.memref_squeeze %dma_wait3A_369 : memref<1x128xi32, #tpu.memory_space<vmem>> -> memref<128xi32, #tpu.memory_space<vmem>>
      %dma_wait3A_371 = arith.constant 0 : i32
      %dma_wait3A_372 = arith.constant 0 : i32
      %dma_wait3A_373 = tpu.memref_slice %arg15[%dma_wait3A_371, %dma_wait3A_372] : memref<10112x16xf32, #tpu.memory_space<vmem_shared>> -> memref<10112x16xf32, #tpu.memory_space<vmem_shared>>
      %dma_wait3A_374 = tpu.memref_slice %arg18[%dma_wait3A_363] : memref<4x!tpu.dma_semaphore, #tpu.memory_space<semaphore_mem>> -> memref<1x!tpu.dma_semaphore, #tpu.memory_space<semaphore_mem>>
      %dma_wait3A_375 = tpu.memref_squeeze %dma_wait3A_374 : memref<1x!tpu.dma_semaphore, #tpu.memory_space<semaphore_mem>> -> memref<!tpu.dma_semaphore, #tpu.memory_space<semaphore_mem>>
      tpu.wait_indirect_dma semaphore(%dma_wait3A_375 : memref<!tpu.dma_semaphore, #tpu.memory_space<semaphore_mem>>) src(%dma_wait3A_367 : memref<128x16xf32, #tpu.memory_space<vmem>>) dst(%dma_wait3A_373 : memref<10112x16xf32, #tpu.memory_space<vmem_shared>>)
      %add3A_376 = arith.constant 4 : i32
      %add3A_377 = arith.addi %add3A_195, %add3A_376 : i32
      %add3A_378 = arith.constant 2 : i32
      %add3A_379 = arith.addi %add3A_377, %add3A_378 : i32
      %dma_start3A_380 = arith.constant 2 : i32
      %dma_start3A_381 = arith.constant 2 : i32
      %dma_start3A_382 = arith.constant 0 : i32
      %dma_start3A_383 = arith.constant 0 : i32
      %dma_start3A_384 = tpu.memref_slice %arg11[%dma_start3A_380, %dma_start3A_382, %dma_start3A_383] : memref<4x128x16xf32, #tpu.memory_space<vmem>> -> memref<1x128x16xf32, #tpu.memory_space<vmem>>
      %dma_start3A_385 = tpu.memref_squeeze %dma_start3A_384 : memref<1x128x16xf32, #tpu.memory_space<vmem>> -> memref<128x16xf32, #tpu.memory_space<vmem>>
      %dma_start3A_386 = arith.constant 0 : i32
      %dma_start3A_387 = tpu.memref_slice %arg9[%add3A_379, %dma_start3A_386] : memref<80x128xi32, #tpu.memory_space<vmem>> -> memref<1x128xi32, #tpu.memory_space<vmem>>
      %dma_start3A_388 = tpu.memref_squeeze %dma_start3A_387 : memref<1x128xi32, #tpu.memory_space<vmem>> -> memref<128xi32, #tpu.memory_space<vmem>>
      %dma_start3A_389 = arith.constant 0 : i32
      %dma_start3A_390 = arith.constant 0 : i32
      %dma_start3A_391 = tpu.memref_slice %arg16[%dma_start3A_389, %dma_start3A_390] : memref<10112x16xf32, #tpu.memory_space<vmem_shared>> -> memref<10112x16xf32, #tpu.memory_space<vmem_shared>>
      %dma_start3A_392 = tpu.memref_slice %arg17[%dma_start3A_381] : memref<4x!tpu.dma_semaphore, #tpu.memory_space<semaphore_mem>> -> memref<1x!tpu.dma_semaphore, #tpu.memory_space<semaphore_mem>>
      %dma_start3A_393 = tpu.memref_squeeze %dma_start3A_392 : memref<1x!tpu.dma_semaphore, #tpu.memory_space<semaphore_mem>> -> memref<!tpu.dma_semaphore, #tpu.memory_space<semaphore_mem>>
      tpu.enqueue_indirect_dma source(%dma_start3A_391 : memref<10112x16xf32, #tpu.memory_space<vmem_shared>>) target(%dma_start3A_385 : memref<128x16xf32, #tpu.memory_space<vmem>>) offsets(%dma_start3A_388 : memref<128xi32, #tpu.memory_space<vmem>>) semaphore(%dma_start3A_393 : memref<!tpu.dma_semaphore, #tpu.memory_space<semaphore_mem>>)
      %add3A_394 = arith.constant 3 : i32
      %add3A_395 = arith.addi %add3A_195, %add3A_394 : i32
      %dma_wait3A_396 = arith.constant 3 : i32
      %dma_wait3A_397 = arith.constant 3 : i32
      %dma_wait3A_398 = arith.constant 0 : i32
      %dma_wait3A_399 = arith.constant 0 : i32
      %dma_wait3A_400 = tpu.memref_slice %arg11[%dma_wait3A_396, %dma_wait3A_398, %dma_wait3A_399] : memref<4x128x16xf32, #tpu.memory_space<vmem>> -> memref<1x128x16xf32, #tpu.memory_space<vmem>>
      %dma_wait3A_401 = tpu.memref_squeeze %dma_wait3A_400 : memref<1x128x16xf32, #tpu.memory_space<vmem>> -> memref<128x16xf32, #tpu.memory_space<vmem>>
      %dma_wait3A_402 = arith.constant 0 : i32
      %dma_wait3A_403 = tpu.memref_slice %arg9[%add3A_395, %dma_wait3A_402] : memref<80x128xi32, #tpu.memory_space<vmem>> -> memref<1x128xi32, #tpu.memory_space<vmem>>
      %dma_wait3A_404 = tpu.memref_squeeze %dma_wait3A_403 : memref<1x128xi32, #tpu.memory_space<vmem>> -> memref<128xi32, #tpu.memory_space<vmem>>
      %dma_wait3A_405 = arith.constant 0 : i32
      %dma_wait3A_406 = arith.constant 0 : i32
      %dma_wait3A_407 = tpu.memref_slice %arg16[%dma_wait3A_405, %dma_wait3A_406] : memref<10112x16xf32, #tpu.memory_space<vmem_shared>> -> memref<10112x16xf32, #tpu.memory_space<vmem_shared>>
      %dma_wait3A_408 = tpu.memref_slice %arg17[%dma_wait3A_397] : memref<4x!tpu.dma_semaphore, #tpu.memory_space<semaphore_mem>> -> memref<1x!tpu.dma_semaphore, #tpu.memory_space<semaphore_mem>>
      %dma_wait3A_409 = tpu.memref_squeeze %dma_wait3A_408 : memref<1x!tpu.dma_semaphore, #tpu.memory_space<semaphore_mem>> -> memref<!tpu.dma_semaphore, #tpu.memory_space<semaphore_mem>>
      tpu.wait_indirect_dma semaphore(%dma_wait3A_409 : memref<!tpu.dma_semaphore, #tpu.memory_space<semaphore_mem>>) src(%dma_wait3A_407 : memref<10112x16xf32, #tpu.memory_space<vmem_shared>>) dst(%dma_wait3A_401 : memref<128x16xf32, #tpu.memory_space<vmem>>)
      %add3A_410 = arith.constant 3 : i32
      %add3A_411 = arith.addi %add3A_195, %add3A_410 : i32
      %dma_start3A_412 = arith.constant 3 : i32
      %dma_start3A_413 = arith.constant 3 : i32
      %dma_start3A_414 = arith.constant 0 : i32
      %dma_start3A_415 = arith.constant 0 : i32
      %dma_start3A_416 = tpu.memref_slice %arg11[%dma_start3A_412, %dma_start3A_414, %dma_start3A_415] : memref<4x128x16xf32, #tpu.memory_space<vmem>> -> memref<1x128x16xf32, #tpu.memory_space<vmem>>
      %dma_start3A_417 = tpu.memref_squeeze %dma_start3A_416 : memref<1x128x16xf32, #tpu.memory_space<vmem>> -> memref<128x16xf32, #tpu.memory_space<vmem>>
      %dma_start3A_418 = arith.constant 0 : i32
      %dma_start3A_419 = tpu.memref_slice %arg10[%add3A_411, %dma_start3A_418] : memref<80x128xi32, #tpu.memory_space<vmem>> -> memref<1x128xi32, #tpu.memory_space<vmem>>
      %dma_start3A_420 = tpu.memref_squeeze %dma_start3A_419 : memref<1x128xi32, #tpu.memory_space<vmem>> -> memref<128xi32, #tpu.memory_space<vmem>>
      %dma_start3A_421 = arith.constant 0 : i32
      %dma_start3A_422 = arith.constant 0 : i32
      %dma_start3A_423 = tpu.memref_slice %arg15[%dma_start3A_421, %dma_start3A_422] : memref<10112x16xf32, #tpu.memory_space<vmem_shared>> -> memref<10112x16xf32, #tpu.memory_space<vmem_shared>>
      %dma_start3A_424 = tpu.memref_slice %arg18[%dma_start3A_413] : memref<4x!tpu.dma_semaphore, #tpu.memory_space<semaphore_mem>> -> memref<1x!tpu.dma_semaphore, #tpu.memory_space<semaphore_mem>>
      %dma_start3A_425 = tpu.memref_squeeze %dma_start3A_424 : memref<1x!tpu.dma_semaphore, #tpu.memory_space<semaphore_mem>> -> memref<!tpu.dma_semaphore, #tpu.memory_space<semaphore_mem>>
      tpu.enqueue_indirect_dma source(%dma_start3A_417 : memref<128x16xf32, #tpu.memory_space<vmem>>) target(%dma_start3A_423 : memref<10112x16xf32, #tpu.memory_space<vmem_shared>>) offsets(%dma_start3A_420 : memref<128xi32, #tpu.memory_space<vmem>>) semaphore(%dma_start3A_425 : memref<!tpu.dma_semaphore, #tpu.memory_space<semaphore_mem>>) {add = true}
      %add3A_426 = arith.constant 3 : i32
      %add3A_427 = arith.addi %add3A_195, %add3A_426 : i32
      %dma_wait3A_428 = arith.constant 3 : i32
      %dma_wait3A_429 = arith.constant 3 : i32
      %dma_wait3A_430 = arith.constant 0 : i32
      %dma_wait3A_431 = arith.constant 0 : i32
      %dma_wait3A_432 = tpu.memref_slice %arg11[%dma_wait3A_428, %dma_wait3A_430, %dma_wait3A_431] : memref<4x128x16xf32, #tpu.memory_space<vmem>> -> memref<1x128x16xf32, #tpu.memory_space<vmem>>
      %dma_wait3A_433 = tpu.memref_squeeze %dma_wait3A_432 : memref<1x128x16xf32, #tpu.memory_space<vmem>> -> memref<128x16xf32, #tpu.memory_space<vmem>>
      %dma_wait3A_434 = arith.constant 0 : i32
      %dma_wait3A_435 = tpu.memref_slice %arg10[%add3A_427, %dma_wait3A_434] : memref<80x128xi32, #tpu.memory_space<vmem>> -> memref<1x128xi32, #tpu.memory_space<vmem>>
      %dma_wait3A_436 = tpu.memref_squeeze %dma_wait3A_435 : memref<1x128xi32, #tpu.memory_space<vmem>> -> memref<128xi32, #tpu.memory_space<vmem>>
      %dma_wait3A_437 = arith.constant 0 : i32
      %dma_wait3A_438 = arith.constant 0 : i32
      %dma_wait3A_439 = tpu.memref_slice %arg15[%dma_wait3A_437, %dma_wait3A_438] : memref<10112x16xf32, #tpu.memory_space<vmem_shared>> -> memref<10112x16xf32, #tpu.memory_space<vmem_shared>>
      %dma_wait3A_440 = tpu.memref_slice %arg18[%dma_wait3A_429] : memref<4x!tpu.dma_semaphore, #tpu.memory_space<semaphore_mem>> -> memref<1x!tpu.dma_semaphore, #tpu.memory_space<semaphore_mem>>
      %dma_wait3A_441 = tpu.memref_squeeze %dma_wait3A_440 : memref<1x!tpu.dma_semaphore, #tpu.memory_space<semaphore_mem>> -> memref<!tpu.dma_semaphore, #tpu.memory_space<semaphore_mem>>
      tpu.wait_indirect_dma semaphore(%dma_wait3A_441 : memref<!tpu.dma_semaphore, #tpu.memory_space<semaphore_mem>>) src(%dma_wait3A_433 : memref<128x16xf32, #tpu.memory_space<vmem>>) dst(%dma_wait3A_439 : memref<10112x16xf32, #tpu.memory_space<vmem_shared>>)
      %add3A_442 = arith.constant 4 : i32
      %add3A_443 = arith.addi %add3A_195, %add3A_442 : i32
      %add3A_444 = arith.constant 3 : i32
      %add3A_445 = arith.addi %add3A_443, %add3A_444 : i32
      %dma_start3A_446 = arith.constant 3 : i32
      %dma_start3A_447 = arith.constant 3 : i32
      %dma_start3A_448 = arith.constant 0 : i32
      %dma_start3A_449 = arith.constant 0 : i32
      %dma_start3A_450 = tpu.memref_slice %arg11[%dma_start3A_446, %dma_start3A_448, %dma_start3A_449] : memref<4x128x16xf32, #tpu.memory_space<vmem>> -> memref<1x128x16xf32, #tpu.memory_space<vmem>>
      %dma_start3A_451 = tpu.memref_squeeze %dma_start3A_450 : memref<1x128x16xf32, #tpu.memory_space<vmem>> -> memref<128x16xf32, #tpu.memory_space<vmem>>
      %dma_start3A_452 = arith.constant 0 : i32
      %dma_start3A_453 = tpu.memref_slice %arg9[%add3A_445, %dma_start3A_452] : memref<80x128xi32, #tpu.memory_space<vmem>> -> memref<1x128xi32, #tpu.memory_space<vmem>>
      %dma_start3A_454 = tpu.memref_squeeze %dma_start3A_453 : memref<1x128xi32, #tpu.memory_space<vmem>> -> memref<128xi32, #tpu.memory_space<vmem>>
      %dma_start3A_455 = arith.constant 0 : i32
      %dma_start3A_456 = arith.constant 0 : i32
      %dma_start3A_457 = tpu.memref_slice %arg16[%dma_start3A_455, %dma_start3A_456] : memref<10112x16xf32, #tpu.memory_space<vmem_shared>> -> memref<10112x16xf32, #tpu.memory_space<vmem_shared>>
      %dma_start3A_458 = tpu.memref_slice %arg17[%dma_start3A_447] : memref<4x!tpu.dma_semaphore, #tpu.memory_space<semaphore_mem>> -> memref<1x!tpu.dma_semaphore, #tpu.memory_space<semaphore_mem>>
      %dma_start3A_459 = tpu.memref_squeeze %dma_start3A_458 : memref<1x!tpu.dma_semaphore, #tpu.memory_space<semaphore_mem>> -> memref<!tpu.dma_semaphore, #tpu.memory_space<semaphore_mem>>
      tpu.enqueue_indirect_dma source(%dma_start3A_457 : memref<10112x16xf32, #tpu.memory_space<vmem_shared>>) target(%dma_start3A_451 : memref<128x16xf32, #tpu.memory_space<vmem>>) offsets(%dma_start3A_454 : memref<128xi32, #tpu.memory_space<vmem>>) semaphore(%dma_start3A_459 : memref<!tpu.dma_semaphore, #tpu.memory_space<semaphore_mem>>)
    }
    %scan3A_116 = arith.constant 19 : i32
    %dma_wait3A_117 = arith.constant 76 : i32
    %dma_wait3A_118 = arith.constant 0 : i32
    %dma_wait3A_119 = arith.constant 0 : i32
    %dma_wait3A_120 = arith.constant 0 : i32
    %dma_wait3A_121 = arith.constant 0 : i32
    %dma_wait3A_122 = tpu.memref_slice %arg11[%dma_wait3A_118, %dma_wait3A_120, %dma_wait3A_121] : memref<4x128x16xf32, #tpu.memory_space<vmem>> -> memref<1x128x16xf32, #tpu.memory_space<vmem>>
    %dma_wait3A_123 = tpu.memref_squeeze %dma_wait3A_122 : memref<1x128x16xf32, #tpu.memory_space<vmem>> -> memref<128x16xf32, #tpu.memory_space<vmem>>
    %dma_wait3A_124 = arith.constant 0 : i32
    %dma_wait3A_125 = tpu.memref_slice %arg9[%dma_wait3A_117, %dma_wait3A_124] : memref<80x128xi32, #tpu.memory_space<vmem>> -> memref<1x128xi32, #tpu.memory_space<vmem>>
    %dma_wait3A_126 = tpu.memref_squeeze %dma_wait3A_125 : memref<1x128xi32, #tpu.memory_space<vmem>> -> memref<128xi32, #tpu.memory_space<vmem>>
    %dma_wait3A_127 = arith.constant 0 : i32
    %dma_wait3A_128 = arith.constant 0 : i32
    %dma_wait3A_129 = tpu.memref_slice %arg16[%dma_wait3A_127, %dma_wait3A_128] : memref<10112x16xf32, #tpu.memory_space<vmem_shared>> -> memref<10112x16xf32, #tpu.memory_space<vmem_shared>>
    %dma_wait3A_130 = tpu.memref_slice %arg17[%dma_wait3A_119] : memref<4x!tpu.dma_semaphore, #tpu.memory_space<semaphore_mem>> -> memref<1x!tpu.dma_semaphore, #tpu.memory_space<semaphore_mem>>
    %dma_wait3A_131 = tpu.memref_squeeze %dma_wait3A_130 : memref<1x!tpu.dma_semaphore, #tpu.memory_space<semaphore_mem>> -> memref<!tpu.dma_semaphore, #tpu.memory_space<semaphore_mem>>
    tpu.wait_indirect_dma semaphore(%dma_wait3A_131 : memref<!tpu.dma_semaphore, #tpu.memory_space<semaphore_mem>>) src(%dma_wait3A_129 : memref<10112x16xf32, #tpu.memory_space<vmem_shared>>) dst(%dma_wait3A_123 : memref<128x16xf32, #tpu.memory_space<vmem>>)
    %run_scoped3A_132 = arith.constant 0 : i32
    %run_scoped3A_133 = arith.constant 76 : i32
    "tpu.region"() ({
      %run_scoped3A_191 = tpu.sem_alloc : memref<!tpu.dma_semaphore, #tpu.memory_space<semaphore_mem>>
      %dma_start3A_192 = arith.constant 0 : i32
      %dma_start3A_193 = arith.constant 0 : i32
      %dma_start3A_194 = tpu.memref_slice %arg11[%run_scoped3A_132, %dma_start3A_192, %dma_start3A_193] : memref<4x128x16xf32, #tpu.memory_space<vmem>> -> memref<1x128x16xf32, #tpu.memory_space<vmem>>
      %dma_start3A_195 = tpu.memref_squeeze %dma_start3A_194 : memref<1x128x16xf32, #tpu.memory_space<vmem>> -> memref<128x16xf32, #tpu.memory_space<vmem>>
      %dma_start3A_196 = arith.constant 0 : i32
      %dma_start3A_197 = tpu.memref_slice %arg10[%run_scoped3A_133, %dma_start3A_196] : memref<80x128xi32, #tpu.memory_space<vmem>> -> memref<1x128xi32, #tpu.memory_space<vmem>>
      %dma_start3A_198 = tpu.memref_squeeze %dma_start3A_197 : memref<1x128xi32, #tpu.memory_space<vmem>> -> memref<128xi32, #tpu.memory_space<vmem>>
      %dma_start3A_199 = arith.constant 0 : i32
      %dma_start3A_200 = arith.constant 0 : i32
      %dma_start3A_201 = tpu.memref_slice %arg15[%dma_start3A_199, %dma_start3A_200] : memref<10112x16xf32, #tpu.memory_space<vmem_shared>> -> memref<10112x16xf32, #tpu.memory_space<vmem_shared>>
      tpu.enqueue_indirect_dma source(%dma_start3A_195 : memref<128x16xf32, #tpu.memory_space<vmem>>) target(%dma_start3A_201 : memref<10112x16xf32, #tpu.memory_space<vmem_shared>>) offsets(%dma_start3A_198 : memref<128xi32, #tpu.memory_space<vmem>>) semaphore(%run_scoped3A_191 : memref<!tpu.dma_semaphore, #tpu.memory_space<semaphore_mem>>) {add = true}
      %dma_wait3A_202 = arith.constant 0 : i32
      %dma_wait3A_203 = arith.constant 0 : i32
      %dma_wait3A_204 = tpu.memref_slice %arg11[%run_scoped3A_132, %dma_wait3A_202, %dma_wait3A_203] : memref<4x128x16xf32, #tpu.memory_space<vmem>> -> memref<1x128x16xf32, #tpu.memory_space<vmem>>
      %dma_wait3A_205 = tpu.memref_squeeze %dma_wait3A_204 : memref<1x128x16xf32, #tpu.memory_space<vmem>> -> memref<128x16xf32, #tpu.memory_space<vmem>>
      %dma_wait3A_206 = arith.constant 0 : i32
      %dma_wait3A_207 = tpu.memref_slice %arg10[%run_scoped3A_133, %dma_wait3A_206] : memref<80x128xi32, #tpu.memory_space<vmem>> -> memref<1x128xi32, #tpu.memory_space<vmem>>
      %dma_wait3A_208 = tpu.memref_squeeze %dma_wait3A_207 : memref<1x128xi32, #tpu.memory_space<vmem>> -> memref<128xi32, #tpu.memory_space<vmem>>
      %dma_wait3A_209 = arith.constant 0 : i32
      %dma_wait3A_210 = arith.constant 0 : i32
      %dma_wait3A_211 = tpu.memref_slice %arg15[%dma_wait3A_209, %dma_wait3A_210] : memref<10112x16xf32, #tpu.memory_space<vmem_shared>> -> memref<10112x16xf32, #tpu.memory_space<vmem_shared>>
      tpu.wait_indirect_dma semaphore(%run_scoped3A_191 : memref<!tpu.dma_semaphore, #tpu.memory_space<semaphore_mem>>) src(%dma_wait3A_205 : memref<128x16xf32, #tpu.memory_space<vmem>>) dst(%dma_wait3A_211 : memref<10112x16xf32, #tpu.memory_space<vmem_shared>>)
      tpu.yield
    }) : () -> ()
    %dma_wait3A_134 = arith.constant 77 : i32
    %dma_wait3A_135 = arith.constant 1 : i32
    %dma_wait3A_136 = arith.constant 1 : i32
    %dma_wait3A_137 = arith.constant 0 : i32
    %dma_wait3A_138 = arith.constant 0 : i32
    %dma_wait3A_139 = tpu.memref_slice %arg11[%dma_wait3A_135, %dma_wait3A_137, %dma_wait3A_138] : memref<4x128x16xf32, #tpu.memory_space<vmem>> -> memref<1x128x16xf32, #tpu.memory_space<vmem>>
    %dma_wait3A_140 = tpu.memref_squeeze %dma_wait3A_139 : memref<1x128x16xf32, #tpu.memory_space<vmem>> -> memref<128x16xf32, #tpu.memory_space<vmem>>
    %dma_wait3A_141 = arith.constant 0 : i32
    %dma_wait3A_142 = tpu.memref_slice %arg9[%dma_wait3A_134, %dma_wait3A_141] : memref<80x128xi32, #tpu.memory_space<vmem>> -> memref<1x128xi32, #tpu.memory_space<vmem>>
    %dma_wait3A_143 = tpu.memref_squeeze %dma_wait3A_142 : memref<1x128xi32, #tpu.memory_space<vmem>> -> memref<128xi32, #tpu.memory_space<vmem>>
    %dma_wait3A_144 = arith.constant 0 : i32
    %dma_wait3A_145 = arith.constant 0 : i32
    %dma_wait3A_146 = tpu.memref_slice %arg16[%dma_wait3A_144, %dma_wait3A_145] : memref<10112x16xf32, #tpu.memory_space<vmem_shared>> -> memref<10112x16xf32, #tpu.memory_space<vmem_shared>>
    %dma_wait3A_147 = tpu.memref_slice %arg17[%dma_wait3A_136] : memref<4x!tpu.dma_semaphore, #tpu.memory_space<semaphore_mem>> -> memref<1x!tpu.dma_semaphore, #tpu.memory_space<semaphore_mem>>
    %dma_wait3A_148 = tpu.memref_squeeze %dma_wait3A_147 : memref<1x!tpu.dma_semaphore, #tpu.memory_space<semaphore_mem>> -> memref<!tpu.dma_semaphore, #tpu.memory_space<semaphore_mem>>
    tpu.wait_indirect_dma semaphore(%dma_wait3A_148 : memref<!tpu.dma_semaphore, #tpu.memory_space<semaphore_mem>>) src(%dma_wait3A_146 : memref<10112x16xf32, #tpu.memory_space<vmem_shared>>) dst(%dma_wait3A_140 : memref<128x16xf32, #tpu.memory_space<vmem>>)
    %run_scoped3A_149 = arith.constant 1 : i32
    %run_scoped3A_150 = arith.constant 77 : i32
    "tpu.region"() ({
      %run_scoped3A_191 = tpu.sem_alloc : memref<!tpu.dma_semaphore, #tpu.memory_space<semaphore_mem>>
      %dma_start3A_192 = arith.constant 0 : i32
      %dma_start3A_193 = arith.constant 0 : i32
      %dma_start3A_194 = tpu.memref_slice %arg11[%run_scoped3A_149, %dma_start3A_192, %dma_start3A_193] : memref<4x128x16xf32, #tpu.memory_space<vmem>> -> memref<1x128x16xf32, #tpu.memory_space<vmem>>
      %dma_start3A_195 = tpu.memref_squeeze %dma_start3A_194 : memref<1x128x16xf32, #tpu.memory_space<vmem>> -> memref<128x16xf32, #tpu.memory_space<vmem>>
      %dma_start3A_196 = arith.constant 0 : i32
      %dma_start3A_197 = tpu.memref_slice %arg10[%run_scoped3A_150, %dma_start3A_196] : memref<80x128xi32, #tpu.memory_space<vmem>> -> memref<1x128xi32, #tpu.memory_space<vmem>>
      %dma_start3A_198 = tpu.memref_squeeze %dma_start3A_197 : memref<1x128xi32, #tpu.memory_space<vmem>> -> memref<128xi32, #tpu.memory_space<vmem>>
      %dma_start3A_199 = arith.constant 0 : i32
      %dma_start3A_200 = arith.constant 0 : i32
      %dma_start3A_201 = tpu.memref_slice %arg15[%dma_start3A_199, %dma_start3A_200] : memref<10112x16xf32, #tpu.memory_space<vmem_shared>> -> memref<10112x16xf32, #tpu.memory_space<vmem_shared>>
      tpu.enqueue_indirect_dma source(%dma_start3A_195 : memref<128x16xf32, #tpu.memory_space<vmem>>) target(%dma_start3A_201 : memref<10112x16xf32, #tpu.memory_space<vmem_shared>>) offsets(%dma_start3A_198 : memref<128xi32, #tpu.memory_space<vmem>>) semaphore(%run_scoped3A_191 : memref<!tpu.dma_semaphore, #tpu.memory_space<semaphore_mem>>) {add = true}
      %dma_wait3A_202 = arith.constant 0 : i32
      %dma_wait3A_203 = arith.constant 0 : i32
      %dma_wait3A_204 = tpu.memref_slice %arg11[%run_scoped3A_149, %dma_wait3A_202, %dma_wait3A_203] : memref<4x128x16xf32, #tpu.memory_space<vmem>> -> memref<1x128x16xf32, #tpu.memory_space<vmem>>
      %dma_wait3A_205 = tpu.memref_squeeze %dma_wait3A_204 : memref<1x128x16xf32, #tpu.memory_space<vmem>> -> memref<128x16xf32, #tpu.memory_space<vmem>>
      %dma_wait3A_206 = arith.constant 0 : i32
      %dma_wait3A_207 = tpu.memref_slice %arg10[%run_scoped3A_150, %dma_wait3A_206] : memref<80x128xi32, #tpu.memory_space<vmem>> -> memref<1x128xi32, #tpu.memory_space<vmem>>
      %dma_wait3A_208 = tpu.memref_squeeze %dma_wait3A_207 : memref<1x128xi32, #tpu.memory_space<vmem>> -> memref<128xi32, #tpu.memory_space<vmem>>
      %dma_wait3A_209 = arith.constant 0 : i32
      %dma_wait3A_210 = arith.constant 0 : i32
      %dma_wait3A_211 = tpu.memref_slice %arg15[%dma_wait3A_209, %dma_wait3A_210] : memref<10112x16xf32, #tpu.memory_space<vmem_shared>> -> memref<10112x16xf32, #tpu.memory_space<vmem_shared>>
      tpu.wait_indirect_dma semaphore(%run_scoped3A_191 : memref<!tpu.dma_semaphore, #tpu.memory_space<semaphore_mem>>) src(%dma_wait3A_205 : memref<128x16xf32, #tpu.memory_space<vmem>>) dst(%dma_wait3A_211 : memref<10112x16xf32, #tpu.memory_space<vmem_shared>>)
      tpu.yield
    }) : () -> ()
    %dma_wait3A_151 = arith.constant 78 : i32
    %dma_wait3A_152 = arith.constant 2 : i32
    %dma_wait3A_153 = arith.constant 2 : i32
    %dma_wait3A_154 = arith.constant 0 : i32
    %dma_wait3A_155 = arith.constant 0 : i32
    %dma_wait3A_156 = tpu.memref_slice %arg11[%dma_wait3A_152, %dma_wait3A_154, %dma_wait3A_155] : memref<4x128x16xf32, #tpu.memory_space<vmem>> -> memref<1x128x16xf32, #tpu.memory_space<vmem>>
    %dma_wait3A_157 = tpu.memref_squeeze %dma_wait3A_156 : memref<1x128x16xf32, #tpu.memory_space<vmem>> -> memref<128x16xf32, #tpu.memory_space<vmem>>
    %dma_wait3A_158 = arith.constant 0 : i32
    %dma_wait3A_159 = tpu.memref_slice %arg9[%dma_wait3A_151, %dma_wait3A_158] : memref<80x128xi32, #tpu.memory_space<vmem>> -> memref<1x128xi32, #tpu.memory_space<vmem>>
    %dma_wait3A_160 = tpu.memref_squeeze %dma_wait3A_159 : memref<1x128xi32, #tpu.memory_space<vmem>> -> memref<128xi32, #tpu.memory_space<vmem>>
    %dma_wait3A_161 = arith.constant 0 : i32
    %dma_wait3A_162 = arith.constant 0 : i32
    %dma_wait3A_163 = tpu.memref_slice %arg16[%dma_wait3A_161, %dma_wait3A_162] : memref<10112x16xf32, #tpu.memory_space<vmem_shared>> -> memref<10112x16xf32, #tpu.memory_space<vmem_shared>>
    %dma_wait3A_164 = tpu.memref_slice %arg17[%dma_wait3A_153] : memref<4x!tpu.dma_semaphore, #tpu.memory_space<semaphore_mem>> -> memref<1x!tpu.dma_semaphore, #tpu.memory_space<semaphore_mem>>
    %dma_wait3A_165 = tpu.memref_squeeze %dma_wait3A_164 : memref<1x!tpu.dma_semaphore, #tpu.memory_space<semaphore_mem>> -> memref<!tpu.dma_semaphore, #tpu.memory_space<semaphore_mem>>
    tpu.wait_indirect_dma semaphore(%dma_wait3A_165 : memref<!tpu.dma_semaphore, #tpu.memory_space<semaphore_mem>>) src(%dma_wait3A_163 : memref<10112x16xf32, #tpu.memory_space<vmem_shared>>) dst(%dma_wait3A_157 : memref<128x16xf32, #tpu.memory_space<vmem>>)
    %run_scoped3A_166 = arith.constant 2 : i32
    %run_scoped3A_167 = arith.constant 78 : i32
    "tpu.region"() ({
      %run_scoped3A_191 = tpu.sem_alloc : memref<!tpu.dma_semaphore, #tpu.memory_space<semaphore_mem>>
      %dma_start3A_192 = arith.constant 0 : i32
      %dma_start3A_193 = arith.constant 0 : i32
      %dma_start3A_194 = tpu.memref_slice %arg11[%run_scoped3A_166, %dma_start3A_192, %dma_start3A_193] : memref<4x128x16xf32, #tpu.memory_space<vmem>> -> memref<1x128x16xf32, #tpu.memory_space<vmem>>
      %dma_start3A_195 = tpu.memref_squeeze %dma_start3A_194 : memref<1x128x16xf32, #tpu.memory_space<vmem>> -> memref<128x16xf32, #tpu.memory_space<vmem>>
      %dma_start3A_196 = arith.constant 0 : i32
      %dma_start3A_197 = tpu.memref_slice %arg10[%run_scoped3A_167, %dma_start3A_196] : memref<80x128xi32, #tpu.memory_space<vmem>> -> memref<1x128xi32, #tpu.memory_space<vmem>>
      %dma_start3A_198 = tpu.memref_squeeze %dma_start3A_197 : memref<1x128xi32, #tpu.memory_space<vmem>> -> memref<128xi32, #tpu.memory_space<vmem>>
      %dma_start3A_199 = arith.constant 0 : i32
      %dma_start3A_200 = arith.constant 0 : i32
      %dma_start3A_201 = tpu.memref_slice %arg15[%dma_start3A_199, %dma_start3A_200] : memref<10112x16xf32, #tpu.memory_space<vmem_shared>> -> memref<10112x16xf32, #tpu.memory_space<vmem_shared>>
      tpu.enqueue_indirect_dma source(%dma_start3A_195 : memref<128x16xf32, #tpu.memory_space<vmem>>) target(%dma_start3A_201 : memref<10112x16xf32, #tpu.memory_space<vmem_shared>>) offsets(%dma_start3A_198 : memref<128xi32, #tpu.memory_space<vmem>>) semaphore(%run_scoped3A_191 : memref<!tpu.dma_semaphore, #tpu.memory_space<semaphore_mem>>) {add = true}
      %dma_wait3A_202 = arith.constant 0 : i32
      %dma_wait3A_203 = arith.constant 0 : i32
      %dma_wait3A_204 = tpu.memref_slice %arg11[%run_scoped3A_166, %dma_wait3A_202, %dma_wait3A_203] : memref<4x128x16xf32, #tpu.memory_space<vmem>> -> memref<1x128x16xf32, #tpu.memory_space<vmem>>
      %dma_wait3A_205 = tpu.memref_squeeze %dma_wait3A_204 : memref<1x128x16xf32, #tpu.memory_space<vmem>> -> memref<128x16xf32, #tpu.memory_space<vmem>>
      %dma_wait3A_206 = arith.constant 0 : i32
      %dma_wait3A_207 = tpu.memref_slice %arg10[%run_scoped3A_167, %dma_wait3A_206] : memref<80x128xi32, #tpu.memory_space<vmem>> -> memref<1x128xi32, #tpu.memory_space<vmem>>
      %dma_wait3A_208 = tpu.memref_squeeze %dma_wait3A_207 : memref<1x128xi32, #tpu.memory_space<vmem>> -> memref<128xi32, #tpu.memory_space<vmem>>
      %dma_wait3A_209 = arith.constant 0 : i32
      %dma_wait3A_210 = arith.constant 0 : i32
      %dma_wait3A_211 = tpu.memref_slice %arg15[%dma_wait3A_209, %dma_wait3A_210] : memref<10112x16xf32, #tpu.memory_space<vmem_shared>> -> memref<10112x16xf32, #tpu.memory_space<vmem_shared>>
      tpu.wait_indirect_dma semaphore(%run_scoped3A_191 : memref<!tpu.dma_semaphore, #tpu.memory_space<semaphore_mem>>) src(%dma_wait3A_205 : memref<128x16xf32, #tpu.memory_space<vmem>>) dst(%dma_wait3A_211 : memref<10112x16xf32, #tpu.memory_space<vmem_shared>>)
      tpu.yield
    }) : () -> ()
    %dma_wait3A_168 = arith.constant 79 : i32
    %dma_wait3A_169 = arith.constant 3 : i32
    %dma_wait3A_170 = arith.constant 3 : i32
    %dma_wait3A_171 = arith.constant 0 : i32
    %dma_wait3A_172 = arith.constant 0 : i32
    %dma_wait3A_173 = tpu.memref_slice %arg11[%dma_wait3A_169, %dma_wait3A_171, %dma_wait3A_172] : memref<4x128x16xf32, #tpu.memory_space<vmem>> -> memref<1x128x16xf32, #tpu.memory_space<vmem>>
    %dma_wait3A_174 = tpu.memref_squeeze %dma_wait3A_173 : memref<1x128x16xf32, #tpu.memory_space<vmem>> -> memref<128x16xf32, #tpu.memory_space<vmem>>
    %dma_wait3A_175 = arith.constant 0 : i32
    %dma_wait3A_176 = tpu.memref_slice %arg9[%dma_wait3A_168, %dma_wait3A_175] : memref<80x128xi32, #tpu.memory_space<vmem>> -> memref<1x128xi32, #tpu.memory_space<vmem>>
    %dma_wait3A_177 = tpu.memref_squeeze %dma_wait3A_176 : memref<1x128xi32, #tpu.memory_space<vmem>> -> memref<128xi32, #tpu.memory_space<vmem>>
    %dma_wait3A_178 = arith.constant 0 : i32
    %dma_wait3A_179 = arith.constant 0 : i32
    %dma_wait3A_180 = tpu.memref_slice %arg16[%dma_wait3A_178, %dma_wait3A_179] : memref<10112x16xf32, #tpu.memory_space<vmem_shared>> -> memref<10112x16xf32, #tpu.memory_space<vmem_shared>>
    %dma_wait3A_181 = tpu.memref_slice %arg17[%dma_wait3A_170] : memref<4x!tpu.dma_semaphore, #tpu.memory_space<semaphore_mem>> -> memref<1x!tpu.dma_semaphore, #tpu.memory_space<semaphore_mem>>
    %dma_wait3A_182 = tpu.memref_squeeze %dma_wait3A_181 : memref<1x!tpu.dma_semaphore, #tpu.memory_space<semaphore_mem>> -> memref<!tpu.dma_semaphore, #tpu.memory_space<semaphore_mem>>
    tpu.wait_indirect_dma semaphore(%dma_wait3A_182 : memref<!tpu.dma_semaphore, #tpu.memory_space<semaphore_mem>>) src(%dma_wait3A_180 : memref<10112x16xf32, #tpu.memory_space<vmem_shared>>) dst(%dma_wait3A_174 : memref<128x16xf32, #tpu.memory_space<vmem>>)
    %run_scoped3A_183 = arith.constant 3 : i32
    %run_scoped3A_184 = arith.constant 79 : i32
    "tpu.region"() ({
      %run_scoped3A_191 = tpu.sem_alloc : memref<!tpu.dma_semaphore, #tpu.memory_space<semaphore_mem>>
      %dma_start3A_192 = arith.constant 0 : i32
      %dma_start3A_193 = arith.constant 0 : i32
      %dma_start3A_194 = tpu.memref_slice %arg11[%run_scoped3A_183, %dma_start3A_192, %dma_start3A_193] : memref<4x128x16xf32, #tpu.memory_space<vmem>> -> memref<1x128x16xf32, #tpu.memory_space<vmem>>
      %dma_start3A_195 = tpu.memref_squeeze %dma_start3A_194 : memref<1x128x16xf32, #tpu.memory_space<vmem>> -> memref<128x16xf32, #tpu.memory_space<vmem>>
      %dma_start3A_196 = arith.constant 0 : i32
      %dma_start3A_197 = tpu.memref_slice %arg10[%run_scoped3A_184, %dma_start3A_196] : memref<80x128xi32, #tpu.memory_space<vmem>> -> memref<1x128xi32, #tpu.memory_space<vmem>>
      %dma_start3A_198 = tpu.memref_squeeze %dma_start3A_197 : memref<1x128xi32, #tpu.memory_space<vmem>> -> memref<128xi32, #tpu.memory_space<vmem>>
      %dma_start3A_199 = arith.constant 0 : i32
      %dma_start3A_200 = arith.constant 0 : i32
      %dma_start3A_201 = tpu.memref_slice %arg15[%dma_start3A_199, %dma_start3A_200] : memref<10112x16xf32, #tpu.memory_space<vmem_shared>> -> memref<10112x16xf32, #tpu.memory_space<vmem_shared>>
      tpu.enqueue_indirect_dma source(%dma_start3A_195 : memref<128x16xf32, #tpu.memory_space<vmem>>) target(%dma_start3A_201 : memref<10112x16xf32, #tpu.memory_space<vmem_shared>>) offsets(%dma_start3A_198 : memref<128xi32, #tpu.memory_space<vmem>>) semaphore(%run_scoped3A_191 : memref<!tpu.dma_semaphore, #tpu.memory_space<semaphore_mem>>) {add = true}
      %dma_wait3A_202 = arith.constant 0 : i32
      %dma_wait3A_203 = arith.constant 0 : i32
      %dma_wait3A_204 = tpu.memref_slice %arg11[%run_scoped3A_183, %dma_wait3A_202, %dma_wait3A_203] : memref<4x128x16xf32, #tpu.memory_space<vmem>> -> memref<1x128x16xf32, #tpu.memory_space<vmem>>
      %dma_wait3A_205 = tpu.memref_squeeze %dma_wait3A_204 : memref<1x128x16xf32, #tpu.memory_space<vmem>> -> memref<128x16xf32, #tpu.memory_space<vmem>>
      %dma_wait3A_206 = arith.constant 0 : i32
      %dma_wait3A_207 = tpu.memref_slice %arg10[%run_scoped3A_184, %dma_wait3A_206] : memref<80x128xi32, #tpu.memory_space<vmem>> -> memref<1x128xi32, #tpu.memory_space<vmem>>
      %dma_wait3A_208 = tpu.memref_squeeze %dma_wait3A_207 : memref<1x128xi32, #tpu.memory_space<vmem>> -> memref<128xi32, #tpu.memory_space<vmem>>
      %dma_wait3A_209 = arith.constant 0 : i32
      %dma_wait3A_210 = arith.constant 0 : i32
      %dma_wait3A_211 = tpu.memref_slice %arg15[%dma_wait3A_209, %dma_wait3A_210] : memref<10112x16xf32, #tpu.memory_space<vmem_shared>> -> memref<10112x16xf32, #tpu.memory_space<vmem_shared>>
      tpu.wait_indirect_dma semaphore(%run_scoped3A_191 : memref<!tpu.dma_semaphore, #tpu.memory_space<semaphore_mem>>) src(%dma_wait3A_205 : memref<128x16xf32, #tpu.memory_space<vmem>>) dst(%dma_wait3A_211 : memref<10112x16xf32, #tpu.memory_space<vmem_shared>>)
      tpu.yield
    }) : () -> ()
    %eq3A_185 = arith.constant 0 : i32
    %eq3A_186 = arith.cmpi eq, %arg0, %eq3A_185 : i32
    %convert_element_type3A_187 = arith.extui %eq3A_186 : i1 to i32
    %cond3A_188 = arith.constant 0 : i32
    %cond3A_189 = arith.cmpi ne, %convert_element_type3A_187, %cond3A_188 : i32
    scf.if %cond3A_189 {
      %dma_wait3A_191 = arith.constant 0 : i32
      %dma_wait3A_192 = tpu.memref_slice %arg7[%mul3A_2, %dma_wait3A_191] : memref<10112x16xf32, #tpu.memory_space<hbm>> -> memref<632x16xf32, #tpu.memory_space<hbm>>
      %dma_wait3A_193 = arith.constant 0 : i32
      %dma_wait3A_194 = tpu.memref_slice %arg7[%mul3A_2, %dma_wait3A_193] : memref<10112x16xf32, #tpu.memory_space<hbm>> -> memref<632x16xf32, #tpu.memory_space<hbm>>
      tpu.wait_dma2 semaphore(%arg19 : memref<!tpu.dma_semaphore, #tpu.memory_space<semaphore_mem>>) src(%arg14 : memref<632x16xf32, #tpu.memory_space<vmem>>) dst(%dma_wait3A_194 : memref<632x16xf32, #tpu.memory_space<hbm>>)
      %dma_wait3A_195 = arith.constant 0 : i32
      %dma_wait3A_196 = tpu.memref_slice %arg8[%mul3A_2, %dma_wait3A_195] : memref<10112x16xf32, #tpu.memory_space<hbm>> -> memref<632x16xf32, #tpu.memory_space<hbm>>
      %dma_wait3A_197 = arith.constant 0 : i32
      %dma_wait3A_198 = tpu.memref_slice %arg8[%mul3A_2, %dma_wait3A_197] : memref<10112x16xf32, #tpu.memory_space<hbm>> -> memref<632x16xf32, #tpu.memory_space<hbm>>
      tpu.wait_dma2 semaphore(%arg19 : memref<!tpu.dma_semaphore, #tpu.memory_space<semaphore_mem>>) src(%arg12 : memref<632x16xf32, #tpu.memory_space<vmem>>) dst(%dma_wait3A_198 : memref<632x16xf32, #tpu.memory_space<hbm>>)
    } else {
    }
    %barrier3A_190 = arith.constant 0 : index
    tpu.barrier barrier_id(%barrier3A_190)
    "tpu.region"() ({
      %run_scoped3A_191 = tpu.sem_alloc : memref<!tpu.dma_semaphore, #tpu.memory_space<semaphore_mem>>
      %dma_start3A_192 = arith.constant 0 : i32
      %dma_start3A_193 = arith.constant 0 : i32
      %dma_start3A_194 = tpu.memref_slice %arg6[%arg0, %dma_start3A_192, %dma_start3A_193] : memref<2x10112x16xf32, #tpu.memory_space<hbm>> -> memref<1x10112x16xf32, #tpu.memory_space<hbm>>
      %dma_start3A_195 = tpu.memref_squeeze %dma_start3A_194 : memref<1x10112x16xf32, #tpu.memory_space<hbm>> -> memref<10112x16xf32, #tpu.memory_space<hbm>>
      %dma_start3A_196 = arith.constant 0 : i32
      %dma_start3A_197 = tpu.memref_slice %dma_start3A_195[%mul3A_2, %dma_start3A_196] : memref<10112x16xf32, #tpu.memory_space<hbm>> -> memref<632x16xf32, #tpu.memory_space<hbm>>
      %dma_start3A_198 = arith.constant 0 : i32
      %dma_start3A_199 = tpu.memref_slice %arg15[%mul3A_2, %dma_start3A_198] : memref<10112x16xf32, #tpu.memory_space<vmem_shared>> -> memref<632x16xf32, #tpu.memory_space<vmem_shared>>
      tpu.enqueue_dma source(%dma_start3A_199 : memref<632x16xf32, #tpu.memory_space<vmem_shared>>) target(%dma_start3A_197 : memref<632x16xf32, #tpu.memory_space<hbm>>) target_semaphore(%run_scoped3A_191 : memref<!tpu.dma_semaphore, #tpu.memory_space<semaphore_mem>>)
      %dma_wait3A_200 = arith.constant 0 : i32
      %dma_wait3A_201 = arith.constant 0 : i32
      %dma_wait3A_202 = tpu.memref_slice %arg6[%arg0, %dma_wait3A_200, %dma_wait3A_201] : memref<2x10112x16xf32, #tpu.memory_space<hbm>> -> memref<1x10112x16xf32, #tpu.memory_space<hbm>>
      %dma_wait3A_203 = tpu.memref_squeeze %dma_wait3A_202 : memref<1x10112x16xf32, #tpu.memory_space<hbm>> -> memref<10112x16xf32, #tpu.memory_space<hbm>>
      %dma_wait3A_204 = arith.constant 0 : i32
      %dma_wait3A_205 = tpu.memref_slice %dma_wait3A_203[%mul3A_2, %dma_wait3A_204] : memref<10112x16xf32, #tpu.memory_space<hbm>> -> memref<632x16xf32, #tpu.memory_space<hbm>>
      %dma_wait3A_206 = arith.constant 0 : i32
      %dma_wait3A_207 = tpu.memref_slice %arg15[%mul3A_2, %dma_wait3A_206] : memref<10112x16xf32, #tpu.memory_space<vmem_shared>> -> memref<632x16xf32, #tpu.memory_space<vmem_shared>>
      tpu.wait_dma2 semaphore(%run_scoped3A_191 : memref<!tpu.dma_semaphore, #tpu.memory_space<semaphore_mem>>) src(%dma_wait3A_207 : memref<632x16xf32, #tpu.memory_space<vmem_shared>>) dst(%dma_wait3A_205 : memref<632x16xf32, #tpu.memory_space<hbm>>)
      tpu.yield
    }) : () -> ()
    return
  }
}

module attributes {stable_mosaic.version = 14 : i64} {
  func.func @body(%arg0: memref<10112x128xf32, #tpu.memory_space<vmem>>, %arg1: memref<128x16xf32, #tpu.memory_space<vmem>>, %arg2: memref<10112x16xf32, #tpu.memory_space<vmem>>) attributes {dimension_semantics = [], scalar_prefetch = 0 : i64, scratch_operands = 0 : i64, tpu.core_type = #tpu.core_type<tc>} {
    %get3A = arith.constant 0 : index
    %get3A_0 = arith.constant 0 : index
    %get3A_1 = vector.load %arg0[%get3A, %get3A_0] : memref<10112x128xf32, #tpu.memory_space<vmem>>, vector<10112x128xf32>
    %get3A_2 = arith.constant 0 : index
    %get3A_3 = arith.constant 0 : index
    %get3A_4 = vector.load %arg1[%get3A_2, %get3A_3] : memref<128x16xf32, #tpu.memory_space<vmem>>, vector<128x16xf32>
    %dot_general3A = arith.constant dense<0.000000e+00> : vector<10112x16xf32>
    %dot_general3A_5 = tpu.matmul %get3A_1, %get3A_4, %dot_general3A {dimension_numbers = #tpu.dot_dimension_numbers<[1], [0], [0], [1], [0, 0, 1, 1], [], []>, transpose_lhs_hint = false} : vector<10112x128xf32>, vector<128x16xf32>, vector<10112x16xf32> -> vector<10112x16xf32>
    %swap3A = arith.constant 0 : index
    %swap3A_6 = arith.constant 0 : index
    %swap3A_7 = vector.load %arg2[%swap3A, %swap3A_6] : memref<10112x16xf32, #tpu.memory_space<vmem>>, vector<10112x16xf32>
    tpu.vector_store %arg2[%swap3A, %swap3A_6], %dot_general3A_5 {strides = array<i32>} : memref<10112x16xf32, #tpu.memory_space<vmem>>, vector<10112x16xf32>,
    return
  }
}

module attributes {stable_mosaic.version = 14 : i64} {
  func.func @body(%arg0: memref<2x10112x16xf32, #tpu.memory_space<vmem>>, %arg1: memref<10112x16xf32, #tpu.memory_space<vmem>>, %arg2: memref<10112x16xf32, #tpu.memory_space<vmem>>, %arg3: memref<16x16xf32, #tpu.memory_space<vmem>>, %arg4: memref<1x16xf32, #tpu.memory_space<vmem>>, %arg5: memref<10000x16xf32, #tpu.memory_space<vmem>>) attributes {dimension_semantics = [], scalar_prefetch = 0 : i64, scratch_operands = 0 : i64, tpu.core_type = #tpu.core_type<tc>} {
    %get3A = arith.constant 0 : index
    %get3A_0 = arith.constant 0 : index
    %get3A_1 = arith.constant 0 : index
    %get3A_2 = vector.load %arg0[%get3A, %get3A_0, %get3A_1] : memref<2x10112x16xf32, #tpu.memory_space<vmem>>, vector<1x10000x16xf32>
    %get3A_3 = vector.shape_cast %get3A_2 : vector<1x10000x16xf32> to vector<10000x16xf32>
    %get3A_4 = arith.constant 1 : index
    %get3A_5 = arith.constant 0 : index
    %get3A_6 = arith.constant 0 : index
    %get3A_7 = vector.load %arg0[%get3A_4, %get3A_5, %get3A_6] : memref<2x10112x16xf32, #tpu.memory_space<vmem>>, vector<1x10000x16xf32>
    %get3A_8 = vector.shape_cast %get3A_7 : vector<1x10000x16xf32> to vector<10000x16xf32>
    %add3A = arith.addf %get3A_3, %get3A_8 : vector<10000x16xf32>
    %get3A_9 = arith.constant 0 : index
    %get3A_10 = arith.constant 0 : index
    %get3A_11 = vector.load %arg1[%get3A_9, %get3A_10] : memref<10112x16xf32, #tpu.memory_space<vmem>>, vector<10000x16xf32>
    %add3A_12 = arith.addf %add3A, %get3A_11 : vector<10000x16xf32>
    %get3A_13 = arith.constant 0 : index
    %get3A_14 = arith.constant 0 : index
    %get3A_15 = vector.load %arg3[%get3A_13, %get3A_14] : memref<16x16xf32, #tpu.memory_space<vmem>>, vector<16x16xf32>
    %dot_general3A = arith.constant dense<0.000000e+00> : vector<10000x16xf32>
    %dot_general3A_16 = tpu.matmul %add3A_12, %get3A_15, %dot_general3A {dimension_numbers = #tpu.dot_dimension_numbers<[1], [0], [0], [1], [0, 0, 1, 1], [], []>, transpose_lhs_hint = false} : vector<10000x16xf32>, vector<16x16xf32>, vector<10000x16xf32> -> vector<10000x16xf32>
    %get3A_17 = arith.constant 0 : index
    %get3A_18 = arith.constant 0 : index
    %get3A_19 = vector.load %arg2[%get3A_17, %get3A_18] : memref<10112x16xf32, #tpu.memory_space<vmem>>, vector<10000x1xf32>
    %mul3A = vector.broadcast %get3A_19 : vector<10000x1xf32> to vector<10000x16xf32>
    %mul3A_20 = arith.mulf %mul3A, %dot_general3A_16 : vector<10000x16xf32>
    %get3A_21 = arith.constant 0 : index
    %get3A_22 = arith.constant 0 : index
    %get3A_23 = vector.load %arg4[%get3A_21, %get3A_22] : memref<1x16xf32, #tpu.memory_space<vmem>>, vector<1x16xf32>
    %add3A_24 = vector.broadcast %get3A_23 : vector<1x16xf32> to vector<10000x16xf32>
    %add3A_25 = arith.addf %mul3A_20, %add3A_24 : vector<10000x16xf32>
    %reduce_max3A = arith.constant dense<0xFF800000> : vector<10000xf32>
    %reduce_max3A_26 = vector.multi_reduction <maximumf>, %add3A_25, %reduce_max3A [1] : vector<10000x16xf32> to vector<10000xf32>
    %broadcast_in_dim3A = vector.shape_cast %reduce_max3A_26 : vector<10000xf32> to vector<10000x1xf32>
    %sub3A = vector.broadcast %broadcast_in_dim3A : vector<10000x1xf32> to vector<10000x16xf32>
    %sub3A_27 = arith.subf %add3A_25, %sub3A : vector<10000x16xf32>
    %exp3A = math.exp %sub3A_27 : vector<10000x16xf32>
    %reduce_sum3A = arith.constant dense<0.000000e+00> : vector<10000xf32>
    %reduce_sum3A_28 = vector.multi_reduction <add>, %exp3A, %reduce_sum3A [1] : vector<10000x16xf32> to vector<10000xf32>
    %broadcast_in_dim3A_29 = vector.shape_cast %reduce_sum3A_28 : vector<10000xf32> to vector<10000x1xf32>
    %log3A = math.log %broadcast_in_dim3A_29 : vector<10000x1xf32>
    %add3A_30 = arith.addf %log3A, %broadcast_in_dim3A : vector<10000x1xf32>
    %sub3A_31 = vector.broadcast %add3A_30 : vector<10000x1xf32> to vector<10000x16xf32>
    %sub3A_32 = arith.subf %add3A_25, %sub3A_31 : vector<10000x16xf32>
    %swap3A = arith.constant 0 : index
    %swap3A_33 = arith.constant 0 : index
    %swap3A_34 = vector.load %arg5[%swap3A, %swap3A_33] : memref<10000x16xf32, #tpu.memory_space<vmem>>, vector<10000x16xf32>
    tpu.vector_store %arg5[%swap3A, %swap3A_33], %sub3A_32 {strides = array<i32>} : memref<10000x16xf32, #tpu.memory_space<vmem>>, vector<10000x16xf32>,
    return
  }
}

</mosaic_0001>

<sc_bundles>
// kernel: kernel.10.cloned.1.call-start
scs
__scs_entry_jumppad:
0x0: {  	(pc) =	sbr.rel $0x88, $3  }
0x1: {  	(tag) =	ssettag $0x0;
	lr =	simm.s32 $0x1  }
0x2: {  	[smem:$0x3F9B] =	sst lr;
	_ =	strace $0xD0000000  }
0x3: {  	_ = 	snop  }
0x4: {  	_ = 	snop  }
0x5: {  	_ = 	snop  }
0x6: {  	_ = 	snop  }
0x7: {  	_ = 	snop  }
__scs_overlays_trampoline_lowered:
0x8: {  	[smem:$0x3FAA] =	sst s0  }
0x9: {  	[smem:$0x3FAB] =	sst s1  }
0xa: {  	[smem:$0x3FAC] =	sst s2  }
0xb: {  	[smem:$0x3FAD] =	sst s3  }
0xc: {  	[smem:$0x3FAE] =	sst s4  }
0xd: {  	[smem:$0x3FAF] =	sst s5  }
0xe: {  	[smem:$0x3FB0] =	sst s6  }
0xf: {  	[smem:$0x3FB1] =	sst s7  }
0x10: {  	[smem:$0x3FB2] =	sst s8  }
0x11: {  	[smem:$0x3FB3] =	sst s9;
	s0 =	simm.s32 @!p0 $0x0  }
0x12: {  	s1 =	sld [smem:$0x3F99];
	s0 =	simm.s32 @p0 $0x1  }
0x13: {  	[smem:$0x3FB4] =	sst s0;
	s0 =	simm.s32 @!p1 $0x0  }
0x14: {  	s2 =	sld [smem:$0x3F98];
	s0 =	simm.s32 @p1 $0x1  }
0x15: {  	[smem:$0x3FB5] =	sst s0;
	s0 =	simm.s32 @!p2 $0x0  }
0x16: {  	s3 =	sld [smem:$0x3FDB];
	s0 =	simm.s32 @p2 $0x1  }
0x17: {  	s4 =	simm.s32 $0x1BF5;
	[smem:$0x3FB7] =	sst s0  }
0x18: {  	s0 =	sld [smem:$0x3F9A];
	_ =	swait.ge [sflag:s4], $0x0  }
0x19: {  	s7 =	sld [smem:$0x3F9B]  }
0x1a: {  	s8 =	sadd.s32 $0xFFFFE003, lr  }
0x1b: {  	s9 =	sadd.s32 $0xFFFFFEF7, lr;
	s5 =	simm.s32 $0xFFFFFFFF;
	p2 =	slt.u32 s8, $0xFFFFF086  }
0x1c: {  	p1 =	slt.u32 s9, $0xF7A;
	s5 =	simm.s32 @!p2 $0x0  }
0x1d: {  	s5 =	simm.s32 @p1 $0x1;
	p0 =	seq.s32 s7, s2  }
0x1e: {  	s7 =	smul.u32 @!p0 $0xF7A, s2;
	p2 =	seq.s32 @!p0 s5, $0x0  }
0x1f: {  	s9 =	smul.u32 $0xF7A, s1;
	s8 =	simm.s32 @!p0 $0x1BF5;
	p2 =	por !p2, p0  }
0x20: {  	[sflag:s8] =	ssyncset.s32 @!p0 $0xFFFFF086;
	s6 =	sadd.s32 @!p0 s3, s7;
	s7 =	simm.s32 @!p0 $0x108  }
0x21: {  	s3 =	sadd.s32 s3, s9;
	s6 =	sadd.s32 @!p0 $0x88, s6;
	s7 =	simm.s32 @p2 $0x1082  }
0x22: {  	[simem:s7], [sflag:s8] =	dma.local @!p0 [hbm:s6], $0xF7A  }
0x23: {  	s9 =	sor.u32 $0xD0000000, s2;
	s6 =	simm.s32 $0x108;
	_ =	swait.ge @!p0 [sflag:s8], $0x0  }
0x24: {  	s3 =	sadd.s32 $0x88, s3;
	s6 =	simm.s32 @!p1 $0x1082;
	[sflag:s4] =	ssyncset.s32 $0xFFFFF086  }
0x25: {  	[simem:s6], [sflag:s4] =	dma.local [hbm:s3], $0xF7A  }
0x26: {  	[smem:$0x3F9B] =	sst s1;
	(tag) =	ssettag s2;
	_ =	strace s9  }
0x27: {  	s1 =	sld [smem:$0x3FAB]  }
0x28: {  	s2 =	sld [smem:$0x3FAC]  }
0x29: {  	s4 =	sld [smem:$0x3FAE]  }
0x2a: {  	p0 =	seq.s32 s5, $0x0;
	s5 =	sld [smem:$0x3FAF]  }
0x2b: {  	s6 =	sld [smem:$0x3FB0]  }
0x2c: {  	s7 =	sld [smem:$0x3FB1]  }
0x2d: {  	s3 =	simm.s32 $0x108;
	s8 =	sld [smem:$0x3FB2]  }
0x2e: {  	s3 =	simm.s32 @!p0 $0x1082;
	s9 =	sld [smem:$0x3FB3]  }
0x2f: {  	lr =	sadd.s32 s0, s3;
	s0 =	sld [smem:$0x3FAA]  }
0x30: {  	s3 =	sld [smem:$0x3FAD]  }
0x31: {  	[smem:$0x3FB6] =	sst s10  }
0x32: {  	s10 =	sld [smem:$0x3FB4];
	_ =	sdelay $0x3  }
0x33: {  	p0 =	seq.s32 s10, $0x1;
	s10 =	sld [smem:$0x3FB6];
	_ =	sdelay $0x3  }
0x34: {  	[smem:$0x3FB6] =	sst s10  }
0x35: {  	s10 =	sld [smem:$0x3FB5];
	_ =	sdelay $0x3  }
0x36: {  	p1 =	seq.s32 s10, $0x1;
	s10 =	sld [smem:$0x3FB6];
	_ =	sdelay $0x3  }
0x37: {  	[smem:$0x3FB6] =	sst s10  }
0x38: {  	s10 =	sld [smem:$0x3FB7]  }
0x39: {  	_ = 	snop;
	(pc) =	sbr.ind lr, $3  }
0x3a: {  	_ = 	snop  }
0x3b: {  	_ = 	snop  }
0x3c: {  	p2 =	seq.s32 s10, $0x1;
	s10 =	sld [smem:$0x3FB6]  }
0x3d: {  	_ =	shalt  }
0x3e: {  	_ =	shalt  }
0x3f: {  	_ =	shalt  }
0x40: {  	_ =	shalt  }
0x41: {  	_ =	shalt  }
0x42: {  	_ =	shalt  }
0x43: {  	_ =	shalt  }
0x44: {  	_ =	shalt  }
0x45: {  	_ =	shalt  }
0x46: {  	_ =	shalt  }
0x47: {  	_ =	shalt  }
0x48: {  	_ =	shalt  }
0x49: {  	_ =	shalt  }
0x4a: {  	_ =	shalt  }
0x4b: {  	_ =	shalt  }
0x4c: {  	_ =	shalt  }
0x4d: {  	_ =	shalt  }
0x4e: {  	_ =	shalt  }
0x4f: {  	_ =	shalt  }
0x50: {  	_ =	shalt  }
0x51: {  	_ =	shalt  }
0x52: {  	_ =	shalt  }
0x53: {  	_ =	shalt  }
0x54: {  	_ =	shalt  }
0x55: {  	_ =	shalt  }
0x56: {  	_ =	shalt  }
0x57: {  	_ =	shalt  }
0x58: {  	_ =	shalt  }
0x59: {  	_ =	shalt  }
0x5a: {  	_ =	shalt  }
0x5b: {  	_ =	shalt  }
0x5c: {  	_ =	shalt  }
0x5d: {  	_ =	shalt  }
0x5e: {  	_ =	shalt  }
0x5f: {  	_ =	shalt  }
0x60: {  	_ =	shalt  }
0x61: {  	_ =	shalt  }
0x62: {  	_ =	shalt  }
0x63: {  	_ =	shalt  }
0x64: {  	_ =	shalt  }
0x65: {  	_ =	shalt  }
0x66: {  	_ =	shalt  }
0x67: {  	_ =	shalt  }
0x68: {  	_ =	shalt  }
0x69: {  	_ =	shalt  }
0x6a: {  	_ =	shalt  }
0x6b: {  	_ =	shalt  }
0x6c: {  	_ =	shalt  }
0x6d: {  	_ =	shalt  }
0x6e: {  	_ =	shalt  }
0x6f: {  	_ =	shalt  }
0x70: {  	_ =	shalt  }
0x71: {  	_ =	shalt  }
0x72: {  	_ =	shalt  }
0x73: {  	_ =	shalt  }
0x74: {  	_ =	shalt  }
0x75: {  	_ =	shalt  }
0x76: {  	_ =	shalt  }
0x77: {  	_ =	shalt  }
0x78: {  	_ =	shalt  }
0x79: {  	_ =	shalt  }
0x7a: {  	_ =	shalt  }
0x7b: {  	_ =	shalt  }
0x7c: {  	_ =	shalt  }
0x7d: {  	_ =	shalt  }
0x7e: {  	_ =	shalt  }
0x7f: {  	_ =	shalt  }
0x80: {  	_ =	shalt  }
0x81: {  	_ =	shalt  }
0x82: {  	_ =	shalt  }
0x83: {  	_ =	shalt  }
0x84: {  	_ =	shalt  }
0x85: {  	_ =	shalt  }
0x86: {  	_ =	shalt  }
0x87: {  	_ =	shalt  }
.Lfunc_end0:
.L_simem_size_0:
called_computation.1_lowered:
.L_overlay_start_0:
0x88: {  	s2 =	sld [smem:$0x3FD9]  }
0x89: {  	s3 =	sld [smem:$0x3FFE];
	_ =	sdelay $0x1  }
0x8a: {  	s1 =	srdreg.scid  }
0x8b: {  	s0 =	sand.u32 $0x1, s1  }
0x8c: {  	s17 =	sshll.u32 s0, $0xA;
	s2 =	sadd.s32 s3, s2  }
0x8d: {  	s2 =	sadd.s32 s2, s17  }
0x8e: {  	[smem:$0x3FC2] =	sst s2  }
0x8f: {  	_ = 	snop  }
0x90: {  	s2 =	sld [smem:$0x3FD0];
	(tm) =	ssettm $0x1  }
0x91: {  	s18 =	sld [smem:$0x3FFB];
	_ =	sdelay $0x3  }
0x92: {  	_ =	strace s18  }
0x93: {  	s3 =	sld [smem:$0x3FFC];
	_ =	sdelay $0x3  }
0x94: {  	_ =	strace s3  }
0x95: {  	s3 =	sld [smem:$0x3FFD];
	_ =	sdelay $0x3  }
0x96: {  	_ =	strace s3  }
0x97: {  	_ =	strace $0x8FFFFFFF  }
0x98: {  	s19 =	sld [smem:$0x3FDB];
	_ =	sdelay $0x1  }
0x99: {  	s4 =	simm.s32 $_scs_section_size  }
0x9a: {  	s5 =	simm.s32 $_size__tile_overlayer_lowered;
	s6 =	simm.s32 $_tile_overlayer_lowered  }
0x9b: {  	s22 =	simm.s32 $0x1BFF;
	s21 =	sshll.u32 s6, $0x1;
	s3 =	sadd.s32 s4, s19  }
0x9c: {  	s7 =	simm.s32 $0x0;
	s20 =	sshll.u32 s5, $0x1;
	s5 =	sadd.s32 s21, s3  }
0x9d: {  	[timem:s7], [sflag:s22] =	dma.local [hbm:s5], s20  }
0x9e: {  	_ =	swait.ge [sflag:s22], s20  }
0x9f: {  	s4 =	ssub.s32 $0x0, s20;
	[sflag:s22] =	ssyncset.done $0x0  }
0xa0: {  	[sflag:s22] =	ssyncadd.s32 s4;
	_ =	sdelay $0x1  }
0xa1: {  	s23 =	simm.s32 $0x1B8B  }
0xa2: {  	_ =	swait.ge [sflag:s23], $0x1  }
0xa3: {  	[sflag:s23] =	ssyncset.done $0x0  }
0xa4: {  	s25 =	simm.s32 $0x1B8E;
	s24 =	sld [smem:$0x3FFE];
	[sflag:s23] =	ssyncadd.s32 $0xFFFFFFFF  }
0xa5: {  	s26 =	simm.s32 $execute0_lowered;
	[smem:$0x3FD2] =	sst s25  }
0xa6: {  	s5 =	sshll.u32 s26, $0x1;
	_ =	strace $0x80000049;
	[dreg:$0x1] =	wrdreg $0xFFFFFFFF  }
0xa7: {  	s28 =	simm.s32 $_size_execute0_lowered;
	s3 =	sadd.s32 s3, s5;
	[dreg:$0x0] =	wrdreg $0x0  }
0xa8: {  	s5 =	sshll.u32 s28, $0x1;
	[dreg:$0x2] =	wrdreg s3  }
0xa9: {  	[dreg:$0x3] =	wrdreg s5  }
0xaa: {  	[dreg:$0x4] =	wrdreg $0xC0  }
0xab: {  	_ =	task [dreg:s7], $0x5FFFF  }
0xac: {  	[dreg:$0x1] =	wrdreg $0xFFFFFFFF  }
0xad: {  	[dreg:$0x0] =	wrdreg $0x60  }
0xae: {  	[dreg:$0x2] =	wrdreg s24  }
0xaf: {  	[dreg:$0x3] =	wrdreg s2  }
0xb0: {  	[dreg:$0x4] =	wrdreg $0x10E000  }
0xb1: {  	[dreg:$0x5] =	wrdreg $0xE6800  }
0xb2: {  	[dreg:$0x6] =	wrdreg $0x9  }
0xb3: {  	_ =	task.clear_ibuf [dreg:s7], $0x7FFFF;
	_ =	strace $0x90000049  }
0xb4: {  	s29 =	simm.s32 $0x9;
	_ =	strace $0x8000004B  }
0xb5: {  	_ =	swait.ge [sflag:s29], $0x1  }
0xb6: {  	[sflag:s29] =	ssyncadd.s32 $0xFFFFFFFF  }
0xb7: {  	_ =	strace $0x9000004B  }
0xb8: {  	_ =	sfence  }
0xb9: {  	s30 =	sld [smem:$0x0];
	_ =	sdelay $0x2  }
0xba: {  	s31 =	sshll.u32 s1, $0xD;
	s1 =	sshrl.u32 s1, $0x2  }
0xbb: {  	s3 =	sand.u32 $0x4000, s31;
	s1 =	sadd.s32 s1, s30  }
0xbc: {  	s0 =	sor.u32 s3, s0;
	s1 =	sshll.u32 s1, $0x11  }
0xbd: {  	s0 =	sor.u32 s1, s0  }
0xbe: {  	s0 =	sadd.s32 $0x8F2B, s0  }
0xbf: {  	[sflag:s0] =	ssyncadd.remote.s32 $0x1  }
0xc0: {  	_ =	sfence.sel $0xFFFF  }
0xc1: {  	[dreg:$0x0] =	wrdreg $0xFFFFFFFF;
	(pc) =	sbr.abs _section_cstart, $3  }
0xc2: {  	[dreg:$0x1] =	wrdreg $0xFFFFFFFF  }
0xc3: {  	_ =	task.clear_ibuf [dreg:s7], $0x2FFFF;
	_ =	strace $0x9FFFFFFF  }
0xc4: {  	(tm) =	ssettm $0x7FFFFFFF  }
0xc5: {  	_ =	shalt  }
tec
execute0_lowered:
.L_overlay_start_1:
0x0: {  	(tag) =	ssettag $0x1  }
0x1: {  	s0 =	rddreg [dreg:$0x0]  }
0x2: {  	s1 =	rddreg [dreg:$0x1];
	s3 =	srdreg.scid  }
0x3: {  	s7 =	stileid.u32;
	s2 =	rddreg [dreg:$0x2]  }
0x4: {  	s16 =	simm.s32 $0xA;
	s18 =	simm.s32 $0x9780;
	s19 =	simm.s32 $0xBF00  }
0x5: {  	s20 =	simm.s32 $0x1;
	s21 =	simm.s32 $0x2;
	s22 =	simm.s32 $0x80  }
0x6: {  	s23 =	simm.s32 $0x5000;
	s28 =	simm.s32 $0x6000;
	s30 =	simm.s32 $0x6800  }
0x7: {  	s31 =	simm.s32 $0x5;
	s29 =	simm.s32 $0x0;
	s5 =	sand.u32 $0x1, s3  }
0x8: {  	s4 =	sshll.u32 s7, $0x1;
	s3 =	rddreg [dreg:$0x3];
	s7 =	smul.u32 $0x2780, s7  }
0x9: {  	s6 =	sor.u32 s5, s4;
	s4 =	simm.s32 $0x0;
	s8 =	smul.u32 $0x4F00, s5  }
0xa: {  	s9 =	ssub.s32 $0x2, s5;
	p0 =	sne.s32 s5, $0x0;
	s6 =	smul.u32 $0x500, s6  }
0xb: {  	[smem:$0x7FF] =	sst s4;
	s14 =	sshrl.u32 s7, $0x3;
	s10 =	sshrl.u32 s9, $0x1  }
0xc: {  	_ =	strace $0x8000004A;
	s13 =	sadd.s32 s8, s0;
	s12 =	sadd.s32 s14, s0  }
0xd: {  	s15 =	ssub.s32 s9, s10;
	s8 =	sadd.s32 s1, s14;
	s9 =	sadd.s32 s7, s2  }
0xe: {  	s10 =	sadd.s32 s7, s3;
	s1 =	simm.s32 $0x6;
	s6 =	sadd.s32 s6, s0  }
0xf: {  	s25 =	sadd.s32 $0xBE00, s12;
	s0 =	sadd.s32 $0x10D00, s0;
	s11 =	sadd.s32 $0x29A00, s12  }
0x10: {  	s12 =	sadd.s32 $0x2EA00, s12;
	s26 =	sadd.s32 $0x1FC00, s13;
	s13 =	smax.u32 s15, $0x1  }
0x11: {  	s15 =	simm.s32 $0x4;
	s24 =	sadd.s32 $0x15C00, s6;
	[dreg:$0x7] =	wrdreg s25  }
0x12: {  	s6 =	sadd.s32 $0x1E00, s6;
	s17 =	sadd.s32 s14, s0;
	[dreg:$0x5] =	wrdreg s24  }
0x13: {  	s25 =	simm.s32 $0x5800;
	s0 =	simm.s32 $0x7;
	[dreg:$0x6] =	wrdreg s6  }
0x14: {  	v0 =	vimm.f32 $0.0e+00;
	s24 =	sadd.s32 s14, s26;
	s14 =	simm.s32 $0x3;
	s26 =	simm.s32 $0x8  }
.LBB2_1:
0x15: {  	s5 =	rddreg [dreg:$0x5]  }
0x16: {  	[tilespmem:s4], [sflag:$0x1] =	stream.linear.gather [hbm4b:s5+s4], $0x2800, $0x38;
	[tilespmem:$0x13580] =	vst v63  }
0x17: {  	s7 =	rddreg [dreg:$0x6];
	s6 =	simm.s32 $0x2800  }
0x18: {  	[tilespmem:s6], [sflag:$0x2] =	stream.linear.gather [hbm4b:s7+s4], $0x2800, $0x38;
	[tilespmem:$0x13580] =	vst v63  }
0x19: {  	s6 =	rddreg [dreg:$0x7];
	s7 =	simm.s32 $0x7000  }
0x1a: {  	[tilespmem:s7], [sflag:$0xA] =	stream.linear.gather [hbm4b:s6+s4], $0x2780, $0x38;
	[tilespmem:$0x13580] =	vst v63  }
0x1b: {  	_ =	swait.ge [sflag:s16], $0x2780  }
0x1c: {  	[sflag:s16] =	ssyncset.done $0x0  }
0x1d: {  	[sflag:s16] =	ssyncadd.s32 $0xFFFFD880  }
0x1e: {  	[tilespmem:s18], [sflag:$0xA] =	stream.linear.gather [hbm4b:s17+s4], $0x2780, $0x38;
	[tilespmem:$0x13580] =	vst v63  }
0x1f: {  	_ =	swait.ge [sflag:s16], $0x2780  }
0x20: {  	[sflag:s16] =	ssyncset.done $0x0  }
0x21: {  	[sflag:s16] =	ssyncadd.s32 $0xFFFFD880  }
0x22: {  	[tilespmem:s19], [sflag:$0xA] =	stream.linear.gather [hbm4b:s8+s4], $0x2780, $0x38;
	[tilespmem:$0x13580] =	vst v63  }
0x23: {  	_ =	swait.ge [sflag:s16], $0x2780  }
0x24: {  	[sflag:s16] =	ssyncset.done $0x0  }
0x25: {  	s5 =	simm.s32 $0x10;
	[sflag:s16] =	ssyncadd.s32 $0xFFFFD880  }
0x26: {  	v1 =	vld [tilespmem:s5+$0x9770]  }
0x27: {  	v2 =	vld [tilespmem:s5+$0x9780]  }
0x28: {  	v3 =	vld [tilespmem:s5+$0x6FF0]  }
0x29: {  	v4 =	vld [tilespmem:s5+$0x7000];
	_ =	sdelay $0x3  }
0x2a: {  	v1 =	vadd.f32 v1, v3  }
0x2b: {  	v2 =	vadd.f32 v2, v4  }
0x2c: {  	v1 =	vadd.f32 $1.000000000e+00, v1  }
0x2d: {  	v2 =	vadd.f32 $1.000000000e+00, v2  }
0x2e: {  	v3 =	vshra.s32 v1, $0x1;
	v1 =	vmul.f32 $5.000000000e-01, v1  }
0x2f: {  	v4 =	vshra.s32 v2, $0x1;
	v2 =	vmul.f32 $5.000000000e-01, v2;
	v5 =	vsub.s32 $0x5F3759DF, v3  }
0x30: {  	v6 =	vsub.s32 $0x5F3759DF, v4;
	v1 =	vmul.f32 v5, v1  }
0x31: {  	v2 =	vmul.f32 v6, v2  }
0x32: {  	v3 =	vmul.f32 v5, v1  }
0x33: {  	v4 =	vmul.f32 v6, v2;
	v1 =	vld [tilespmem:s5+$0xBEF0]  }
0x34: {  	v2 =	vld [tilespmem:s5+$0xBF00];
	v7 =	vsub.f32 $1.500000000e+00, v3  }
0x35: {  	[tilespmem:s5+$0x9770] =	vst v0;
	v8 =	vsub.f32 $1.500000000e+00, v4  }
0x36: {  	s6 =	simm.s32 $0x30;
	[tilespmem:s5+$0x9780] =	vst v0;
	v4 =	vmul.f32 v5, v7  }
0x37: {  	s7 =	simm.s32 $0x140;
	v3 =	vld [tilespmem:s6+$0x9770];
	[tilespmem:s6+$0x9770] =	vst v0;
	v5 =	vmul.f32 v6, v8  }
.LBB2_2:
0x38: {  	p1 =	sne.s32 s7, $0x9DC0;
	v6 =	vld [tilespmem:s6+$0x9780];
	v1 =	vmul.f32 v4, v1;
	[tilespmem:s5+$0x6FF0] =	vst v4  }
0x39: {  	v4 =	vld [tilespmem:s6+$0x6FF0];
	v2 =	vmul.f32 v5, v2;
	[tilespmem:s5+$0x7000] =	vst v5  }
0x3a: {  	v5 =	vld [tilespmem:s6+$0x7000];
	[tilespmem:s5+$0xBEF0] =	vst v1  }
0x3b: {  	[tilespmem:s5+$0xBF00] =	vst v2;
	s5 =	smov.u32 s6  }
0x3c: {  	[tilespmem:s5+$0x9780] =	vst v0;
	_ =	sdelay $0x1  }
0x3d: {  	v1 =	vadd.f32 v3, v4  }
0x3e: {  	v2 =	vadd.f32 v6, v5  }
0x3f: {  	v1 =	vadd.f32 $1.000000000e+00, v1  }
0x40: {  	v2 =	vadd.f32 $1.000000000e+00, v2  }
0x41: {  	v3 =	vshra.s32 v1, $0x1;
	v1 =	vmul.f32 $5.000000000e-01, v1  }
0x42: {  	v3 =	vsub.s32 $0x5F3759DF, v3;
	v4 =	vshra.s32 v2, $0x1;
	v2 =	vmul.f32 $5.000000000e-01, v2  }
0x43: {  	v1 =	vmul.f32 v3, v1;
	v5 =	vsub.s32 $0x5F3759DF, v4  }
0x44: {  	v2 =	vmul.f32 v5, v2  }
0x45: {  	v4 =	vmul.f32 v3, v1  }
.Ltmp0:
0x46: {  	v1 =	vld [tilespmem:s5+$0xBEF0];
	v6 =	vmul.f32 v5, v2;
	(pc) =	sbr.rel @p1 .LBB2_2-.Ltmp0, $4  }
0x47: {  	v4 =	vsub.f32 $1.500000000e+00, v4;
	v2 =	vld [tilespmem:s5+$0xBF00]  }
0x48: {  	v6 =	vsub.f32 $1.500000000e+00, v6  }
0x49: {  	s6 =	sshra.s32 s7, $0x2;
	v4 =	vmul.f32 v3, v4  }
0x4a: {  	s7 =	sadd.s32 $0x80, s7;
	v3 =	vld [tilespmem:s6+$0x9770];
	[tilespmem:s6+$0x9770] =	vst v0;
	v5 =	vmul.f32 v5, v6  }
0x4b: {  	v6 =	vld [tilespmem:s6+$0x9780];
	[tilespmem:s5+$0x6FF0] =	vst v4  }
0x4c: {  	v7 =	vld [tilespmem:s6+$0x6FF0];
	[tilespmem:s5+$0x7000] =	vst v5  }
0x4d: {  	v8 =	vld [tilespmem:s6+$0x7000];
	_ =	sdelay $0x3  }
0x4e: {  	v3 =	vadd.f32 v3, v7  }
0x4f: {  	v6 =	vadd.f32 v6, v8  }
0x50: {  	v3 =	vadd.f32 $1.000000000e+00, v3  }
0x51: {  	v1 =	vmul.f32 v4, v1;
	v60 =	vadd.f32 $1.000000000e+00, v6  }
0x52: {  	v2 =	vmul.f32 v5, v2;
	v61 =	vshra.s32 v3, $0x1;
	v3 =	vmul.f32 $5.000000000e-01, v3  }
0x53: {  	v5 =	vsub.s32 $0x5F3759DF, v61;
	v6 =	vshra.s32 v60, $0x1;
	v4 =	vmul.f32 $5.000000000e-01, v60  }
0x54: {  	[tilespmem:s5+$0xBEF0] =	vst v1;
	v1 =	vmul.f32 v5, v3;
	v3 =	vsub.s32 $0x5F3759DF, v6  }
0x55: {  	[tilespmem:s5+$0xBF00] =	vst v2;
	v2 =	vmul.f32 v3, v4  }
0x56: {  	v1 =	vmul.f32 v5, v1  }
0x57: {  	v62 =	vld [tilespmem:s6+$0xBEF0];
	v2 =	vmul.f32 v3, v2  }
0x58: {  	v63 =	vld [tilespmem:s6+$0xBF00];
	v1 =	vsub.f32 $1.500000000e+00, v1  }
0x59: {  	v2 =	vsub.f32 $1.500000000e+00, v2  }
0x5a: {  	v1 =	vmul.f32 v5, v1  }
0x5b: {  	[tilespmem:s6+$0x9780] =	vst v0;
	v2 =	vmul.f32 v3, v2  }
0x5c: {  	v3 =	vmul.f32 v1, v62;
	[tilespmem:s6+$0x6FF0] =	vst v1  }
0x5d: {  	v1 =	vmul.f32 v2, v63;
	[tilespmem:s6+$0x7000] =	vst v2  }
0x5e: {  	[tilespmem:s6+$0xBEF0] =	vst v3  }
0x5f: {  	[tilespmem:s6+$0xBF00] =	vst v1  }
0x60: {  	[spmem:s9] =	stream.linear.scatter [tilespmem:s19], [sflag:$0xA], $0x2780, $0x38;
	[tilespmem:$0x13580] =	vst v63  }
0x61: {  	_ =	swait.ge [sflag:s16], $0x2780  }
0x62: {  	[sflag:s16] =	ssyncset.done $0x0  }
0x63: {  	[sflag:s16] =	ssyncadd.s32 $0xFFFFD880  }
0x64: {  	[spmem:s10] =	stream.linear.scatter [tilespmem:s18], [sflag:$0xA], $0x2780, $0x38;
	[tilespmem:$0x13580] =	vst v63  }
0x65: {  	_ =	swait.ge [sflag:s16], $0x2780  }
0x66: {  	[sflag:s16] =	ssyncset.done $0x0  }
0x67: {  	s5 =	simm.s32 @!p0 $0x0;
	s6 =	simm.s32 @!p0 $0xBF00;
	[sflag:s16] =	ssyncadd.s32 $0xFFFFD880  }
0x68: {  	[hbm4b:s11+s5] =	stream.linear.scatter @!p0 [tilespmem:s6], [sflag:$0x9], $0x2780, $0x38;
	[tilespmem:$0x13580] =	vst v63  }
0x69: {  	s6 =	simm.s32 @!p0 $0x7000  }
0x6a: {  	[hbm4b:s12+s5] =	stream.linear.scatter @!p0 [tilespmem:s6], [sflag:$0x9], $0x2780, $0x38;
	[tilespmem:$0x13580] =	vst v63  }
0x6b: {  	_ =	swait.ge [sflag:s20], $0x2800  }
0x6c: {  	[sflag:s20] =	ssyncset.done $0x0  }
0x6d: {  	[sflag:s20] =	ssyncadd.s32 $0xFFFFD800  }
0x6e: {  	_ =	swait.ge [sflag:s21], $0x2800  }
0x6f: {  	[sflag:s21] =	ssyncset.done $0x0  }
0x70: {  	[sflag:s21] =	ssyncadd.s32 $0xFFFFD800  }
0x71: {  	s6 =	simm.s32 $0x0;
	[bflag:$0x0] =	sbarrier.arrive $0xFFFF  }
0x72: {  	[tilespmem:s23], [sflag:$0x1] =	stream.indirect.gather [spmem:s2], $0x10, s6, s22, $0xb8;
	[tilespmem:$0x13580] =	vst v63  }
0x73: {  	_ = 	snop  }
0x74: {  	[tilespmem:s25], [sflag:$0x2] =	stream.indirect.gather [spmem:s2], $0x10, s22, s22, $0xb8;
	[tilespmem:$0x13580] =	vst v63  }
0x75: {  	s7 =	simm.s32 $0x100  }
0x76: {  	[tilespmem:s28], [sflag:$0x3] =	stream.indirect.gather [spmem:s2], $0x10, s7, s22, $0xb8;
	[tilespmem:$0x13580] =	vst v63  }
0x77: {  	s6 =	simm.s32 $0x180  }
0x78: {  	[tilespmem:s30], [sflag:$0x4] =	stream.indirect.gather [spmem:s2], $0x10, s6, s22, $0xb8;
	[tilespmem:$0x13580] =	vst v63  }
0x79: {  	_ =	swait.ge [sflag:s20], $0x800  }
0x7a: {  	[sflag:s20] =	ssyncset.done $0x0  }
0x7b: {  	s7 =	simm.s32 $0x2800;
	[sflag:s20] =	ssyncadd.s32 $0xFFFFF800  }
0x7c: {  	[spmem:s3] =	stream.indirect.scatter.add.f32 [tilespmem:s23], [sflag:$0x5], $0x10, s7, s22, $0xb8;
	[tilespmem:$0x13580] =	vst v63  }
0x7d: {  	_ =	swait.ge [sflag:s31], $0x800  }
0x7e: {  	[sflag:s31] =	ssyncset.done $0x0  }
0x7f: {  	s6 =	simm.s32 $0x200;
	[sflag:s31] =	ssyncadd.s32 $0xFFFFF800  }
0x80: {  	[tilespmem:s23], [sflag:$0x1] =	stream.indirect.gather [spmem:s2], $0x10, s6, s22, $0xb8;
	[tilespmem:$0x13580] =	vst v63  }
0x81: {  	_ =	swait.ge [sflag:s21], $0x800  }
0x82: {  	[sflag:s21] =	ssyncset.done $0x0  }
0x83: {  	s7 =	simm.s32 $0x2880;
	[sflag:s21] =	ssyncadd.s32 $0xFFFFF800  }
0x84: {  	[spmem:s3] =	stream.indirect.scatter.add.f32 [tilespmem:s25], [sflag:$0x6], $0x10, s7, s22, $0xb8;
	[tilespmem:$0x13580] =	vst v63  }
0x85: {  	_ =	swait.ge [sflag:s1], $0x800  }
0x86: {  	[sflag:s1] =	ssyncset.done $0x0  }
0x87: {  	s6 =	simm.s32 $0x280;
	[sflag:s1] =	ssyncadd.s32 $0xFFFFF800  }
0x88: {  	[tilespmem:s25], [sflag:$0x2] =	stream.indirect.gather [spmem:s2], $0x10, s6, s22, $0xb8;
	[tilespmem:$0x13580] =	vst v63  }
0x89: {  	_ =	swait.ge [sflag:s14], $0x800  }
0x8a: {  	[sflag:s14] =	ssyncset.done $0x0  }
0x8b: {  	s7 =	simm.s32 $0x2900;
	[sflag:s14] =	ssyncadd.s32 $0xFFFFF800  }
0x8c: {  	[spmem:s3] =	stream.indirect.scatter.add.f32 [tilespmem:s28], [sflag:$0x7], $0x10, s7, s22, $0xb8;
	[tilespmem:$0x13580] =	vst v63  }
0x8d: {  	_ =	swait.ge [sflag:s0], $0x800  }
0x8e: {  	[sflag:s0] =	ssyncset.done $0x0  }
0x8f: {  	s6 =	simm.s32 $0x300;
	[sflag:s0] =	ssyncadd.s32 $0xFFFFF800  }
0x90: {  	[tilespmem:s28], [sflag:$0x3] =	stream.indirect.gather [spmem:s2], $0x10, s6, s22, $0xb8;
	[tilespmem:$0x13580] =	vst v63  }
0x91: {  	_ =	swait.ge [sflag:s15], $0x800  }
0x92: {  	[sflag:s15] =	ssyncset.done $0x0  }
0x93: {  	s7 =	simm.s32 $0x2980;
	[sflag:s15] =	ssyncadd.s32 $0xFFFFF800  }
0x94: {  	[spmem:s3] =	stream.indirect.scatter.add.f32 [tilespmem:s30], [sflag:$0x8], $0x10, s7, s22, $0xb8;
	[tilespmem:$0x13580] =	vst v63  }
0x95: {  	_ =	swait.ge [sflag:s26], $0x800  }
0x96: {  	[sflag:s26] =	ssyncset.done $0x0  }
0x97: {  	s5 =	simm.s32 $0x800;
	s6 =	simm.s32 $0x380;
	[sflag:s26] =	ssyncadd.s32 $0xFFFFF800  }
.LBB2_4:
0x98: {  	[tilespmem:s30], [sflag:$0x4] =	stream.indirect.gather [spmem:s2], $0x10, s6, s22, $0xb8;
	[tilespmem:$0x13580] =	vst v63  }
0x99: {  	s6 =	smov.u32 s5  }
0x9a: {  	p1 =	sne.s32 s5, $0x9000;
	s5 =	sadd.s32 $0x800, s5;
	_ =	swait.ge [sflag:s20], $0x800  }
0x9b: {  	s6 =	sshra.s32 s6, $0x2;
	[sflag:s20] =	ssyncset.done $0x0  }
0x9c: {  	s7 =	sadd.s32 $0x2800, s6;
	[sflag:s20] =	ssyncadd.s32 $0xFFFFF800  }
0x9d: {  	[spmem:s3] =	stream.indirect.scatter.add.f32 [tilespmem:s23], [sflag:$0x5], $0x10, s7, s22, $0xb8;
	[tilespmem:$0x13580] =	vst v63  }
0x9e: {  	_ =	swait.ge [sflag:s31], $0x800  }
0x9f: {  	[sflag:s31] =	ssyncset.done $0x0  }
0xa0: {  	s7 =	sadd.s32 $0x200, s6;
	[sflag:s31] =	ssyncadd.s32 $0xFFFFF800  }
0xa1: {  	[tilespmem:s23], [sflag:$0x1] =	stream.indirect.gather [spmem:s2], $0x10, s7, s22, $0xb8;
	[tilespmem:$0x13580] =	vst v63  }
0xa2: {  	_ =	swait.ge [sflag:s21], $0x800  }
0xa3: {  	[sflag:s21] =	ssyncset.done $0x0  }
0xa4: {  	s7 =	sadd.s32 $0x2880, s6;
	[sflag:s21] =	ssyncadd.s32 $0xFFFFF800  }
0xa5: {  	[spmem:s3] =	stream.indirect.scatter.add.f32 [tilespmem:s25], [sflag:$0x6], $0x10, s7, s22, $0xb8;
	[tilespmem:$0x13580] =	vst v63  }
0xa6: {  	_ =	swait.ge [sflag:s1], $0x800  }
0xa7: {  	[sflag:s1] =	ssyncset.done $0x0  }
0xa8: {  	s7 =	sadd.s32 $0x280, s6;
	[sflag:s1] =	ssyncadd.s32 $0xFFFFF800  }
0xa9: {  	[tilespmem:s25], [sflag:$0x2] =	stream.indirect.gather [spmem:s2], $0x10, s7, s22, $0xb8;
	[tilespmem:$0x13580] =	vst v63  }
0xaa: {  	_ =	swait.ge [sflag:s14], $0x800  }
0xab: {  	[sflag:s14] =	ssyncset.done $0x0  }
0xac: {  	s7 =	sadd.s32 $0x2900, s6;
	[sflag:s14] =	ssyncadd.s32 $0xFFFFF800  }
0xad: {  	[spmem:s3] =	stream.indirect.scatter.add.f32 [tilespmem:s28], [sflag:$0x7], $0x10, s7, s22, $0xb8;
	[tilespmem:$0x13580] =	vst v63  }
0xae: {  	_ =	swait.ge [sflag:s0], $0x800  }
0xaf: {  	[sflag:s0] =	ssyncset.done $0x0  }
0xb0: {  	s7 =	sadd.s32 $0x300, s6;
	[sflag:s0] =	ssyncadd.s32 $0xFFFFF800  }
0xb1: {  	[tilespmem:s28], [sflag:$0x3] =	stream.indirect.gather [spmem:s2], $0x10, s7, s22, $0xb8;
	[tilespmem:$0x13580] =	vst v63  }
0xb2: {  	_ =	swait.ge [sflag:s15], $0x800  }
0xb3: {  	[sflag:s15] =	ssyncset.done $0x0  }
.Ltmp1:
0xb4: {  	s7 =	sadd.s32 $0x2980, s6;
	[sflag:s15] =	ssyncadd.s32 $0xFFFFF800;
	(pc) =	sbr.rel @p1 .LBB2_4-.Ltmp1, $4  }
0xb5: {  	[spmem:s3] =	stream.indirect.scatter.add.f32 [tilespmem:s30], [sflag:$0x8], $0x10, s7, s22, $0xb8;
	[tilespmem:$0x13580] =	vst v63  }
0xb6: {  	_ =	swait.ge [sflag:s26], $0x800  }
0xb7: {  	[sflag:s26] =	ssyncset.done $0x0  }
0xb8: {  	s6 =	sadd.s32 $0x380, s6;
	[sflag:s26] =	ssyncadd.s32 $0xFFFFF800  }
0xb9: {  	[tilespmem:s30], [sflag:$0x4] =	stream.indirect.gather [spmem:s2], $0x10, s6, s22, $0xb8;
	[tilespmem:$0x13580] =	vst v63  }
0xba: {  	_ =	swait.ge [sflag:s20], $0x800  }
0xbb: {  	[sflag:s20] =	ssyncset.done $0x0  }
0xbc: {  	s5 =	simm.s32 $0x4E00;
	[sflag:s20] =	ssyncadd.s32 $0xFFFFF800  }
0xbd: {  	[spmem:s3] =	stream.indirect.scatter.add.f32 [tilespmem:s23], [sflag:$0xA], $0x10, s5, s22, $0xb8;
	[tilespmem:$0x13580] =	vst v63  }
0xbe: {  	_ =	swait.ge [sflag:s16], $0x800  }
0xbf: {  	[sflag:s16] =	ssyncset.done $0x0  }
0xc0: {  	[sflag:s16] =	ssyncadd.s32 $0xFFFFF800  }
0xc1: {  	_ =	swait.ge [sflag:s21], $0x800  }
0xc2: {  	[sflag:s21] =	ssyncset.done $0x0  }
0xc3: {  	s7 =	simm.s32 $0x4E80;
	[sflag:s21] =	ssyncadd.s32 $0xFFFFF800  }
0xc4: {  	[spmem:s3] =	stream.indirect.scatter.add.f32 [tilespmem:s25], [sflag:$0xA], $0x10, s7, s22, $0xb8;
	[tilespmem:$0x13580] =	vst v63  }
0xc5: {  	_ =	swait.ge [sflag:s16], $0x800  }
0xc6: {  	[sflag:s16] =	ssyncset.done $0x0  }
0xc7: {  	[sflag:s16] =	ssyncadd.s32 $0xFFFFF800  }
0xc8: {  	_ =	swait.ge [sflag:s14], $0x800  }
0xc9: {  	[sflag:s14] =	ssyncset.done $0x0  }
0xca: {  	s6 =	simm.s32 $0x4F00;
	[sflag:s14] =	ssyncadd.s32 $0xFFFFF800  }
0xcb: {  	[spmem:s3] =	stream.indirect.scatter.add.f32 [tilespmem:s28], [sflag:$0xA], $0x10, s6, s22, $0xb8;
	[tilespmem:$0x13580] =	vst v63  }
0xcc: {  	_ =	swait.ge [sflag:s16], $0x800  }
0xcd: {  	[sflag:s16] =	ssyncset.done $0x0  }
0xce: {  	[sflag:s16] =	ssyncadd.s32 $0xFFFFF800  }
0xcf: {  	_ =	swait.ge [sflag:s15], $0x800  }
0xd0: {  	[sflag:s15] =	ssyncset.done $0x0  }
0xd1: {  	s7 =	simm.s32 $0x4F80;
	[sflag:s15] =	ssyncadd.s32 $0xFFFFF800  }
0xd2: {  	[spmem:s3] =	stream.indirect.scatter.add.f32 [tilespmem:s30], [sflag:$0xA], $0x10, s7, s22, $0xb8;
	[tilespmem:$0x13580] =	vst v63  }
0xd3: {  	_ =	swait.ge [sflag:s16], $0x800  }
0xd4: {  	[sflag:s16] =	ssyncset.done $0x0  }
0xd5: {  	s5 =	simm.s32 @!p0 $0x9;
	[sflag:s16] =	ssyncadd.s32 $0xFFFFF800  }
0xd6: {  	_ =	swait.ge @!p0 [sflag:s5], $0x2780  }
0xd7: {  	[sflag:s5] =	ssyncset.done @!p0 $0x0  }
0xd8: {  	[sflag:s5] =	ssyncadd.s32 @!p0 $0xFFFFD880  }
0xd9: {  	s29 =	sadd.s32 $0x1, s29;
	_ =	swait.ge @!p0 [sflag:s5], $0x2780  }
0xda: {  	p1 =	sne.s32 s29, s13;
	s6 =	stileid.u32;
	[sflag:s5] =	ssyncset.done @!p0 $0x0  }
0xdb: {  	s7 =	sshrl.u32 s10, $0x3;
	[sflag:s5] =	ssyncadd.s32 @!p0 $0xFFFFD880;
	s5 =	sshll.u32 s6, $0x6  }
.Ltmp2:
0xdc: {  	[bflag:$0x0] =	sbarrier.arrive $0xFFFF;
	s5 =	sor.u32 $0x1C0A, s5;
	(pc) =	sbr.rel @p1 .LBB2_1-.Ltmp2, $4  }
0xdd: {  	[hbm:s24], [sflag:s5] =	dma.local [spmem:s7], $0x4F0  }
0xde: {  	_ =	swait.ge [sflag:s16], $0x4F0  }
0xdf: {  	[sflag:s16] =	ssyncset.done $0x0  }
0xe0: {  	[sflag:s16] =	ssyncadd.s32 $0xFFFFFB10  }
0xe1: {  	_ =	sfence.sel $0x180000  }
0xe2: {  	[bflag:$0x0] =	sbarrier.arrive $0xFFFF  }
0xe3: {  	_ =	strace $0x9000004A  }
0xe4: {  	s0 =	stileid.u32;
	[bflag:$0x2] =	sbarrier.arrive $0xFFFF  }
0xe5: {  	p0 =	sne.s32 s0, $0x0;
	s0 =	rddreg [dreg:$0x4]  }
0xe6: {  	s0 =	sadd.s32 @!p0 $0x100000, s0  }
0xe7: {  	[sflag:s0] =	ssyncadd.tile.s32 @!p0 $0x1;
	_ =	shalt  }
.Lfunc_end2:
_tile_overlayer_lowered:
.L_overlay_start_2:
0xe8: {  	(tag) =	ssettag $0x2  }
0xe9: {  	s0 =	rddreg [dreg:$0x0];
	s2 =	stileid.u32  }
0xea: {  	s1 =	rddreg [dreg:$0x1];
	p0 =	sne.s32 s2, $0x0  }
0xeb: {  	s3 =	rddreg [dreg:$0x2];
	[bflag:$0x3] =	sbarrier.arrive $0xFFFF;
	s2 =	simm.s32 @!p0 $0x1C0A  }
0xec: {  	[timem:s3], [sflag:s2] =	dma.local @!p0 [hbm:s0], s1  }
0xed: {  	s0 =	simm.s32 @!p0 $0xA  }
0xee: {  	_ =	swait.ge @!p0 [sflag:s0], s1  }
0xef: {  	s1 =	ssub.s32 @!p0 $0x0, s1;
	[sflag:s0] =	ssyncset.done @!p0 $0x0  }
0xf0: {  	[sflag:s0] =	ssyncadd.s32 @!p0 s1  }
0xf1: {  	[bflag:$0x3] =	sbarrier.arrive $0xFFFF  }
0xf2: {  	_ =	shalt  }

// kernel: kernel.13.cloned.1.call-start
scs
__scs_entry_jumppad:
0x0: {  	(pc) =	sbr.rel $0x88, $3  }
0x1: {  	(tag) =	ssettag $0x0;
	lr =	simm.s32 $0x1  }
0x2: {  	[smem:$0x3F9B] =	sst lr;
	_ =	strace $0xD0000000  }
0x3: {  	_ = 	snop  }
0x4: {  	_ = 	snop  }
0x5: {  	_ = 	snop  }
0x6: {  	_ = 	snop  }
0x7: {  	_ = 	snop  }
__scs_overlays_trampoline_lowered:
0x8: {  	[smem:$0x3FAA] =	sst s0  }
0x9: {  	[smem:$0x3FAB] =	sst s1  }
0xa: {  	[smem:$0x3FAC] =	sst s2  }
0xb: {  	[smem:$0x3FAD] =	sst s3  }
0xc: {  	[smem:$0x3FAE] =	sst s4  }
0xd: {  	[smem:$0x3FAF] =	sst s5  }
0xe: {  	[smem:$0x3FB0] =	sst s6  }
0xf: {  	[smem:$0x3FB1] =	sst s7  }
0x10: {  	[smem:$0x3FB2] =	sst s8  }
0x11: {  	[smem:$0x3FB3] =	sst s9;
	s0 =	simm.s32 @!p0 $0x0  }
0x12: {  	s1 =	sld [smem:$0x3F99];
	s0 =	simm.s32 @p0 $0x1  }
0x13: {  	[smem:$0x3FB4] =	sst s0;
	s0 =	simm.s32 @!p1 $0x0  }
0x14: {  	s2 =	sld [smem:$0x3F98];
	s0 =	simm.s32 @p1 $0x1  }
0x15: {  	[smem:$0x3FB5] =	sst s0;
	s0 =	simm.s32 @!p2 $0x0  }
0x16: {  	s3 =	sld [smem:$0x3FDB];
	s0 =	simm.s32 @p2 $0x1  }
0x17: {  	s4 =	simm.s32 $0x1BF5;
	[smem:$0x3FB7] =	sst s0  }
0x18: {  	s0 =	sld [smem:$0x3F9A];
	_ =	swait.ge [sflag:s4], $0x0  }
0x19: {  	s7 =	sld [smem:$0x3F9B]  }
0x1a: {  	s8 =	sadd.s32 $0xFFFFE003, lr  }
0x1b: {  	s9 =	sadd.s32 $0xFFFFFEF7, lr;
	s5 =	simm.s32 $0xFFFFFFFF;
	p2 =	slt.u32 s8, $0xFFFFF086  }
0x1c: {  	p1 =	slt.u32 s9, $0xF7A;
	s5 =	simm.s32 @!p2 $0x0  }
0x1d: {  	s5 =	simm.s32 @p1 $0x1;
	p0 =	seq.s32 s7, s2  }
0x1e: {  	s7 =	smul.u32 @!p0 $0xF7A, s2;
	p2 =	seq.s32 @!p0 s5, $0x0  }
0x1f: {  	s9 =	smul.u32 $0xF7A, s1;
	s8 =	simm.s32 @!p0 $0x1BF5;
	p2 =	por !p2, p0  }
0x20: {  	[sflag:s8] =	ssyncset.s32 @!p0 $0xFFFFF086;
	s6 =	sadd.s32 @!p0 s3, s7;
	s7 =	simm.s32 @!p0 $0x108  }
0x21: {  	s3 =	sadd.s32 s3, s9;
	s6 =	sadd.s32 @!p0 $0x88, s6;
	s7 =	simm.s32 @p2 $0x1082  }
0x22: {  	[simem:s7], [sflag:s8] =	dma.local @!p0 [hbm:s6], $0xF7A  }
0x23: {  	s9 =	sor.u32 $0xD0000000, s2;
	s6 =	simm.s32 $0x108;
	_ =	swait.ge @!p0 [sflag:s8], $0x0  }
0x24: {  	s3 =	sadd.s32 $0x88, s3;
	s6 =	simm.s32 @!p1 $0x1082;
	[sflag:s4] =	ssyncset.s32 $0xFFFFF086  }
0x25: {  	[simem:s6], [sflag:s4] =	dma.local [hbm:s3], $0xF7A  }
0x26: {  	[smem:$0x3F9B] =	sst s1;
	(tag) =	ssettag s2;
	_ =	strace s9  }
0x27: {  	s1 =	sld [smem:$0x3FAB]  }
0x28: {  	s2 =	sld [smem:$0x3FAC]  }
0x29: {  	s4 =	sld [smem:$0x3FAE]  }
0x2a: {  	p0 =	seq.s32 s5, $0x0;
	s5 =	sld [smem:$0x3FAF]  }
0x2b: {  	s6 =	sld [smem:$0x3FB0]  }
0x2c: {  	s7 =	sld [smem:$0x3FB1]  }
0x2d: {  	s3 =	simm.s32 $0x108;
	s8 =	sld [smem:$0x3FB2]  }
0x2e: {  	s3 =	simm.s32 @!p0 $0x1082;
	s9 =	sld [smem:$0x3FB3]  }
0x2f: {  	lr =	sadd.s32 s0, s3;
	s0 =	sld [smem:$0x3FAA]  }
0x30: {  	s3 =	sld [smem:$0x3FAD]  }
0x31: {  	[smem:$0x3FB6] =	sst s10  }
0x32: {  	s10 =	sld [smem:$0x3FB4];
	_ =	sdelay $0x3  }
0x33: {  	p0 =	seq.s32 s10, $0x1;
	s10 =	sld [smem:$0x3FB6];
	_ =	sdelay $0x3  }
0x34: {  	[smem:$0x3FB6] =	sst s10  }
0x35: {  	s10 =	sld [smem:$0x3FB5];
	_ =	sdelay $0x3  }
0x36: {  	p1 =	seq.s32 s10, $0x1;
	s10 =	sld [smem:$0x3FB6];
	_ =	sdelay $0x3  }
0x37: {  	[smem:$0x3FB6] =	sst s10  }
0x38: {  	s10 =	sld [smem:$0x3FB7]  }
0x39: {  	_ = 	snop;
	(pc) =	sbr.ind lr, $3  }
0x3a: {  	_ = 	snop  }
0x3b: {  	_ = 	snop  }
0x3c: {  	p2 =	seq.s32 s10, $0x1;
	s10 =	sld [smem:$0x3FB6]  }
0x3d: {  	_ =	shalt  }
0x3e: {  	_ =	shalt  }
0x3f: {  	_ =	shalt  }
0x40: {  	_ =	shalt  }
0x41: {  	_ =	shalt  }
0x42: {  	_ =	shalt  }
0x43: {  	_ =	shalt  }
0x44: {  	_ =	shalt  }
0x45: {  	_ =	shalt  }
0x46: {  	_ =	shalt  }
0x47: {  	_ =	shalt  }
0x48: {  	_ =	shalt  }
0x49: {  	_ =	shalt  }
0x4a: {  	_ =	shalt  }
0x4b: {  	_ =	shalt  }
0x4c: {  	_ =	shalt  }
0x4d: {  	_ =	shalt  }
0x4e: {  	_ =	shalt  }
0x4f: {  	_ =	shalt  }
0x50: {  	_ =	shalt  }
0x51: {  	_ =	shalt  }
0x52: {  	_ =	shalt  }
0x53: {  	_ =	shalt  }
0x54: {  	_ =	shalt  }
0x55: {  	_ =	shalt  }
0x56: {  	_ =	shalt  }
0x57: {  	_ =	shalt  }
0x58: {  	_ =	shalt  }
0x59: {  	_ =	shalt  }
0x5a: {  	_ =	shalt  }
0x5b: {  	_ =	shalt  }
0x5c: {  	_ =	shalt  }
0x5d: {  	_ =	shalt  }
0x5e: {  	_ =	shalt  }
0x5f: {  	_ =	shalt  }
0x60: {  	_ =	shalt  }
0x61: {  	_ =	shalt  }
0x62: {  	_ =	shalt  }
0x63: {  	_ =	shalt  }
0x64: {  	_ =	shalt  }
0x65: {  	_ =	shalt  }
0x66: {  	_ =	shalt  }
0x67: {  	_ =	shalt  }
0x68: {  	_ =	shalt  }
0x69: {  	_ =	shalt  }
0x6a: {  	_ =	shalt  }
0x6b: {  	_ =	shalt  }
0x6c: {  	_ =	shalt  }
0x6d: {  	_ =	shalt  }
0x6e: {  	_ =	shalt  }
0x6f: {  	_ =	shalt  }
0x70: {  	_ =	shalt  }
0x71: {  	_ =	shalt  }
0x72: {  	_ =	shalt  }
0x73: {  	_ =	shalt  }
0x74: {  	_ =	shalt  }
0x75: {  	_ =	shalt  }
0x76: {  	_ =	shalt  }
0x77: {  	_ =	shalt  }
0x78: {  	_ =	shalt  }
0x79: {  	_ =	shalt  }
0x7a: {  	_ =	shalt  }
0x7b: {  	_ =	shalt  }
0x7c: {  	_ =	shalt  }
0x7d: {  	_ =	shalt  }
0x7e: {  	_ =	shalt  }
0x7f: {  	_ =	shalt  }
0x80: {  	_ =	shalt  }
0x81: {  	_ =	shalt  }
0x82: {  	_ =	shalt  }
0x83: {  	_ =	shalt  }
0x84: {  	_ =	shalt  }
0x85: {  	_ =	shalt  }
0x86: {  	_ =	shalt  }
0x87: {  	_ =	shalt  }
.Lfunc_end0:
.L_simem_size_0:
called_computation.2_lowered:
.L_overlay_start_0:
0x88: {  	s2 =	sld [smem:$0x3FD9]  }
0x89: {  	s3 =	sld [smem:$0x3FFE];
	_ =	sdelay $0x1  }
0x8a: {  	s1 =	srdreg.scid  }
0x8b: {  	s0 =	sand.u32 $0x1, s1  }
0x8c: {  	s17 =	sshll.u32 s0, $0xA;
	s2 =	sadd.s32 s3, s2  }
0x8d: {  	s2 =	sadd.s32 s2, s17  }
0x8e: {  	[smem:$0x3FC2] =	sst s2  }
0x8f: {  	_ = 	snop  }
0x90: {  	s2 =	sld [smem:$0x3FC6]  }
0x91: {  	s18 =	sld [smem:$0x3FD0];
	(tm) =	ssettm $0x1  }
0x92: {  	s4 =	sld [smem:$0x3FFB];
	_ =	sdelay $0x3  }
0x93: {  	_ =	strace s4  }
0x94: {  	s4 =	sld [smem:$0x3FFC];
	_ =	sdelay $0x3  }
0x95: {  	_ =	strace s4  }
0x96: {  	s4 =	sld [smem:$0x3FFD];
	_ =	sdelay $0x3  }
0x97: {  	_ =	strace s4  }
0x98: {  	_ =	strace $0x8FFFFFFF  }
0x99: {  	s19 =	sld [smem:$0x3FDB];
	_ =	sdelay $0x1  }
0x9a: {  	s5 =	simm.s32 $_scs_section_size  }
0x9b: {  	s6 =	simm.s32 $_size__tile_overlayer_lowered;
	s7 =	simm.s32 $_tile_overlayer_lowered  }
0x9c: {  	s22 =	simm.s32 $0x1BFF;
	s21 =	sshll.u32 s7, $0x1;
	s4 =	sadd.s32 s5, s19  }
0x9d: {  	s8 =	simm.s32 $0x0;
	s20 =	sshll.u32 s6, $0x1;
	s6 =	sadd.s32 s21, s4  }
0x9e: {  	[timem:s8], [sflag:s22] =	dma.local [hbm:s6], s20  }
0x9f: {  	_ =	swait.ge [sflag:s22], s20  }
0xa0: {  	s5 =	ssub.s32 $0x0, s20;
	[sflag:s22] =	ssyncset.done $0x0  }
0xa1: {  	[sflag:s22] =	ssyncadd.s32 s5;
	_ =	sdelay $0x1  }
0xa2: {  	s23 =	simm.s32 $0x1B8B  }
0xa3: {  	_ =	swait.ge [sflag:s23], $0x1  }
0xa4: {  	[sflag:s23] =	ssyncset.done $0x0  }
0xa5: {  	s25 =	simm.s32 $0x1B8E;
	s24 =	sld [smem:$0x3FFE];
	[sflag:s23] =	ssyncadd.s32 $0xFFFFFFFF  }
0xa6: {  	s26 =	simm.s32 $execute0_lowered;
	[smem:$0x3FD2] =	sst s25  }
0xa7: {  	s6 =	sshll.u32 s26, $0x1;
	_ =	strace $0x8000004C;
	[dreg:$0x1] =	wrdreg $0xFFFFFFFF  }
0xa8: {  	s28 =	simm.s32 $_size_execute0_lowered;
	s4 =	sadd.s32 s4, s6;
	[dreg:$0x0] =	wrdreg $0x0  }
0xa9: {  	s6 =	sshll.u32 s28, $0x1;
	[dreg:$0x2] =	wrdreg s4  }
0xaa: {  	[dreg:$0x3] =	wrdreg s6  }
0xab: {  	[dreg:$0x4] =	wrdreg $0xC0  }
0xac: {  	_ =	task [dreg:s8], $0x5FFFF  }
0xad: {  	[dreg:$0x1] =	wrdreg $0xFFFFFFFF  }
0xae: {  	[dreg:$0x0] =	wrdreg $0x60  }
0xaf: {  	[dreg:$0x2] =	wrdreg s24  }
0xb0: {  	[dreg:$0x3] =	wrdreg s2  }
0xb1: {  	[dreg:$0x4] =	wrdreg s18  }
0xb2: {  	[dreg:$0x5] =	wrdreg $0x135900  }
0xb3: {  	[dreg:$0x6] =	wrdreg $0x10E100  }
0xb4: {  	[dreg:$0x7] =	wrdreg $0x9  }
0xb5: {  	_ =	task.clear_ibuf [dreg:s8], $0x8FFFF;
	_ =	strace $0x9000004C  }
0xb6: {  	s29 =	simm.s32 $0x9;
	_ =	strace $0x8000004E  }
0xb7: {  	_ =	swait.ge [sflag:s29], $0x1  }
0xb8: {  	[sflag:s29] =	ssyncadd.s32 $0xFFFFFFFF  }
0xb9: {  	_ =	strace $0x9000004E  }
0xba: {  	_ =	sfence  }
0xbb: {  	s30 =	sld [smem:$0x0];
	_ =	sdelay $0x2  }
0xbc: {  	s31 =	sshll.u32 s1, $0xD;
	s1 =	sshrl.u32 s1, $0x2  }
0xbd: {  	s3 =	sand.u32 $0x4000, s31;
	s1 =	sadd.s32 s1, s30  }
0xbe: {  	s0 =	sor.u32 s3, s0;
	s1 =	sshll.u32 s1, $0x11  }
0xbf: {  	s0 =	sor.u32 s1, s0  }
0xc0: {  	s0 =	sadd.s32 $0x8F2B, s0  }
0xc1: {  	[sflag:s0] =	ssyncadd.remote.s32 $0x1  }
0xc2: {  	_ =	sfence.sel $0xFFFF  }
0xc3: {  	[dreg:$0x0] =	wrdreg $0xFFFFFFFF;
	(pc) =	sbr.abs _section_cstart, $3  }
0xc4: {  	[dreg:$0x1] =	wrdreg $0xFFFFFFFF  }
0xc5: {  	_ =	task.clear_ibuf [dreg:s8], $0x2FFFF;
	_ =	strace $0x9FFFFFFF  }
0xc6: {  	(tm) =	ssettm $0x7FFFFFFF  }
0xc7: {  	_ =	shalt  }
tec
execute0_lowered:
.L_overlay_start_1:
0x0: {  	(tag) =	ssettag $0x1  }
0x1: {  	s0 =	rddreg [dreg:$0x0]  }
0x2: {  	s1 =	rddreg [dreg:$0x2];
	s6 =	stileid.u32  }
0x3: {  	s2 =	srdreg.scid;
	s3 =	rddreg [dreg:$0x3]  }
0x4: {  	s4 =	rddreg [dreg:$0x4];
	s16 =	simm.s32 $0x7000;
	s17 =	simm.s32 $0xA  }
0x5: {  	s20 =	simm.s32 $0xBF00;
	s28 =	simm.s32 $0x5000;
	s29 =	simm.s32 $0x5800  }
0x6: {  	s31 =	simm.s32 $0x6000;
	s19 =	simm.s32 $0x3;
	s21 =	simm.s32 $0x7  }
0x7: {  	s22 =	simm.s32 $0x4;
	s2 =	sand.u32 $0x1, s2;
	s5 =	sshll.u32 s6, $0x1  }
0x8: {  	s30 =	simm.s32 $0x8;
	s6 =	smul.u32 $0x2780, s6;
	s7 =	sor.u32 s2, s5  }
0x9: {  	s5 =	simm.s32 $0x0;
	s9 =	smul.u32 $0x4F00, s2;
	s11 =	ssub.s32 $0x2, s2  }
0xa: {  	p0 =	sne.s32 s2, $0x0;
	s2 =	simm.s32 $0x0;
	s7 =	smul.u32 $0x500, s7  }
0xb: {  	[smem:$0x7FF] =	sst s5;
	s8 =	sshrl.u32 s6, $0x3;
	s23 =	sshrl.u32 s11, $0x1  }
0xc: {  	s12 =	sadd.s32 s6, s4;
	_ =	strace $0x8000004D;
	s10 =	sadd.s32 s8, s0  }
0xd: {  	s14 =	sadd.s32 s9, s0;
	s15 =	ssub.s32 s11, s23;
	s11 =	sadd.s32 s6, s3  }
0xe: {  	s13 =	sadd.s32 s1, s8;
	s23 =	simm.s32 $0x1;
	s1 =	simm.s32 $0x6800  }
0xf: {  	s7 =	sadd.s32 s7, s0;
	s25 =	sadd.s32 $0x1FC00, s10;
	s0 =	sadd.s32 $0x24B00, s0  }
0x10: {  	s9 =	sadd.s32 $0x29A00, s10;
	s10 =	sadd.s32 $0x2EA00, s10;
	s26 =	sadd.s32 $0xBE00, s14  }
0x11: {  	s14 =	smax.u32 s15, $0x1;
	s15 =	simm.s32 $0x6;
	s24 =	sadd.s32 $0x15C00, s7  }
0x12: {  	s7 =	sadd.s32 $0x1E00, s7;
	[dreg:$0x8] =	wrdreg s25;
	s18 =	sadd.s32 s8, s0  }
0x13: {  	s25 =	simm.s32 $0x2;
	s0 =	simm.s32 $0x5;
	[dreg:$0x6] =	wrdreg s24  }
0x14: {  	v0 =	vimm.f32 $0.0e+00;
	[dreg:$0x7] =	wrdreg s7;
	s24 =	sadd.s32 s8, s26;
	s26 =	simm.s32 $0x80  }
.LBB2_1:
0x15: {  	s6 =	rddreg [dreg:$0x6]  }
0x16: {  	[tilespmem:s5], [sflag:$0x1] =	stream.linear.gather [hbm4b:s6+s5], $0x2800, $0x38;
	[tilespmem:$0x15D10] =	vst v63  }
0x17: {  	s8 =	rddreg [dreg:$0x7];
	s7 =	simm.s32 $0x2800  }
0x18: {  	[tilespmem:s7], [sflag:$0x2] =	stream.linear.gather [hbm4b:s8+s5], $0x2800, $0x38;
	[tilespmem:$0x15D10] =	vst v63  }
0x19: {  	s8 =	rddreg [dreg:$0x8]  }
0x1a: {  	[tilespmem:s16], [sflag:$0xA] =	stream.linear.gather [hbm4b:s8+s5], $0x2780, $0x38;
	[tilespmem:$0x15D10] =	vst v63  }
0x1b: {  	_ =	swait.ge [sflag:s17], $0x2780  }
0x1c: {  	[sflag:s17] =	ssyncset.done $0x0  }
0x1d: {  	s7 =	simm.s32 $0x9780;
	[sflag:s17] =	ssyncadd.s32 $0xFFFFD880  }
0x1e: {  	[tilespmem:s7], [sflag:$0xA] =	stream.linear.gather [hbm4b:s18+s5], $0x2780, $0x38;
	[tilespmem:$0x15D10] =	vst v63  }
0x1f: {  	_ =	swait.ge [sflag:s17], $0x2780  }
0x20: {  	[sflag:s17] =	ssyncset.done $0x0  }
0x21: {  	[sflag:s17] =	ssyncadd.s32 $0xFFFFD880  }
0x22: {  	[tilespmem:s20], [sflag:$0xA] =	stream.linear.gather [hbm4b:s9+s5], $0x2780, $0x38;
	[tilespmem:$0x15D10] =	vst v63  }
0x23: {  	_ =	swait.ge [sflag:s17], $0x2780  }
0x24: {  	[sflag:s17] =	ssyncset.done $0x0  }
0x25: {  	s8 =	simm.s32 $0xE680;
	[sflag:s17] =	ssyncadd.s32 $0xFFFFD880  }
0x26: {  	[tilespmem:s8], [sflag:$0xA] =	stream.linear.gather [hbm4b:s10+s5], $0x2780, $0x38;
	[tilespmem:$0x15D10] =	vst v63  }
0x27: {  	_ =	swait.ge [sflag:s17], $0x2780  }
0x28: {  	[sflag:s17] =	ssyncset.done $0x0  }
0x29: {  	[sflag:s17] =	ssyncadd.s32 $0xFFFFD880  }
0x2a: {  	s8 =	simm.s32 $0x10E00;
	s7 =	rddreg [dreg:$0x1]  }
0x2b: {  	[tilespmem:s8], [sflag:$0xA] =	stream.linear.gather [hbm4b:s7+s5], $0x10, $0x38;
	[tilespmem:$0x15D10] =	vst v63  }
0x2c: {  	_ =	swait.ge [sflag:s17], $0x10  }
0x2d: {  	[sflag:s17] =	ssyncset.done $0x0  }
0x2e: {  	s6 =	simm.s32 $0x10;
	[sflag:s17] =	ssyncadd.s32 $0xFFFFFFF0  }
0x2f: {  	v1 =	vld [tilespmem:s6+$0x9770]  }
0x30: {  	v2 =	vld [tilespmem:s6+$0x6FF0];
	_ =	sdelay $0x1  }
0x31: {  	v3 =	vld [tilespmem:s6+$0xBEF0];
	_ =	sdelay $0x1  }
0x32: {  	v4 =	vld [tilespmem:s6+$0xE670]  }
0x33: {  	v1 =	vadd.f32 v1, v2  }
0x34: {  	v2 =	vld [tilespmem:$0x10E00]  }
0x35: {  	v1 =	vadd.f32 v3, v1;
	_ =	sdelay $0x1  }
0x36: {  	v1 =	vmul.f32 v1, v4  }
0x37: {  	v5 =	vld [tilespmem:s6+$0x7000]  }
0x38: {  	v3 =	vld [tilespmem:s6+$0x9780];
	v1 =	vadd.f32 v2, v1;
	_ =	sdelay $0x1  }
0x39: {  	v2 =	vld [tilespmem:s6+$0xBF00];
	v1 =	vmax.f32 v1, $0.0e+00  }
0x3a: {  	v4 =	vmul.f32 v1, v4  }
0x3b: {  	[tilespmem:s6+$0x6FF0] =	vst v0;
	v1 =	vld [tilespmem:s6+$0xE680]  }
0x3c: {  	v5 =	vadd.f32 v3, v5;
	[tilespmem:s6+$0xBEF0] =	vst v4  }
0x3d: {  	v3 =	vld [tilespmem:$0x10E00]  }
0x3e: {  	v2 =	vadd.f32 v2, v5;
	_ =	sdelay $0x1  }
0x3f: {  	s7 =	simm.s32 $0x30;
	[tilespmem:s6+$0x7000] =	vst v0;
	v4 =	vmul.f32 v2, v1  }
0x40: {  	s8 =	simm.s32 $0x140;
	v2 =	vld [tilespmem:s7+$0x9770]  }
.LBB2_2:
0x41: {  	p1 =	sne.s32 s8, $0x9DC0;
	v5 =	vld [tilespmem:s7+$0x6FF0];
	v3 =	vadd.f32 v3, v4;
	_ =	sdelay $0x1  }
0x42: {  	v4 =	vld [tilespmem:s7+$0xBEF0];
	v3 =	vmax.f32 v3, $0.0e+00  }
0x43: {  	v1 =	vmul.f32 v3, v1  }
0x44: {  	v3 =	vld [tilespmem:s7+$0xE670]  }
0x45: {  	v2 =	vadd.f32 v2, v5;
	[tilespmem:s6+$0xBF00] =	vst v1;
	s6 =	smov.u32 s7  }
0x46: {  	v1 =	vld [tilespmem:$0x10E00]  }
0x47: {  	v2 =	vadd.f32 v4, v2;
	_ =	sdelay $0x1  }
0x48: {  	v2 =	vmul.f32 v2, v3  }
0x49: {  	v4 =	vld [tilespmem:s6+$0x9780]  }
0x4a: {  	v1 =	vadd.f32 v1, v2;
	v2 =	vld [tilespmem:s6+$0x7000];
	_ =	sdelay $0x1  }
0x4b: {  	v1 =	vmax.f32 v1, $0.0e+00;
	v5 =	vld [tilespmem:s6+$0xBF00]  }
0x4c: {  	v3 =	vmul.f32 v1, v3  }
0x4d: {  	[tilespmem:s6+$0x6FF0] =	vst v0;
	v1 =	vld [tilespmem:s6+$0xE680]  }
0x4e: {  	[tilespmem:s6+$0xBEF0] =	vst v3;
	v2 =	vadd.f32 v4, v2  }
.Ltmp0:
0x4f: {  	v3 =	vld [tilespmem:$0x10E00];
	[tilespmem:s6+$0x7000] =	vst v0;
	(pc) =	sbr.rel @p1 .LBB2_2-.Ltmp0, $3  }
0x50: {  	v2 =	vadd.f32 v5, v2;
	_ =	sdelay $0x1  }
0x51: {  	s7 =	sshra.s32 s8, $0x2;
	v4 =	vmul.f32 v2, v1  }
0x52: {  	s8 =	sadd.s32 $0x80, s8;
	v2 =	vld [tilespmem:s7+$0x9770]  }
0x53: {  	v5 =	vld [tilespmem:s7+$0x6FF0];
	v3 =	vadd.f32 v3, v4;
	_ =	sdelay $0x1  }
0x54: {  	v61 =	vld [tilespmem:s7+$0xBEF0];
	v3 =	vmax.f32 v3, $0.0e+00  }
0x55: {  	v1 =	vmul.f32 v3, v1  }
0x56: {  	v3 =	vld [tilespmem:s7+$0xE670]  }
0x57: {  	v2 =	vadd.f32 v2, v5;
	[tilespmem:s6+$0xBF00] =	vst v1  }
0x58: {  	v1 =	vld [tilespmem:$0x10E00]  }
0x59: {  	v2 =	vadd.f32 v61, v2;
	_ =	sdelay $0x1  }
0x5a: {  	v2 =	vmul.f32 v2, v3  }
0x5b: {  	v62 =	vld [tilespmem:s7+$0x9780]  }
0x5c: {  	v1 =	vadd.f32 v1, v2;
	v2 =	vld [tilespmem:s7+$0x7000];
	_ =	sdelay $0x1  }
0x5d: {  	v63 =	vld [tilespmem:s7+$0xBF00];
	v1 =	vmax.f32 v1, $0.0e+00  }
0x5e: {  	v1 =	vmul.f32 v1, v3  }
0x5f: {  	[tilespmem:s7+$0x6FF0] =	vst v0;
	v3 =	vld [tilespmem:s7+$0xE680]  }
0x60: {  	[tilespmem:s7+$0xBEF0] =	vst v1;
	v1 =	vadd.f32 v62, v2  }
0x61: {  	v2 =	vld [tilespmem:$0x10E00]  }
0x62: {  	v1 =	vadd.f32 v63, v1;
	_ =	sdelay $0x1  }
0x63: {  	v1 =	vmul.f32 v1, v3;
	_ =	sdelay $0x1  }
0x64: {  	v1 =	vadd.f32 v2, v1;
	_ =	sdelay $0x1  }
0x65: {  	v1 =	vmax.f32 v1, $0.0e+00  }
0x66: {  	v1 =	vmul.f32 v1, v3  }
0x67: {  	[tilespmem:s7+$0x7000] =	vst v0  }
0x68: {  	[tilespmem:s7+$0xBF00] =	vst v1  }
0x69: {  	[spmem:s11] =	stream.linear.scatter [tilespmem:s20], [sflag:$0xA], $0x2780, $0x38;
	[tilespmem:$0x15D10] =	vst v63  }
0x6a: {  	_ =	swait.ge [sflag:s17], $0x2780  }
0x6b: {  	[sflag:s17] =	ssyncset.done $0x0  }
0x6c: {  	[sflag:s17] =	ssyncadd.s32 $0xFFFFD880  }
0x6d: {  	[spmem:s12] =	stream.linear.scatter [tilespmem:s16], [sflag:$0xA], $0x2780, $0x38;
	[tilespmem:$0x15D10] =	vst v63  }
0x6e: {  	_ =	swait.ge [sflag:s17], $0x2780  }
0x6f: {  	[sflag:s17] =	ssyncset.done $0x0  }
0x70: {  	s6 =	simm.s32 @!p0 $0x0;
	s7 =	simm.s32 @!p0 $0xBF00;
	[sflag:s17] =	ssyncadd.s32 $0xFFFFD880  }
0x71: {  	[hbm4b:s13+s6] =	stream.linear.scatter @!p0 [tilespmem:s7], [sflag:$0x9], $0x2780, $0x38;
	[tilespmem:$0x15D10] =	vst v63  }
0x72: {  	_ =	swait.ge [sflag:s23], $0x2800  }
0x73: {  	[sflag:s23] =	ssyncset.done $0x0  }
0x74: {  	[sflag:s23] =	ssyncadd.s32 $0xFFFFD800  }
0x75: {  	_ =	swait.ge [sflag:s25], $0x2800  }
0x76: {  	[sflag:s25] =	ssyncset.done $0x0  }
0x77: {  	[sflag:s25] =	ssyncadd.s32 $0xFFFFD800  }
0x78: {  	s7 =	simm.s32 $0x0;
	[bflag:$0x0] =	sbarrier.arrive $0xFFFF  }
0x79: {  	[tilespmem:s28], [sflag:$0x1] =	stream.indirect.gather [spmem:s3], $0x10, s7, s26, $0xb8;
	[tilespmem:$0x15D10] =	vst v63  }
0x7a: {  	_ = 	snop  }
0x7b: {  	[tilespmem:s29], [sflag:$0x2] =	stream.indirect.gather [spmem:s3], $0x10, s26, s26, $0xb8;
	[tilespmem:$0x15D10] =	vst v63  }
0x7c: {  	s8 =	simm.s32 $0x100  }
0x7d: {  	[tilespmem:s31], [sflag:$0x3] =	stream.indirect.gather [spmem:s3], $0x10, s8, s26, $0xb8;
	[tilespmem:$0x15D10] =	vst v63  }
0x7e: {  	s7 =	simm.s32 $0x180  }
0x7f: {  	[tilespmem:s1], [sflag:$0x4] =	stream.indirect.gather [spmem:s3], $0x10, s7, s26, $0xb8;
	[tilespmem:$0x15D10] =	vst v63  }
0x80: {  	_ =	swait.ge [sflag:s23], $0x800  }
0x81: {  	[sflag:s23] =	ssyncset.done $0x0  }
0x82: {  	s8 =	simm.s32 $0x2800;
	[sflag:s23] =	ssyncadd.s32 $0xFFFFF800  }
0x83: {  	[spmem:s4] =	stream.indirect.scatter.add.f32 [tilespmem:s28], [sflag:$0x5], $0x10, s8, s26, $0xb8;
	[tilespmem:$0x15D10] =	vst v63  }
0x84: {  	_ =	swait.ge [sflag:s0], $0x800  }
0x85: {  	[sflag:s0] =	ssyncset.done $0x0  }
0x86: {  	s7 =	simm.s32 $0x200;
	[sflag:s0] =	ssyncadd.s32 $0xFFFFF800  }
0x87: {  	[tilespmem:s28], [sflag:$0x1] =	stream.indirect.gather [spmem:s3], $0x10, s7, s26, $0xb8;
	[tilespmem:$0x15D10] =	vst v63  }
0x88: {  	_ =	swait.ge [sflag:s25], $0x800  }
0x89: {  	[sflag:s25] =	ssyncset.done $0x0  }
0x8a: {  	s8 =	simm.s32 $0x2880;
	[sflag:s25] =	ssyncadd.s32 $0xFFFFF800  }
0x8b: {  	[spmem:s4] =	stream.indirect.scatter.add.f32 [tilespmem:s29], [sflag:$0x6], $0x10, s8, s26, $0xb8;
	[tilespmem:$0x15D10] =	vst v63  }
0x8c: {  	_ =	swait.ge [sflag:s15], $0x800  }
0x8d: {  	[sflag:s15] =	ssyncset.done $0x0  }
0x8e: {  	s7 =	simm.s32 $0x280;
	[sflag:s15] =	ssyncadd.s32 $0xFFFFF800  }
0x8f: {  	[tilespmem:s29], [sflag:$0x2] =	stream.indirect.gather [spmem:s3], $0x10, s7, s26, $0xb8;
	[tilespmem:$0x15D10] =	vst v63  }
0x90: {  	_ =	swait.ge [sflag:s19], $0x800  }
0x91: {  	[sflag:s19] =	ssyncset.done $0x0  }
0x92: {  	s8 =	simm.s32 $0x2900;
	[sflag:s19] =	ssyncadd.s32 $0xFFFFF800  }
0x93: {  	[spmem:s4] =	stream.indirect.scatter.add.f32 [tilespmem:s31], [sflag:$0x7], $0x10, s8, s26, $0xb8;
	[tilespmem:$0x15D10] =	vst v63  }
0x94: {  	_ =	swait.ge [sflag:s21], $0x800  }
0x95: {  	[sflag:s21] =	ssyncset.done $0x0  }
0x96: {  	s7 =	simm.s32 $0x300;
	[sflag:s21] =	ssyncadd.s32 $0xFFFFF800  }
0x97: {  	[tilespmem:s31], [sflag:$0x3] =	stream.indirect.gather [spmem:s3], $0x10, s7, s26, $0xb8;
	[tilespmem:$0x15D10] =	vst v63  }
0x98: {  	_ =	swait.ge [sflag:s22], $0x800  }
0x99: {  	[sflag:s22] =	ssyncset.done $0x0  }
0x9a: {  	s8 =	simm.s32 $0x2980;
	[sflag:s22] =	ssyncadd.s32 $0xFFFFF800  }
0x9b: {  	[spmem:s4] =	stream.indirect.scatter.add.f32 [tilespmem:s1], [sflag:$0x8], $0x10, s8, s26, $0xb8;
	[tilespmem:$0x15D10] =	vst v63  }
0x9c: {  	_ =	swait.ge [sflag:s30], $0x800  }
0x9d: {  	[sflag:s30] =	ssyncset.done $0x0  }
0x9e: {  	s6 =	simm.s32 $0x800;
	s7 =	simm.s32 $0x380;
	[sflag:s30] =	ssyncadd.s32 $0xFFFFF800  }
.LBB2_4:
0x9f: {  	[tilespmem:s1], [sflag:$0x4] =	stream.indirect.gather [spmem:s3], $0x10, s7, s26, $0xb8;
	[tilespmem:$0x15D10] =	vst v63  }
0xa0: {  	s7 =	smov.u32 s6  }
0xa1: {  	p1 =	sne.s32 s6, $0x9000;
	s6 =	sadd.s32 $0x800, s6;
	_ =	swait.ge [sflag:s23], $0x800  }
0xa2: {  	s7 =	sshra.s32 s7, $0x2;
	[sflag:s23] =	ssyncset.done $0x0  }
0xa3: {  	s8 =	sadd.s32 $0x2800, s7;
	[sflag:s23] =	ssyncadd.s32 $0xFFFFF800  }
0xa4: {  	[spmem:s4] =	stream.indirect.scatter.add.f32 [tilespmem:s28], [sflag:$0x5], $0x10, s8, s26, $0xb8;
	[tilespmem:$0x15D10] =	vst v63  }
0xa5: {  	_ =	swait.ge [sflag:s0], $0x800  }
0xa6: {  	[sflag:s0] =	ssyncset.done $0x0  }
0xa7: {  	s8 =	sadd.s32 $0x200, s7;
	[sflag:s0] =	ssyncadd.s32 $0xFFFFF800  }
0xa8: {  	[tilespmem:s28], [sflag:$0x1] =	stream.indirect.gather [spmem:s3], $0x10, s8, s26, $0xb8;
	[tilespmem:$0x15D10] =	vst v63  }
0xa9: {  	_ =	swait.ge [sflag:s25], $0x800  }
0xaa: {  	[sflag:s25] =	ssyncset.done $0x0  }
0xab: {  	s8 =	sadd.s32 $0x2880, s7;
	[sflag:s25] =	ssyncadd.s32 $0xFFFFF800  }
0xac: {  	[spmem:s4] =	stream.indirect.scatter.add.f32 [tilespmem:s29], [sflag:$0x6], $0x10, s8, s26, $0xb8;
	[tilespmem:$0x15D10] =	vst v63  }
0xad: {  	_ =	swait.ge [sflag:s15], $0x800  }
0xae: {  	[sflag:s15] =	ssyncset.done $0x0  }
0xaf: {  	s8 =	sadd.s32 $0x280, s7;
	[sflag:s15] =	ssyncadd.s32 $0xFFFFF800  }
0xb0: {  	[tilespmem:s29], [sflag:$0x2] =	stream.indirect.gather [spmem:s3], $0x10, s8, s26, $0xb8;
	[tilespmem:$0x15D10] =	vst v63  }
0xb1: {  	_ =	swait.ge [sflag:s19], $0x800  }
0xb2: {  	[sflag:s19] =	ssyncset.done $0x0  }
0xb3: {  	s8 =	sadd.s32 $0x2900, s7;
	[sflag:s19] =	ssyncadd.s32 $0xFFFFF800  }
0xb4: {  	[spmem:s4] =	stream.indirect.scatter.add.f32 [tilespmem:s31], [sflag:$0x7], $0x10, s8, s26, $0xb8;
	[tilespmem:$0x15D10] =	vst v63  }
0xb5: {  	_ =	swait.ge [sflag:s21], $0x800  }
0xb6: {  	[sflag:s21] =	ssyncset.done $0x0  }
0xb7: {  	s8 =	sadd.s32 $0x300, s7;
	[sflag:s21] =	ssyncadd.s32 $0xFFFFF800  }
0xb8: {  	[tilespmem:s31], [sflag:$0x3] =	stream.indirect.gather [spmem:s3], $0x10, s8, s26, $0xb8;
	[tilespmem:$0x15D10] =	vst v63  }
0xb9: {  	_ =	swait.ge [sflag:s22], $0x800  }
0xba: {  	[sflag:s22] =	ssyncset.done $0x0  }
.Ltmp1:
0xbb: {  	s8 =	sadd.s32 $0x2980, s7;
	[sflag:s22] =	ssyncadd.s32 $0xFFFFF800;
	(pc) =	sbr.rel @p1 .LBB2_4-.Ltmp1, $4  }
0xbc: {  	[spmem:s4] =	stream.indirect.scatter.add.f32 [tilespmem:s1], [sflag:$0x8], $0x10, s8, s26, $0xb8;
	[tilespmem:$0x15D10] =	vst v63  }
0xbd: {  	_ =	swait.ge [sflag:s30], $0x800  }
0xbe: {  	[sflag:s30] =	ssyncset.done $0x0  }
0xbf: {  	s7 =	sadd.s32 $0x380, s7;
	[sflag:s30] =	ssyncadd.s32 $0xFFFFF800  }
0xc0: {  	[tilespmem:s1], [sflag:$0x4] =	stream.indirect.gather [spmem:s3], $0x10, s7, s26, $0xb8;
	[tilespmem:$0x15D10] =	vst v63  }
0xc1: {  	_ =	swait.ge [sflag:s23], $0x800  }
0xc2: {  	[sflag:s23] =	ssyncset.done $0x0  }
0xc3: {  	s6 =	simm.s32 $0x4E00;
	[sflag:s23] =	ssyncadd.s32 $0xFFFFF800  }
0xc4: {  	[spmem:s4] =	stream.indirect.scatter.add.f32 [tilespmem:s28], [sflag:$0xA], $0x10, s6, s26, $0xb8;
	[tilespmem:$0x15D10] =	vst v63  }
0xc5: {  	_ =	swait.ge [sflag:s17], $0x800  }
0xc6: {  	[sflag:s17] =	ssyncset.done $0x0  }
0xc7: {  	[sflag:s17] =	ssyncadd.s32 $0xFFFFF800  }
0xc8: {  	_ =	swait.ge [sflag:s25], $0x800  }
0xc9: {  	[sflag:s25] =	ssyncset.done $0x0  }
0xca: {  	s8 =	simm.s32 $0x4E80;
	[sflag:s25] =	ssyncadd.s32 $0xFFFFF800  }
0xcb: {  	[spmem:s4] =	stream.indirect.scatter.add.f32 [tilespmem:s29], [sflag:$0xA], $0x10, s8, s26, $0xb8;
	[tilespmem:$0x15D10] =	vst v63  }
0xcc: {  	_ =	swait.ge [sflag:s17], $0x800  }
0xcd: {  	[sflag:s17] =	ssyncset.done $0x0  }
0xce: {  	[sflag:s17] =	ssyncadd.s32 $0xFFFFF800  }
0xcf: {  	_ =	swait.ge [sflag:s19], $0x800  }
0xd0: {  	[sflag:s19] =	ssyncset.done $0x0  }
0xd1: {  	s7 =	simm.s32 $0x4F00;
	[sflag:s19] =	ssyncadd.s32 $0xFFFFF800  }
0xd2: {  	[spmem:s4] =	stream.indirect.scatter.add.f32 [tilespmem:s31], [sflag:$0xA], $0x10, s7, s26, $0xb8;
	[tilespmem:$0x15D10] =	vst v63  }
0xd3: {  	_ =	swait.ge [sflag:s17], $0x800  }
0xd4: {  	[sflag:s17] =	ssyncset.done $0x0  }
0xd5: {  	[sflag:s17] =	ssyncadd.s32 $0xFFFFF800  }
0xd6: {  	_ =	swait.ge [sflag:s22], $0x800  }
0xd7: {  	[sflag:s22] =	ssyncset.done $0x0  }
0xd8: {  	s8 =	simm.s32 $0x4F80;
	[sflag:s22] =	ssyncadd.s32 $0xFFFFF800  }
0xd9: {  	[spmem:s4] =	stream.indirect.scatter.add.f32 [tilespmem:s1], [sflag:$0xA], $0x10, s8, s26, $0xb8;
	[tilespmem:$0x15D10] =	vst v63  }
0xda: {  	_ =	swait.ge [sflag:s17], $0x800  }
0xdb: {  	[sflag:s17] =	ssyncset.done $0x0  }
0xdc: {  	s6 =	simm.s32 @!p0 $0x9;
	[sflag:s17] =	ssyncadd.s32 $0xFFFFF800  }
0xdd: {  	s2 =	sadd.s32 $0x1, s2;
	_ =	swait.ge @!p0 [sflag:s6], $0x2780  }
0xde: {  	p1 =	sne.s32 s2, s14;
	s7 =	stileid.u32;
	[sflag:s6] =	ssyncset.done @!p0 $0x0  }
0xdf: {  	s8 =	sshrl.u32 s12, $0x3;
	[sflag:s6] =	ssyncadd.s32 @!p0 $0xFFFFD880;
	s6 =	sshll.u32 s7, $0x6  }
.Ltmp2:
0xe0: {  	[bflag:$0x0] =	sbarrier.arrive $0xFFFF;
	s6 =	sor.u32 $0x1C0A, s6;
	(pc) =	sbr.rel @p1 .LBB2_1-.Ltmp2, $4  }
0xe1: {  	[hbm:s24], [sflag:s6] =	dma.local [spmem:s8], $0x4F0  }
0xe2: {  	_ =	swait.ge [sflag:s17], $0x4F0  }
0xe3: {  	[sflag:s17] =	ssyncset.done $0x0  }
0xe4: {  	[sflag:s17] =	ssyncadd.s32 $0xFFFFFB10  }
0xe5: {  	_ =	sfence.sel $0x180000  }
0xe6: {  	[bflag:$0x0] =	sbarrier.arrive $0xFFFF  }
0xe7: {  	_ =	strace $0x9000004D  }
0xe8: {  	s0 =	stileid.u32;
	[bflag:$0x2] =	sbarrier.arrive $0xFFFF  }
0xe9: {  	p0 =	sne.s32 s0, $0x0;
	s0 =	rddreg [dreg:$0x5]  }
0xea: {  	s0 =	sadd.s32 @!p0 $0x100000, s0  }
0xeb: {  	[sflag:s0] =	ssyncadd.tile.s32 @!p0 $0x1;
	_ =	shalt  }
.Lfunc_end2:
_tile_overlayer_lowered:
.L_overlay_start_2:
0xec: {  	(tag) =	ssettag $0x2  }
0xed: {  	s0 =	rddreg [dreg:$0x0];
	s2 =	stileid.u32  }
0xee: {  	s1 =	rddreg [dreg:$0x1];
	p0 =	sne.s32 s2, $0x0  }
0xef: {  	s3 =	rddreg [dreg:$0x2];
	[bflag:$0x3] =	sbarrier.arrive $0xFFFF;
	s2 =	simm.s32 @!p0 $0x1C0A  }
0xf0: {  	[timem:s3], [sflag:s2] =	dma.local @!p0 [hbm:s0], s1  }
0xf1: {  	s0 =	simm.s32 @!p0 $0xA  }
0xf2: {  	_ =	swait.ge @!p0 [sflag:s0], s1  }
0xf3: {  	s1 =	ssub.s32 @!p0 $0x0, s1;
	[sflag:s0] =	ssyncset.done @!p0 $0x0  }
0xf4: {  	[sflag:s0] =	ssyncadd.s32 @!p0 s1  }
0xf5: {  	[bflag:$0x3] =	sbarrier.arrive $0xFFFF  }
0xf6: {  	_ =	shalt  }

// kernel: kernel.7.cloned.1.call-start
scs
__scs_entry_jumppad:
0x0: {  	(pc) =	sbr.rel $0x88, $3  }
0x1: {  	(tag) =	ssettag $0x0;
	lr =	simm.s32 $0x1  }
0x2: {  	[smem:$0x3F9B] =	sst lr;
	_ =	strace $0xD0000000  }
0x3: {  	_ = 	snop  }
0x4: {  	_ = 	snop  }
0x5: {  	_ = 	snop  }
0x6: {  	_ = 	snop  }
0x7: {  	_ = 	snop  }
__scs_overlays_trampoline_lowered:
0x8: {  	[smem:$0x3FAA] =	sst s0  }
0x9: {  	[smem:$0x3FAB] =	sst s1  }
0xa: {  	[smem:$0x3FAC] =	sst s2  }
0xb: {  	[smem:$0x3FAD] =	sst s3  }
0xc: {  	[smem:$0x3FAE] =	sst s4  }
0xd: {  	[smem:$0x3FAF] =	sst s5  }
0xe: {  	[smem:$0x3FB0] =	sst s6  }
0xf: {  	[smem:$0x3FB1] =	sst s7  }
0x10: {  	[smem:$0x3FB2] =	sst s8  }
0x11: {  	[smem:$0x3FB3] =	sst s9;
	s0 =	simm.s32 @!p0 $0x0  }
0x12: {  	s1 =	sld [smem:$0x3F99];
	s0 =	simm.s32 @p0 $0x1  }
0x13: {  	[smem:$0x3FB4] =	sst s0;
	s0 =	simm.s32 @!p1 $0x0  }
0x14: {  	s2 =	sld [smem:$0x3F98];
	s0 =	simm.s32 @p1 $0x1  }
0x15: {  	[smem:$0x3FB5] =	sst s0;
	s0 =	simm.s32 @!p2 $0x0  }
0x16: {  	s3 =	sld [smem:$0x3FDB];
	s0 =	simm.s32 @p2 $0x1  }
0x17: {  	s4 =	simm.s32 $0x1BF5;
	[smem:$0x3FB7] =	sst s0  }
0x18: {  	s0 =	sld [smem:$0x3F9A];
	_ =	swait.ge [sflag:s4], $0x0  }
0x19: {  	s7 =	sld [smem:$0x3F9B]  }
0x1a: {  	s8 =	sadd.s32 $0xFFFFE003, lr  }
0x1b: {  	s9 =	sadd.s32 $0xFFFFFEF7, lr;
	s5 =	simm.s32 $0xFFFFFFFF;
	p2 =	slt.u32 s8, $0xFFFFF086  }
0x1c: {  	p1 =	slt.u32 s9, $0xF7A;
	s5 =	simm.s32 @!p2 $0x0  }
0x1d: {  	s5 =	simm.s32 @p1 $0x1;
	p0 =	seq.s32 s7, s2  }
0x1e: {  	s7 =	smul.u32 @!p0 $0xF7A, s2;
	p2 =	seq.s32 @!p0 s5, $0x0  }
0x1f: {  	s9 =	smul.u32 $0xF7A, s1;
	s8 =	simm.s32 @!p0 $0x1BF5;
	p2 =	por !p2, p0  }
0x20: {  	[sflag:s8] =	ssyncset.s32 @!p0 $0xFFFFF086;
	s6 =	sadd.s32 @!p0 s3, s7;
	s7 =	simm.s32 @!p0 $0x108  }
0x21: {  	s3 =	sadd.s32 s3, s9;
	s6 =	sadd.s32 @!p0 $0x88, s6;
	s7 =	simm.s32 @p2 $0x1082  }
0x22: {  	[simem:s7], [sflag:s8] =	dma.local @!p0 [hbm:s6], $0xF7A  }
0x23: {  	s9 =	sor.u32 $0xD0000000, s2;
	s6 =	simm.s32 $0x108;
	_ =	swait.ge @!p0 [sflag:s8], $0x0  }
0x24: {  	s3 =	sadd.s32 $0x88, s3;
	s6 =	simm.s32 @!p1 $0x1082;
	[sflag:s4] =	ssyncset.s32 $0xFFFFF086  }
0x25: {  	[simem:s6], [sflag:s4] =	dma.local [hbm:s3], $0xF7A  }
0x26: {  	[smem:$0x3F9B] =	sst s1;
	(tag) =	ssettag s2;
	_ =	strace s9  }
0x27: {  	s1 =	sld [smem:$0x3FAB]  }
0x28: {  	s2 =	sld [smem:$0x3FAC]  }
0x29: {  	s4 =	sld [smem:$0x3FAE]  }
0x2a: {  	p0 =	seq.s32 s5, $0x0;
	s5 =	sld [smem:$0x3FAF]  }
0x2b: {  	s6 =	sld [smem:$0x3FB0]  }
0x2c: {  	s7 =	sld [smem:$0x3FB1]  }
0x2d: {  	s3 =	simm.s32 $0x108;
	s8 =	sld [smem:$0x3FB2]  }
0x2e: {  	s3 =	simm.s32 @!p0 $0x1082;
	s9 =	sld [smem:$0x3FB3]  }
0x2f: {  	lr =	sadd.s32 s0, s3;
	s0 =	sld [smem:$0x3FAA]  }
0x30: {  	s3 =	sld [smem:$0x3FAD]  }
0x31: {  	[smem:$0x3FB6] =	sst s10  }
0x32: {  	s10 =	sld [smem:$0x3FB4];
	_ =	sdelay $0x3  }
0x33: {  	p0 =	seq.s32 s10, $0x1;
	s10 =	sld [smem:$0x3FB6];
	_ =	sdelay $0x3  }
0x34: {  	[smem:$0x3FB6] =	sst s10  }
0x35: {  	s10 =	sld [smem:$0x3FB5];
	_ =	sdelay $0x3  }
0x36: {  	p1 =	seq.s32 s10, $0x1;
	s10 =	sld [smem:$0x3FB6];
	_ =	sdelay $0x3  }
0x37: {  	[smem:$0x3FB6] =	sst s10  }
0x38: {  	s10 =	sld [smem:$0x3FB7]  }
0x39: {  	_ = 	snop;
	(pc) =	sbr.ind lr, $3  }
0x3a: {  	_ = 	snop  }
0x3b: {  	_ = 	snop  }
0x3c: {  	p2 =	seq.s32 s10, $0x1;
	s10 =	sld [smem:$0x3FB6]  }
0x3d: {  	_ =	shalt  }
0x3e: {  	_ =	shalt  }
0x3f: {  	_ =	shalt  }
0x40: {  	_ =	shalt  }
0x41: {  	_ =	shalt  }
0x42: {  	_ =	shalt  }
0x43: {  	_ =	shalt  }
0x44: {  	_ =	shalt  }
0x45: {  	_ =	shalt  }
0x46: {  	_ =	shalt  }
0x47: {  	_ =	shalt  }
0x48: {  	_ =	shalt  }
0x49: {  	_ =	shalt  }
0x4a: {  	_ =	shalt  }
0x4b: {  	_ =	shalt  }
0x4c: {  	_ =	shalt  }
0x4d: {  	_ =	shalt  }
0x4e: {  	_ =	shalt  }
0x4f: {  	_ =	shalt  }
0x50: {  	_ =	shalt  }
0x51: {  	_ =	shalt  }
0x52: {  	_ =	shalt  }
0x53: {  	_ =	shalt  }
0x54: {  	_ =	shalt  }
0x55: {  	_ =	shalt  }
0x56: {  	_ =	shalt  }
0x57: {  	_ =	shalt  }
0x58: {  	_ =	shalt  }
0x59: {  	_ =	shalt  }
0x5a: {  	_ =	shalt  }
0x5b: {  	_ =	shalt  }
0x5c: {  	_ =	shalt  }
0x5d: {  	_ =	shalt  }
0x5e: {  	_ =	shalt  }
0x5f: {  	_ =	shalt  }
0x60: {  	_ =	shalt  }
0x61: {  	_ =	shalt  }
0x62: {  	_ =	shalt  }
0x63: {  	_ =	shalt  }
0x64: {  	_ =	shalt  }
0x65: {  	_ =	shalt  }
0x66: {  	_ =	shalt  }
0x67: {  	_ =	shalt  }
0x68: {  	_ =	shalt  }
0x69: {  	_ =	shalt  }
0x6a: {  	_ =	shalt  }
0x6b: {  	_ =	shalt  }
0x6c: {  	_ =	shalt  }
0x6d: {  	_ =	shalt  }
0x6e: {  	_ =	shalt  }
0x6f: {  	_ =	shalt  }
0x70: {  	_ =	shalt  }
0x71: {  	_ =	shalt  }
0x72: {  	_ =	shalt  }
0x73: {  	_ =	shalt  }
0x74: {  	_ =	shalt  }
0x75: {  	_ =	shalt  }
0x76: {  	_ =	shalt  }
0x77: {  	_ =	shalt  }
0x78: {  	_ =	shalt  }
0x79: {  	_ =	shalt  }
0x7a: {  	_ =	shalt  }
0x7b: {  	_ =	shalt  }
0x7c: {  	_ =	shalt  }
0x7d: {  	_ =	shalt  }
0x7e: {  	_ =	shalt  }
0x7f: {  	_ =	shalt  }
0x80: {  	_ =	shalt  }
0x81: {  	_ =	shalt  }
0x82: {  	_ =	shalt  }
0x83: {  	_ =	shalt  }
0x84: {  	_ =	shalt  }
0x85: {  	_ =	shalt  }
0x86: {  	_ =	shalt  }
0x87: {  	_ =	shalt  }
.Lfunc_end0:
.L_simem_size_0:
called_computation_lowered:
.L_overlay_start_0:
0x88: {  	s2 =	sld [smem:$0x3FD9]  }
0x89: {  	s3 =	sld [smem:$0x3FFE];
	_ =	sdelay $0x1  }
0x8a: {  	s1 =	srdreg.scid  }
0x8b: {  	s0 =	sand.u32 $0x1, s1  }
0x8c: {  	s16 =	sshll.u32 s0, $0xA;
	s2 =	sadd.s32 s3, s2  }
0x8d: {  	s2 =	sadd.s32 s2, s16  }
0x8e: {  	[smem:$0x3FC2] =	sst s2  }
0x8f: {  	_ = 	snop  }
0x90: {  	(tm) =	ssettm $0x1  }
0x91: {  	s17 =	sld [smem:$0x3FFB];
	_ =	sdelay $0x3  }
0x92: {  	_ =	strace s17  }
0x93: {  	s2 =	sld [smem:$0x3FFC];
	_ =	sdelay $0x3  }
0x94: {  	_ =	strace s2  }
0x95: {  	s2 =	sld [smem:$0x3FFD];
	_ =	sdelay $0x3  }
0x96: {  	_ =	strace s2  }
0x97: {  	_ =	strace $0x8FFFFFFF  }
0x98: {  	s18 =	sld [smem:$0x3FDB];
	_ =	sdelay $0x1  }
0x99: {  	s19 =	simm.s32 $_scs_section_size  }
0x9a: {  	s4 =	simm.s32 $_size__tile_overlayer_lowered;
	s5 =	simm.s32 $_tile_overlayer_lowered  }
0x9b: {  	s22 =	simm.s32 $0x1BFF;
	s21 =	sshll.u32 s5, $0x1;
	s2 =	sadd.s32 s19, s18  }
0x9c: {  	s6 =	simm.s32 $0x0;
	s20 =	sshll.u32 s4, $0x1;
	s4 =	sadd.s32 s21, s2  }
0x9d: {  	[timem:s6], [sflag:s22] =	dma.local [hbm:s4], s20  }
0x9e: {  	_ =	swait.ge [sflag:s22], s20  }
0x9f: {  	s3 =	ssub.s32 $0x0, s20;
	[sflag:s22] =	ssyncset.done $0x0  }
0xa0: {  	[sflag:s22] =	ssyncadd.s32 s3;
	_ =	sdelay $0x1  }
0xa1: {  	s23 =	simm.s32 $0x1B8B  }
0xa2: {  	_ =	swait.ge [sflag:s23], $0x1  }
0xa3: {  	[sflag:s23] =	ssyncset.done $0x0  }
0xa4: {  	s25 =	simm.s32 $0x1B8E;
	s24 =	sld [smem:$0x3FFE];
	[sflag:s23] =	ssyncadd.s32 $0xFFFFFFFF  }
0xa5: {  	s26 =	simm.s32 $execute0_lowered;
	[smem:$0x3FD2] =	sst s25  }
0xa6: {  	s4 =	sshll.u32 s26, $0x1;
	_ =	strace $0x80000046;
	[dreg:$0x1] =	wrdreg $0xFFFFFFFF  }
0xa7: {  	s28 =	simm.s32 $_size_execute0_lowered;
	s2 =	sadd.s32 s2, s4;
	[dreg:$0x0] =	wrdreg $0x0  }
0xa8: {  	s4 =	sshll.u32 s28, $0x1;
	[dreg:$0x2] =	wrdreg s2  }
0xa9: {  	[dreg:$0x3] =	wrdreg s4  }
0xaa: {  	[dreg:$0x4] =	wrdreg $0xC0  }
0xab: {  	_ =	task [dreg:s6], $0x5FFFF  }
0xac: {  	[dreg:$0x1] =	wrdreg $0xFFFFFFFF  }
0xad: {  	[dreg:$0x0] =	wrdreg $0x60  }
0xae: {  	[dreg:$0x2] =	wrdreg s24  }
0xaf: {  	[dreg:$0x3] =	wrdreg $0x57800  }
0xb0: {  	[dreg:$0x4] =	wrdreg $0x9  }
0xb1: {  	_ =	task.clear_ibuf [dreg:s6], $0x5FFFF;
	_ =	strace $0x90000046  }
0xb2: {  	s29 =	simm.s32 $0x9;
	_ =	strace $0x80000048  }
0xb3: {  	_ =	swait.ge [sflag:s29], $0x1  }
0xb4: {  	[sflag:s29] =	ssyncadd.s32 $0xFFFFFFFF  }
0xb5: {  	_ =	strace $0x90000048  }
0xb6: {  	_ =	sfence  }
0xb7: {  	s30 =	sld [smem:$0x0];
	_ =	sdelay $0x2  }
0xb8: {  	s31 =	sshll.u32 s1, $0xD;
	s1 =	sshrl.u32 s1, $0x2  }
0xb9: {  	s3 =	sand.u32 $0x4000, s31;
	s1 =	sadd.s32 s1, s30  }
0xba: {  	s0 =	sor.u32 s3, s0;
	s1 =	sshll.u32 s1, $0x11  }
0xbb: {  	s0 =	sor.u32 s1, s0  }
0xbc: {  	s0 =	sadd.s32 $0x8F2B, s0  }
0xbd: {  	[sflag:s0] =	ssyncadd.remote.s32 $0x1  }
0xbe: {  	_ =	sfence.sel $0xFFFF  }
0xbf: {  	[dreg:$0x0] =	wrdreg $0xFFFFFFFF;
	(pc) =	sbr.abs _section_cstart, $3  }
0xc0: {  	[dreg:$0x1] =	wrdreg $0xFFFFFFFF  }
0xc1: {  	_ =	task.clear_ibuf [dreg:s6], $0x2FFFF;
	_ =	strace $0x9FFFFFFF  }
0xc2: {  	(tm) =	ssettm $0x7FFFFFFF  }
0xc3: {  	_ =	shalt  }
tec
execute0_lowered:
.L_overlay_start_1:
0x0: {  	(tag) =	ssettag $0x1  }
0x1: {  	s1 =	srdreg.scid  }
0x2: {  	s0 =	stileid.u32;
	s4 =	rddreg [dreg:$0x0]  }
0x3: {  	s2 =	rddreg [dreg:$0x1];
	s3 =	simm.s32 $0x0;
	s10 =	simm.s32 $0x2800  }
0x4: {  	s11 =	simm.s32 $0x1;
	s5 =	sand.u32 $0x1, s1;
	s1 =	rddreg [dreg:$0x2]  }
0x5: {  	s30 =	sshll.u32 s0, $0x1;
	[smem:$0x7FF] =	sst s3;
	s8 =	smul.u32 $0x2780, s0  }
0x6: {  	s14 =	sshll.u32 s0, $0x6;
	s6 =	sor.u32 s5, s30;
	s7 =	smul.u32 $0x4F00, s5  }
0x7: {  	_ =	strace $0x80000047;
	s5 =	ssub.s32 $0x2, s5;
	s6 =	smul.u32 $0x500, s6  }
0x8: {  	s31 =	sshrl.u32 s5, $0x1;
	s13 =	sshrl.u32 s8, $0x3;
	s7 =	sadd.s32 s7, s4  }
0x9: {  	s9 =	ssub.s32 s5, s31;
	s6 =	sadd.s32 s6, s4;
	s4 =	sadd.s32 s8, s2  }
0xa: {  	s12 =	sadd.s32 $0xBE00, s7;
	s7 =	simm.s32 $0x3000;
	s8 =	simm.s32 $0x2  }
0xb: {  	s5 =	sadd.s32 $0x1E00, s6;
	s6 =	smax.u32 s9, $0x1;
	s9 =	simm.s32 $0x80  }
0xc: {  	v0 =	vimm.f32 $1.000000000e+00;
	v1 =	vimm.f32 $0.0e+00;
	s12 =	sadd.s32 s13, s12;
	s13 =	sor.u32 $0x1C02, s14;
	s14 =	sshrl.u32 s4, $0x3  }
.LBB2_1:
0xd: {  	s15 =	simm.s32 $0x0  }
.LBB2_2:
0xe: {  	p0 =	sne.s32 s15, $0x1FC0  }
.Ltmp0:
0xf: {  	_ = 	snop;
	(pc) =	sbr.rel @p0 .LBB2_2-.Ltmp0, $3  }
0x10: {  	_ =	sdelay $0x1  }
0x11: {  	s16 =	sshra.s32 s15, $0x2  }
0x12: {  	s15 =	sadd.s32 $0x40, s15;
	[tilespmem:s16+$0x2800] =	vst v0  }
0x13: {  	s15 =	simm.s32 $0x40;
	s16 =	simm.s32 $0x0  }
.LBB2_4:
0x14: {  	p0 =	sne.s32 s15, $0x9DC0;
	[tilespmem:s16+$0x3000] =	vst v1;
	s16 =	smov.u32 s15;
	s15 =	sadd.s32 $0x40, s15  }
.Ltmp1:
0x15: {  	(pc) =	sbr.rel @p0 .LBB2_4-.Ltmp1, $2  }
0x16: {  	_ =	sdelay $0x2  }
0x17: {  	s16 =	sshra.s32 s16, $0x2  }
0x18: {  	[tilespmem:s16+$0x3000] =	vst v1  }
0x19: {  	[spmem:s4] =	stream.linear.scatter [tilespmem:s7], [sflag:$0x2], $0x2780, $0x38;
	[tilespmem:$0x7F00] =	vst v63  }
0x1a: {  	_ =	swait.ge [sflag:s8], $0x2780  }
0x1b: {  	[sflag:s8] =	ssyncset.done $0x0  }
0x1c: {  	[sflag:s8] =	ssyncadd.s32 $0xFFFFD880  }
0x1d: {  	s15 =	simm.s32 $0x0;
	[bflag:$0x0] =	sbarrier.arrive $0xFFFF  }
0x1e: {  	[tilespmem:s15], [sflag:$0x2] =	stream.linear.gather [hbm4b:s5+s15], $0x2800, $0x38;
	[tilespmem:$0x7F00] =	vst v63  }
0x1f: {  	_ =	swait.ge [sflag:s8], $0x2800  }
0x20: {  	[sflag:s8] =	ssyncset.done $0x0  }
0x21: {  	[sflag:s8] =	ssyncadd.s32 $0xFFFFD800  }
.LBB2_6:
0x22: {  	p0 =	sne.s32 s15, $0x9E00  }
.Ltmp2:
0x23: {  	_ = 	snop;
	(pc) =	sbr.rel @p0 .LBB2_6-.Ltmp2, $3  }
0x24: {  	_ =	sdelay $0x1  }
0x25: {  	s16 =	sshra.s32 s15, $0x2;
	s15 =	sadd.s32 $0x200, s15  }
0x26: {  	[spmem:s2] =	stream.indirect.scatter.add.f32 [tilespmem:s10], [sflag:$0x1], $0x10, s16, s9, $0xb8;
	[tilespmem:$0x7F00] =	vst v63  }
0x27: {  	_ =	swait.ge [sflag:s11], $0x800  }
0x28: {  	s15 =	simm.s32 $0x4F;
	[sflag:s11] =	ssyncset.done $0x0  }
.LBB2_8:
0x29: {  	p0 =	sne.s32 s15, $0x1;
	s15 =	sadd.s32 $0xFFFFFFFF, s15;
	[sflag:s11] =	ssyncadd.s32 $0xFFFFF800  }
.Ltmp3:
0x2a: {  	(pc) =	sbr.rel @p0 .LBB2_8-.Ltmp3, $3  }
0x2b: {  	_ =	sdelay $0x1  }
0x2c: {  	_ =	swait.ge [sflag:s11], $0x800  }
0x2d: {  	[sflag:s11] =	ssyncset.done $0x0  }
0x2e: {  	s3 =	sadd.s32 $0x1, s3  }
0x2f: {  	[sflag:s11] =	ssyncadd.s32 $0xFFFFF800;
	p0 =	sne.s32 s3, s6  }
.Ltmp4:
0x30: {  	[bflag:$0x0] =	sbarrier.arrive $0xFFFF;
	(pc) =	sbr.rel @p0 .LBB2_1-.Ltmp4, $4  }
0x31: {  	[hbm:s12], [sflag:s13] =	dma.local [spmem:s14], $0x4F0  }
0x32: {  	_ =	swait.ge [sflag:s8], $0x4F0  }
0x33: {  	[sflag:s8] =	ssyncset.done $0x0  }
0x34: {  	[sflag:s8] =	ssyncadd.s32 $0xFFFFFB10  }
0x35: {  	_ =	sfence.sel $0x180000  }
0x36: {  	[bflag:$0x0] =	sbarrier.arrive $0xFFFF  }
0x37: {  	p0 =	sne.s32 s0, $0x0;
	_ =	strace $0x90000047  }
0x38: {  	s0 =	sadd.s32 @!p0 $0x100000, s1;
	[bflag:$0x2] =	sbarrier.arrive $0xFFFF  }
0x39: {  	[sflag:s0] =	ssyncadd.tile.s32 @!p0 $0x1;
	_ =	shalt  }
.Lfunc_end2:
_tile_overlayer_lowered:
.L_overlay_start_2:
0x3a: {  	(tag) =	ssettag $0x2  }
0x3b: {  	s0 =	rddreg [dreg:$0x0];
	s2 =	stileid.u32  }
0x3c: {  	s1 =	rddreg [dreg:$0x1];
	p0 =	sne.s32 s2, $0x0  }
0x3d: {  	s3 =	rddreg [dreg:$0x2];
	[bflag:$0x3] =	sbarrier.arrive $0xFFFF;
	s2 =	simm.s32 @!p0 $0x1C02  }
0x3e: {  	[timem:s3], [sflag:s2] =	dma.local @!p0 [hbm:s0], s1  }
0x3f: {  	s0 =	simm.s32 @!p0 $0x2  }
0x40: {  	_ =	swait.ge @!p0 [sflag:s0], s1  }
0x41: {  	s1 =	ssub.s32 @!p0 $0x0, s1;
	[sflag:s0] =	ssyncset.done @!p0 $0x0  }
0x42: {  	[sflag:s0] =	ssyncadd.s32 @!p0 s1  }
0x43: {  	[bflag:$0x3] =	sbarrier.arrive $0xFFFF  }
0x44: {  	_ =	shalt  }

</sc_bundles>
